<compile_context>
chip_gen: v7x
topology: tpu7x:2x2x1
jax: 0.10.2.dev20260603
libtpu: 0.0.44.dev20260713+nightly
codegen_flags: <defaults>
</compile_context>

<pallas_src>
import functools

import jax
import jax.numpy as jnp
from jax import lax
from jax.experimental import pallas as pl
from jax.experimental.pallas import tpu as pltpu
from jax.experimental.pallas import tpu_sc as plsc

N = 10000
D = 128
E = 320000
NC, NS = 2, 16
NW = NC * NS
B = 125
EPT = E // NS
NB = 164
PADE = NB * B - EPT
BH = 1024
NBH = 20
PADH = NBH * BH - EPT

NPH = 4
RBASE = (0, 2512, 5024, 7536)
RSIZE = (2512, 2512, 2512, 2464)
TRASH = 2512
NACC = 2520
RPE = 152

NACCH = N + 16
RPH = 624

_MESH = plsc.VectorSubcoreMesh(
    core_axis_name="c", subcore_axis_name="s", num_cores=NC, num_subcores=NS)



@functools.partial(
    pl.kernel,
    out_type=jax.ShapeDtypeStruct((NC * N,), jnp.float32),
    mesh=_MESH,
    scratch_types=[
        pltpu.VMEM((NBH * BH,), jnp.int32),
        pltpu.VMEM((BH,), jnp.float32),
        pltpu.VMEM((RPH,), jnp.float32),
        pltpu.VMEM_SHARED((NACCH,), jnp.float32),
    ],
)
def _sc_hist(dst_hbm, ones_hbm, zeros_hbm, out_hbm, idx_v, ones_v, buf_v,
             acc_sh):
    c = lax.axis_index("c")
    s = lax.axis_index("s")
    w = c * NS + s
    pltpu.sync_copy(ones_hbm, ones_v)
    pltpu.sync_copy(dst_hbm.at[w], idx_v)
    pltpu.sync_copy(zeros_hbm, buf_v)
    pltpu.sync_copy(buf_v, acc_sh.at[pl.ds(s * RPH, RPH)])

    @pl.when(s == 0)
    def _():
        pltpu.sync_copy(buf_v.at[pl.ds(0, NACCH - NS * RPH)],
                        acc_sh.at[pl.ds(NS * RPH, NACCH - NS * RPH)])

    plsc.subcore_barrier()

    def bat(j, carry):
        o = pl.multiple_of(j * BH, BH)
        pltpu.sync_copy(ones_v, acc_sh.at[idx_v.at[pl.ds(o, BH)]], add=True)
        return carry

    lax.fori_loop(0, NBH, bat, 0)
    plsc.subcore_barrier()
    pltpu.sync_copy(acc_sh.at[pl.ds(s * RPH, RPH)], buf_v)
    pltpu.sync_copy(buf_v, out_hbm.at[pl.ds(c * N + s * RPH, RPH)])

    @pl.when(s == 0)
    def _():
        pltpu.sync_copy(acc_sh.at[pl.ds(NS * RPH, N - NS * RPH)],
                        buf_v.at[pl.ds(0, N - NS * RPH)])
        pltpu.sync_copy(buf_v.at[pl.ds(0, N - NS * RPH)],
                        out_hbm.at[pl.ds(c * N + NS * RPH, N - NS * RPH)])


@functools.partial(
    pl.kernel,
    out_type=jax.ShapeDtypeStruct((NC * N, D), jnp.float32),
    mesh=_MESH,
    scratch_types=[
        pltpu.VMEM((NB, B), jnp.int32),
        pltpu.VMEM((NB, B), jnp.int32),
        pltpu.VMEM((B, D), jnp.float32),
        pltpu.VMEM((RPE, D), jnp.float32),
        pltpu.VMEM_SHARED((NACC, D), jnp.float32),
        pltpu.SemaphoreType.DMA((2,)),
    ],
)
def _sc_edges(tab_hbm, src_hbm, d0_hbm, d1_hbm, d2_hbm, d3_hbm, zeros_hbm,
              out_hbm, si_v, di_v, rows_v, buf_v, acc_sh, sems):
    c = lax.axis_index("c")
    s = lax.axis_index("s")
    w = c * NS + s
    pltpu.sync_copy(src_hbm.at[w], si_v)

    for rr, d_hbm in enumerate((d0_hbm, d1_hbm, d2_hbm, d3_hbm)):
        tailw = RSIZE[rr] - NS * RPE
        pltpu.sync_copy(d_hbm.at[w], di_v)
        pltpu.sync_copy(zeros_hbm, buf_v)
        pltpu.sync_copy(buf_v, acc_sh.at[pl.ds(s * RPE, RPE)])

        @pl.when(s == 0)
        def _():
            pltpu.sync_copy(buf_v.at[pl.ds(0, NACC - NS * RPE)],
                            acc_sh.at[pl.ds(NS * RPE, NACC - NS * RPE)])

        plsc.subcore_barrier()

        def bat(j, carry):
            pltpu.async_copy(tab_hbm.at[si_v.at[j]], rows_v,
                             sems.at[0]).wait()
            pltpu.sync_copy(rows_v, acc_sh.at[di_v.at[j]], add=True)
            return carry

        lax.fori_loop(0, NB, bat, 0)
        plsc.subcore_barrier()
        base = c * N + RBASE[rr]
        pltpu.sync_copy(acc_sh.at[pl.ds(s * RPE, RPE)], buf_v)
        pltpu.sync_copy(buf_v, out_hbm.at[pl.ds(base + s * RPE, RPE)])

        if tailw:
            @pl.when(s == 0)
            def _():
                pltpu.sync_copy(acc_sh.at[pl.ds(NS * RPE, tailw)],
                                buf_v.at[pl.ds(0, tailw)])
                pltpu.sync_copy(buf_v.at[pl.ds(0, tailw)],
                                out_hbm.at[pl.ds(base + NS * RPE, tailw)])

        if rr < NPH - 1:
            plsc.subcore_barrier()



_RBLK = 2000


def _mm_body(xp, xd, wpp, wtd, wpr, btd, bpr, h1, h2, x3):
    xpv = xp[...]
    h1[...] = jnp.dot(xpv, wpp[...], preferred_element_type=jnp.float32)
    h2[...] = jnp.dot(xd[...], wtd[...], preferred_element_type=jnp.float32) + btd[...]
    x3[...] = jnp.dot(xpv, wpr[...], preferred_element_type=jnp.float32) + bpr[...]


def _tc_mm(xp, xd, wpp, wtd, wpr, btd, bpr):
    g = N // _RBLK
    row = pl.BlockSpec((_RBLK, D), lambda i: (i, 0))
    full = pl.BlockSpec((D, D), lambda i: (0, 0))
    bias = pl.BlockSpec((1, D), lambda i: (0, 0))
    return pl.pallas_call(
        _mm_body,
        grid=(g,),
        in_specs=[row, row, full, full, full, bias, bias],
        out_specs=[row, row, row],
        out_shape=[jax.ShapeDtypeStruct((N, D), jnp.float32)] * 3,
    )(xp, xd, wpp, wtd, wpr, btd, bpr)


def _scale_body(h1, h2, hist, tab, dis):
    deg = hist[...] + 1.0
    d = lax.rsqrt(deg)
    tab[0] = h1[...] * d
    tab[1] = h2[...]
    dis[...] = d


def _tc_scale(h1, h2, hist_p):
    g = N // _RBLK
    row = pl.BlockSpec((_RBLK, D), lambda i: (i, 0))
    return pl.pallas_call(
        _scale_body,
        grid=(g,),
        in_specs=[row, row, pl.BlockSpec((_RBLK, 1), lambda i: (i, 0))],
        out_specs=[pl.BlockSpec((2, _RBLK, D), lambda i: (0, i, 0)),
                   pl.BlockSpec((_RBLK, 1), lambda i: (i, 0))],
        out_shape=[jax.ShapeDtypeStruct((2, N, D), jnp.float32),
                   jax.ShapeDtypeStruct((N, 1), jnp.float32)],
    )(h1, h2, hist_p)


def _final_body(acc, tab, x3, dis, hist_d, bpp, out):
    a = acc[...]
    p = a[0]
    sm = a[1]
    gx = tab[0]
    cnt = hist_d[...]
    x1 = dis[...] * (p + gx) + bpp[...]
    x2 = sm / jnp.maximum(cnt, 1.0)
    y = x1 + x2 + x3[...] + 1e-6
    m = jnp.mean(y, axis=-1, keepdims=True)
    yc = y - m
    v = jnp.mean(yc * yc, axis=-1, keepdims=True)
    out[...] = yc * lax.rsqrt(v + 1e-5)


def _tc_final(acc, tab, x3, dis, hist_d, bpp):
    g = N // _RBLK
    row = pl.BlockSpec((_RBLK, D), lambda i: (i, 0))
    return pl.pallas_call(
        _final_body,
        grid=(g,),
        in_specs=[pl.BlockSpec((2, _RBLK, D), lambda i: (0, i, 0)),
                  pl.BlockSpec((1, _RBLK, D), lambda i: (0, i, 0)),
                  row,
                  pl.BlockSpec((_RBLK, 1), lambda i: (i, 0)),
                  pl.BlockSpec((_RBLK, 1), lambda i: (i, 0)),
                  pl.BlockSpec((1, D), lambda i: (0, 0))],
        out_specs=row,
        out_shape=jax.ShapeDtypeStruct((N, D), jnp.float32),
    )(acc, tab, x3, dis, hist_d, bpp)



def kernel(x_prot, x_drug, ppi_edge_index, dti_edge_index, ddi_edge_index,
           W_pp, b_pp, W_td, b_td, W_pr, b_pr):
    del ddi_edge_index
    src2 = jnp.concatenate(
        [ppi_edge_index[0], dti_edge_index[0] + N]).reshape(NW, EPT)
    dst2 = jnp.concatenate(
        [ppi_edge_index[1], dti_edge_index[1]]).reshape(NW, EPT)
    src_all = jnp.pad(src2, ((0, 0), (0, PADE))).reshape(NW, NB, B)
    dst_pad = jnp.pad(dst2, ((0, 0), (0, PADE)), constant_values=-1)
    dst_h = jnp.pad(dst2, ((0, 0), (0, PADH)), constant_values=N)
    dsts = [jnp.where((dst_pad >= RBASE[rr]) & (dst_pad < RBASE[rr] + RSIZE[rr]),
                      dst_pad - RBASE[rr], TRASH).reshape(NW, NB, B)
            for rr in range(NPH)]
    ones1 = jnp.ones((BH,), jnp.float32)
    zeros1 = jnp.zeros((RPH,), jnp.float32)
    zeros128 = jnp.zeros((RPE, D), jnp.float32)

    hist = _sc_hist(dst_h, ones1, zeros1)[:, None]
    h1, h2, x3 = _tc_mm(x_prot, x_drug, W_pp, W_td, W_pr,
                        b_td.reshape(1, D), b_pr.reshape(1, D))
    tab, dis = _tc_scale(h1, h2, hist[:N])
    acc = _sc_edges(tab.reshape(NC * N, D), src_all, *dsts, zeros128)
    return _tc_final(acc.reshape(2, N, D), tab, x3, dis, hist[N:],
                     b_pp.reshape(1, D))

# --- scband reference (transcript-rebuilt; emitter-appended) ---
"""Pipeline reference for scband-rela-graph-node-update-2302102471104 (READ-ONLY COPY).

The authoritative reference and input builder live on the scoring server;
editing this copy changes nothing except your own understanding.
"""

import jax, jax.numpy as jnp
import numpy as np

N_PROT = 10000
N_DRUG = 10000
E_PPI = 320000
E_DTI = 320000
E_DDI = 320000
D_IN = 128
D_OUT = 128


def setup_inputs(seed: int = 0) -> dict:
    key = jax.random.key(seed)
    ks = jax.random.split(key, 12)
    x_prot = jax.random.normal(ks[0], (N_PROT, D_IN), jnp.float32)
    x_drug = jax.random.normal(ks[1], (N_DRUG, D_IN), jnp.float32)
    ppi_edge_index = jax.random.randint(ks[2], (2, E_PPI), 0, N_PROT, jnp.int32)
    dti_edge_index = jax.random.randint(ks[3], (2, E_DTI), 0, N_PROT, jnp.int32)  # row0: drug idx, row1: prot idx (both < 10000)
    ddi_edge_index = jax.random.randint(ks[4], (2, E_DDI), 0, N_DRUG, jnp.int32)
    s = (1.0 / np.sqrt(D_IN)).astype(np.float32) if hasattr(np.sqrt(D_IN), 'astype') else 1.0 / np.sqrt(D_IN)
    s = 1.0 / float(np.sqrt(D_IN))
    W_pp = jax.random.uniform(ks[5], (D_IN, D_OUT), jnp.float32, -s, s)
    b_pp = jnp.zeros((D_OUT,), jnp.float32)
    W_td = jax.random.uniform(ks[6], (D_IN, D_OUT), jnp.float32, -s, s)
    b_td = jax.random.uniform(ks[7], (D_OUT,), jnp.float32, -s, s)
    W_pr = jax.random.uniform(ks[8], (D_IN, D_OUT), jnp.float32, -s, s)
    b_pr = jax.random.uniform(ks[9], (D_OUT,), jnp.float32, -s, s)
    return {"x_prot": x_prot, "x_drug": x_drug,
            "ppi_edge_index": ppi_edge_index, "dti_edge_index": dti_edge_index,
            "ddi_edge_index": ddi_edge_index,
            "W_pp": W_pp, "b_pp": b_pp, "W_td": W_td, "b_td": b_td,
            "W_pr": W_pr, "b_pr": b_pr}


def _gcn_conv(x, edge_index, W, b, num_nodes):
    # PyG GCNConv: h = X W; add self loops; symmetric normalization; scatter-add; + bias
    h = x @ W
    loop = jnp.arange(num_nodes, dtype=edge_index.dtype)
    src = jnp.concatenate([edge_index[0], loop])
    dst = jnp.concatenate([edge_index[1], loop])
    deg = jnp.zeros((num_nodes,), h.dtype).at[dst].add(1.0)
    dis = jnp.where(deg > 0, jax.lax.rsqrt(jnp.maximum(deg, 1e-12)), 0.0)
    norm = dis[src] * dis[dst]
    msg = h[src] * norm[:, None]
    out = jnp.zeros((num_nodes, h.shape[1]), h.dtype).at[dst].add(msg)
    return out + b


def _scatter_mean(vals, idx, dim_size):
    s = jnp.zeros((dim_size, vals.shape[1]), vals.dtype).at[idx].add(vals)
    cnt = jnp.zeros((dim_size,), vals.dtype).at[idx].add(1.0)
    return s / jnp.clip(cnt, 1.0, None)[:, None]


def _layer_norm(x, eps=1e-5):
    m = jnp.mean(x, axis=-1, keepdims=True)
    v = jnp.var(x, axis=-1, keepdims=True)
    return (x - m) * jax.lax.rsqrt(v + eps)


def reference(x_prot, x_drug, ppi_edge_index, dti_edge_index, ddi_edge_index,
              W_pp, b_pp, W_td, b_td, W_pr, b_pr):
    # node == 'protein' branch
    protein_num = x_prot.shape[0]
    x1 = _gcn_conv(x_prot, ppi_edge_index, W_pp, b_pp, protein_num)
    x2 = _scatter_mean((x_drug @ W_td + b_td)[dti_edge_index[0]], dti_edge_index[1], protein_num)
    x3 = x_prot @ W_pr + b_pr
    return _layer_norm(x1 + x2 + x3 + 1e-06)

if __name__ == "__main__":
    import jax
    _d = setup_inputs()
    print(jax.jit(kernel)(*tuple(_d.values())))

</pallas_src>

<mosaic_0001>
#map = affine_map<(d0, d1) -> (0, 0)>
#map1 = affine_map<(d0, d1) -> (0)>
module attributes {stable_mosaic.version = 14 : i64} {
  func.func @_sc_hist(%arg0: i32, %arg1: i32, %arg2: memref<32x20480xi32, #tpu.memory_space<hbm>>, %arg3: memref<1024xf32, #tpu.memory_space<hbm>>, %arg4: memref<624xf32, #tpu.memory_space<hbm>>, %arg5: memref<20000xf32, #tpu.memory_space<hbm>>, %arg6: memref<20480xi32, #tpu.memory_space<vmem>>, %arg7: memref<1024xf32, #tpu.memory_space<vmem>>, %arg8: memref<624xf32, #tpu.memory_space<vmem>>, %arg9: memref<10016xf32, #tpu.memory_space<vmem_shared>>) attributes {dimension_semantics = [#tpu.dimension_semantics<core_parallel>, #tpu.dimension_semantics<subcore_parallel>], iteration_bounds = array<i64: 2, 16>, scalar_prefetch = 0 : i64, scratch_operands = 4 : i64, tpu.core_type = #tpu.core_type<sc_vector_subcore>, window_params = [{transform_indices = #map}, {transform_indices = #map1}, {transform_indices = #map1}, {transform_indices = #map1}]} {
    %mul3A = arith.constant 16 : i32
    %mul3A_0 = arith.muli %arg0, %mul3A : i32
    %add3A = arith.addi %mul3A_0, %arg1 : i32
    "tpu.region"() ({
      %run_scoped3A = tpu.sem_alloc : memref<!tpu.dma_semaphore, #tpu.memory_space<semaphore_mem>>
      tpu.enqueue_dma source(%arg3 : memref<1024xf32, #tpu.memory_space<hbm>>) target(%arg7 : memref<1024xf32, #tpu.memory_space<vmem>>) target_semaphore(%run_scoped3A : memref<!tpu.dma_semaphore, #tpu.memory_space<semaphore_mem>>)
      tpu.wait_dma2 semaphore(%run_scoped3A : memref<!tpu.dma_semaphore, #tpu.memory_space<semaphore_mem>>) src(%arg3 : memref<1024xf32, #tpu.memory_space<hbm>>) dst(%arg7 : memref<1024xf32, #tpu.memory_space<vmem>>)
      tpu.yield
    }) : () -> ()
    "tpu.region"() ({
      %run_scoped3A = tpu.sem_alloc : memref<!tpu.dma_semaphore, #tpu.memory_space<semaphore_mem>>
      %dma_start3A = arith.constant 0 : i32
      %dma_start3A_23 = tpu.memref_slice %arg2[%add3A, %dma_start3A] : memref<32x20480xi32, #tpu.memory_space<hbm>> -> memref<1x20480xi32, #tpu.memory_space<hbm>>
      %dma_start3A_24 = tpu.memref_squeeze %dma_start3A_23 : memref<1x20480xi32, #tpu.memory_space<hbm>> -> memref<20480xi32, #tpu.memory_space<hbm>>
      %dma_start3A_25 = arith.constant 0 : i32
      %dma_start3A_26 = tpu.memref_slice %arg2[%add3A, %dma_start3A_25] : memref<32x20480xi32, #tpu.memory_space<hbm>> -> memref<1x20480xi32, #tpu.memory_space<hbm>>
      %dma_start3A_27 = tpu.memref_squeeze %dma_start3A_26 : memref<1x20480xi32, #tpu.memory_space<hbm>> -> memref<20480xi32, #tpu.memory_space<hbm>>
      tpu.enqueue_dma source(%dma_start3A_27 : memref<20480xi32, #tpu.memory_space<hbm>>) target(%arg6 : memref<20480xi32, #tpu.memory_space<vmem>>) target_semaphore(%run_scoped3A : memref<!tpu.dma_semaphore, #tpu.memory_space<semaphore_mem>>)
      %dma_wait3A = arith.constant 0 : i32
      %dma_wait3A_28 = tpu.memref_slice %arg2[%add3A, %dma_wait3A] : memref<32x20480xi32, #tpu.memory_space<hbm>> -> memref<1x20480xi32, #tpu.memory_space<hbm>>
      %dma_wait3A_29 = tpu.memref_squeeze %dma_wait3A_28 : memref<1x20480xi32, #tpu.memory_space<hbm>> -> memref<20480xi32, #tpu.memory_space<hbm>>
      %dma_wait3A_30 = arith.constant 0 : i32
      %dma_wait3A_31 = tpu.memref_slice %arg2[%add3A, %dma_wait3A_30] : memref<32x20480xi32, #tpu.memory_space<hbm>> -> memref<1x20480xi32, #tpu.memory_space<hbm>>
      %dma_wait3A_32 = tpu.memref_squeeze %dma_wait3A_31 : memref<1x20480xi32, #tpu.memory_space<hbm>> -> memref<20480xi32, #tpu.memory_space<hbm>>
      tpu.wait_dma2 semaphore(%run_scoped3A : memref<!tpu.dma_semaphore, #tpu.memory_space<semaphore_mem>>) src(%dma_wait3A_32 : memref<20480xi32, #tpu.memory_space<hbm>>) dst(%arg6 : memref<20480xi32, #tpu.memory_space<vmem>>)
      tpu.yield
    }) : () -> ()
    "tpu.region"() ({
      %run_scoped3A = tpu.sem_alloc : memref<!tpu.dma_semaphore, #tpu.memory_space<semaphore_mem>>
      tpu.enqueue_dma source(%arg4 : memref<624xf32, #tpu.memory_space<hbm>>) target(%arg8 : memref<624xf32, #tpu.memory_space<vmem>>) target_semaphore(%run_scoped3A : memref<!tpu.dma_semaphore, #tpu.memory_space<semaphore_mem>>)
      tpu.wait_dma2 semaphore(%run_scoped3A : memref<!tpu.dma_semaphore, #tpu.memory_space<semaphore_mem>>) src(%arg4 : memref<624xf32, #tpu.memory_space<hbm>>) dst(%arg8 : memref<624xf32, #tpu.memory_space<vmem>>)
      tpu.yield
    }) : () -> ()
    %mul3A_1 = arith.constant 624 : i32
    %mul3A_2 = arith.muli %arg1, %mul3A_1 : i32
    "tpu.region"() ({
      %run_scoped3A = tpu.sem_alloc : memref<!tpu.dma_semaphore, #tpu.memory_space<semaphore_mem>>
      %dma_start3A = tpu.memref_slice %arg9[%mul3A_2] : memref<10016xf32, #tpu.memory_space<vmem_shared>> -> memref<624xf32, #tpu.memory_space<vmem_shared>>
      %dma_start3A_23 = tpu.memref_slice %arg9[%mul3A_2] : memref<10016xf32, #tpu.memory_space<vmem_shared>> -> memref<624xf32, #tpu.memory_space<vmem_shared>>
      tpu.enqueue_dma source(%arg8 : memref<624xf32, #tpu.memory_space<vmem>>) target(%dma_start3A_23 : memref<624xf32, #tpu.memory_space<vmem_shared>>) target_semaphore(%run_scoped3A : memref<!tpu.dma_semaphore, #tpu.memory_space<semaphore_mem>>)
      %dma_wait3A = tpu.memref_slice %arg9[%mul3A_2] : memref<10016xf32, #tpu.memory_space<vmem_shared>> -> memref<624xf32, #tpu.memory_space<vmem_shared>>
      %dma_wait3A_24 = tpu.memref_slice %arg9[%mul3A_2] : memref<10016xf32, #tpu.memory_space<vmem_shared>> -> memref<624xf32, #tpu.memory_space<vmem_shared>>
      tpu.wait_dma2 semaphore(%run_scoped3A : memref<!tpu.dma_semaphore, #tpu.memory_space<semaphore_mem>>) src(%arg8 : memref<624xf32, #tpu.memory_space<vmem>>) dst(%dma_wait3A_24 : memref<624xf32, #tpu.memory_space<vmem_shared>>)
      tpu.yield
    }) : () -> ()
    %eq3A = arith.constant 0 : i32
    %eq3A_3 = arith.cmpi eq, %arg1, %eq3A : i32
    %convert_element_type3A = arith.extui %eq3A_3 : i1 to i32
    %cond3A = arith.constant 0 : i32
    %cond3A_4 = arith.cmpi ne, %convert_element_type3A, %cond3A : i32
    scf.if %cond3A_4 {
      "tpu.region"() ({
        %run_scoped3A = tpu.sem_alloc : memref<!tpu.dma_semaphore, #tpu.memory_space<semaphore_mem>>
        %dma_start3A = arith.constant 0 : i32
        %dma_start3A_23 = tpu.memref_slice %arg8[%dma_start3A] : memref<624xf32, #tpu.memory_space<vmem>> -> memref<32xf32, #tpu.memory_space<vmem>>
        %dma_start3A_24 = arith.constant 9984 : i32
        %dma_start3A_25 = tpu.memref_slice %arg9[%dma_start3A_24] : memref<10016xf32, #tpu.memory_space<vmem_shared>> -> memref<32xf32, #tpu.memory_space<vmem_shared>>
        %dma_start3A_26 = arith.constant 9984 : i32
        %dma_start3A_27 = tpu.memref_slice %arg9[%dma_start3A_26] : memref<10016xf32, #tpu.memory_space<vmem_shared>> -> memref<32xf32, #tpu.memory_space<vmem_shared>>
        %dma_start3A_28 = arith.constant 0 : i32
        %dma_start3A_29 = tpu.memref_slice %arg8[%dma_start3A_28] : memref<624xf32, #tpu.memory_space<vmem>> -> memref<32xf32, #tpu.memory_space<vmem>>
        tpu.enqueue_dma source(%dma_start3A_29 : memref<32xf32, #tpu.memory_space<vmem>>) target(%dma_start3A_27 : memref<32xf32, #tpu.memory_space<vmem_shared>>) target_semaphore(%run_scoped3A : memref<!tpu.dma_semaphore, #tpu.memory_space<semaphore_mem>>)
        %dma_wait3A = arith.constant 0 : i32
        %dma_wait3A_30 = tpu.memref_slice %arg8[%dma_wait3A] : memref<624xf32, #tpu.memory_space<vmem>> -> memref<32xf32, #tpu.memory_space<vmem>>
        %dma_wait3A_31 = arith.constant 9984 : i32
        %dma_wait3A_32 = tpu.memref_slice %arg9[%dma_wait3A_31] : memref<10016xf32, #tpu.memory_space<vmem_shared>> -> memref<32xf32, #tpu.memory_space<vmem_shared>>
        %dma_wait3A_33 = arith.constant 9984 : i32
        %dma_wait3A_34 = tpu.memref_slice %arg9[%dma_wait3A_33] : memref<10016xf32, #tpu.memory_space<vmem_shared>> -> memref<32xf32, #tpu.memory_space<vmem_shared>>
        %dma_wait3A_35 = arith.constant 0 : i32
        %dma_wait3A_36 = tpu.memref_slice %arg8[%dma_wait3A_35] : memref<624xf32, #tpu.memory_space<vmem>> -> memref<32xf32, #tpu.memory_space<vmem>>
        tpu.wait_dma2 semaphore(%run_scoped3A : memref<!tpu.dma_semaphore, #tpu.memory_space<semaphore_mem>>) src(%dma_wait3A_36 : memref<32xf32, #tpu.memory_space<vmem>>) dst(%dma_wait3A_34 : memref<32xf32, #tpu.memory_space<vmem_shared>>)
        tpu.yield
      }) : () -> ()
    } else {
    }
    %barrier3A = arith.constant 0 : index
    tpu.barrier barrier_id(%barrier3A)
    %scan3A = arith.constant 0 : i32
    %scan3A_5 = arith.constant 0 : i32
    %scan3A_6 = arith.constant 20 : i32
    %scan3A_7 = arith.addi %scan3A_5, %scan3A_6 : i32
    %scan3A_8 = arith.constant 1 : i32
    scf.for %scan3A_23 = %scan3A_5 to %scan3A_7 step %scan3A_8  : i32 {
      %mul3A_24 = arith.constant 1024 : i32
      %mul3A_25 = arith.muli %scan3A_23, %mul3A_24 : i32
      %multiple_of3A = tpu.assume_multiple %mul3A_25, 1024 : i32
      "tpu.region"() ({
        %run_scoped3A = tpu.sem_alloc : memref<!tpu.dma_semaphore, #tpu.memory_space<semaphore_mem>>
        %dma_start3A = tpu.memref_slice %arg6[%multiple_of3A] : memref<20480xi32, #tpu.memory_space<vmem>> -> memref<1024xi32, #tpu.memory_space<vmem>>
        %dma_start3A_26 = arith.constant 0 : i32
        %dma_start3A_27 = tpu.memref_slice %arg9[%dma_start3A_26] : memref<10016xf32, #tpu.memory_space<vmem_shared>> -> memref<10016xf32, #tpu.memory_space<vmem_shared>>
        tpu.enqueue_indirect_dma source(%arg7 : memref<1024xf32, #tpu.memory_space<vmem>>) target(%dma_start3A_27 : memref<10016xf32, #tpu.memory_space<vmem_shared>>) offsets(%dma_start3A : memref<1024xi32, #tpu.memory_space<vmem>>) semaphore(%run_scoped3A : memref<!tpu.dma_semaphore, #tpu.memory_space<semaphore_mem>>) {add = true}
        %dma_wait3A = tpu.memref_slice %arg6[%multiple_of3A] : memref<20480xi32, #tpu.memory_space<vmem>> -> memref<1024xi32, #tpu.memory_space<vmem>>
        %dma_wait3A_28 = arith.constant 0 : i32
        %dma_wait3A_29 = tpu.memref_slice %arg9[%dma_wait3A_28] : memref<10016xf32, #tpu.memory_space<vmem_shared>> -> memref<10016xf32, #tpu.memory_space<vmem_shared>>
        tpu.wait_indirect_dma semaphore(%run_scoped3A : memref<!tpu.dma_semaphore, #tpu.memory_space<semaphore_mem>>) src(%arg7 : memref<1024xf32, #tpu.memory_space<vmem>>) dst(%dma_wait3A_29 : memref<10016xf32, #tpu.memory_space<vmem_shared>>)
        tpu.yield
      }) : () -> ()
    }
    %scan3A_9 = arith.constant 20 : i32
    %barrier3A_10 = arith.constant 0 : index
    tpu.barrier barrier_id(%barrier3A_10)
    %mul3A_11 = arith.constant 624 : i32
    %mul3A_12 = arith.muli %arg1, %mul3A_11 : i32
    "tpu.region"() ({
      %run_scoped3A = tpu.sem_alloc : memref<!tpu.dma_semaphore, #tpu.memory_space<semaphore_mem>>
      %dma_start3A = tpu.memref_slice %arg9[%mul3A_12] : memref<10016xf32, #tpu.memory_space<vmem_shared>> -> memref<624xf32, #tpu.memory_space<vmem_shared>>
      %dma_start3A_23 = tpu.memref_slice %arg9[%mul3A_12] : memref<10016xf32, #tpu.memory_space<vmem_shared>> -> memref<624xf32, #tpu.memory_space<vmem_shared>>
      tpu.enqueue_dma source(%dma_start3A_23 : memref<624xf32, #tpu.memory_space<vmem_shared>>) target(%arg8 : memref<624xf32, #tpu.memory_space<vmem>>) target_semaphore(%run_scoped3A : memref<!tpu.dma_semaphore, #tpu.memory_space<semaphore_mem>>)
      %dma_wait3A = tpu.memref_slice %arg9[%mul3A_12] : memref<10016xf32, #tpu.memory_space<vmem_shared>> -> memref<624xf32, #tpu.memory_space<vmem_shared>>
      %dma_wait3A_24 = tpu.memref_slice %arg9[%mul3A_12] : memref<10016xf32, #tpu.memory_space<vmem_shared>> -> memref<624xf32, #tpu.memory_space<vmem_shared>>
      tpu.wait_dma2 semaphore(%run_scoped3A : memref<!tpu.dma_semaphore, #tpu.memory_space<semaphore_mem>>) src(%dma_wait3A_24 : memref<624xf32, #tpu.memory_space<vmem_shared>>) dst(%arg8 : memref<624xf32, #tpu.memory_space<vmem>>)
      tpu.yield
    }) : () -> ()
    %mul3A_13 = arith.constant 10000 : i32
    %mul3A_14 = arith.muli %arg0, %mul3A_13 : i32
    %mul3A_15 = arith.constant 624 : i32
    %mul3A_16 = arith.muli %arg1, %mul3A_15 : i32
    %add3A_17 = arith.addi %mul3A_14, %mul3A_16 : i32
    "tpu.region"() ({
      %run_scoped3A = tpu.sem_alloc : memref<!tpu.dma_semaphore, #tpu.memory_space<semaphore_mem>>
      %dma_start3A = tpu.memref_slice %arg5[%add3A_17] : memref<20000xf32, #tpu.memory_space<hbm>> -> memref<624xf32, #tpu.memory_space<hbm>>
      %dma_start3A_23 = tpu.memref_slice %arg5[%add3A_17] : memref<20000xf32, #tpu.memory_space<hbm>> -> memref<624xf32, #tpu.memory_space<hbm>>
      tpu.enqueue_dma source(%arg8 : memref<624xf32, #tpu.memory_space<vmem>>) target(%dma_start3A_23 : memref<624xf32, #tpu.memory_space<hbm>>) target_semaphore(%run_scoped3A : memref<!tpu.dma_semaphore, #tpu.memory_space<semaphore_mem>>)
      %dma_wait3A = tpu.memref_slice %arg5[%add3A_17] : memref<20000xf32, #tpu.memory_space<hbm>> -> memref<624xf32, #tpu.memory_space<hbm>>
      %dma_wait3A_24 = tpu.memref_slice %arg5[%add3A_17] : memref<20000xf32, #tpu.memory_space<hbm>> -> memref<624xf32, #tpu.memory_space<hbm>>
      tpu.wait_dma2 semaphore(%run_scoped3A : memref<!tpu.dma_semaphore, #tpu.memory_space<semaphore_mem>>) src(%arg8 : memref<624xf32, #tpu.memory_space<vmem>>) dst(%dma_wait3A_24 : memref<624xf32, #tpu.memory_space<hbm>>)
      tpu.yield
    }) : () -> ()
    %eq3A_18 = arith.constant 0 : i32
    %eq3A_19 = arith.cmpi eq, %arg1, %eq3A_18 : i32
    %convert_element_type3A_20 = arith.extui %eq3A_19 : i1 to i32
    %cond3A_21 = arith.constant 0 : i32
    %cond3A_22 = arith.cmpi ne, %convert_element_type3A_20, %cond3A_21 : i32
    scf.if %cond3A_22 {
      "tpu.region"() ({
        %run_scoped3A = tpu.sem_alloc : memref<!tpu.dma_semaphore, #tpu.memory_space<semaphore_mem>>
        %dma_start3A = arith.constant 0 : i32
        %dma_start3A_27 = tpu.memref_slice %arg8[%dma_start3A] : memref<624xf32, #tpu.memory_space<vmem>> -> memref<16xf32, #tpu.memory_space<vmem>>
        %dma_start3A_28 = arith.constant 9984 : i32
        %dma_start3A_29 = tpu.memref_slice %arg9[%dma_start3A_28] : memref<10016xf32, #tpu.memory_space<vmem_shared>> -> memref<16xf32, #tpu.memory_space<vmem_shared>>
        %dma_start3A_30 = arith.constant 0 : i32
        %dma_start3A_31 = tpu.memref_slice %arg8[%dma_start3A_30] : memref<624xf32, #tpu.memory_space<vmem>> -> memref<16xf32, #tpu.memory_space<vmem>>
        %dma_start3A_32 = arith.constant 9984 : i32
        %dma_start3A_33 = tpu.memref_slice %arg9[%dma_start3A_32] : memref<10016xf32, #tpu.memory_space<vmem_shared>> -> memref<16xf32, #tpu.memory_space<vmem_shared>>
        tpu.enqueue_dma source(%dma_start3A_33 : memref<16xf32, #tpu.memory_space<vmem_shared>>) target(%dma_start3A_31 : memref<16xf32, #tpu.memory_space<vmem>>) target_semaphore(%run_scoped3A : memref<!tpu.dma_semaphore, #tpu.memory_space<semaphore_mem>>)
        %dma_wait3A = arith.constant 0 : i32
        %dma_wait3A_34 = tpu.memref_slice %arg8[%dma_wait3A] : memref<624xf32, #tpu.memory_space<vmem>> -> memref<16xf32, #tpu.memory_space<vmem>>
        %dma_wait3A_35 = arith.constant 9984 : i32
        %dma_wait3A_36 = tpu.memref_slice %arg9[%dma_wait3A_35] : memref<10016xf32, #tpu.memory_space<vmem_shared>> -> memref<16xf32, #tpu.memory_space<vmem_shared>>
        %dma_wait3A_37 = arith.constant 0 : i32
        %dma_wait3A_38 = tpu.memref_slice %arg8[%dma_wait3A_37] : memref<624xf32, #tpu.memory_space<vmem>> -> memref<16xf32, #tpu.memory_space<vmem>>
        %dma_wait3A_39 = arith.constant 9984 : i32
        %dma_wait3A_40 = tpu.memref_slice %arg9[%dma_wait3A_39] : memref<10016xf32, #tpu.memory_space<vmem_shared>> -> memref<16xf32, #tpu.memory_space<vmem_shared>>
        tpu.wait_dma2 semaphore(%run_scoped3A : memref<!tpu.dma_semaphore, #tpu.memory_space<semaphore_mem>>) src(%dma_wait3A_40 : memref<16xf32, #tpu.memory_space<vmem_shared>>) dst(%dma_wait3A_38 : memref<16xf32, #tpu.memory_space<vmem>>)
        tpu.yield
      }) : () -> ()
      %mul3A_23 = arith.constant 10000 : i32
      %mul3A_24 = arith.muli %arg0, %mul3A_23 : i32
      %add3A_25 = arith.constant 9984 : i32
      %add3A_26 = arith.addi %mul3A_24, %add3A_25 : i32
      "tpu.region"() ({
        %run_scoped3A = tpu.sem_alloc : memref<!tpu.dma_semaphore, #tpu.memory_space<semaphore_mem>>
        %dma_start3A = arith.constant 0 : i32
        %dma_start3A_27 = tpu.memref_slice %arg8[%dma_start3A] : memref<624xf32, #tpu.memory_space<vmem>> -> memref<16xf32, #tpu.memory_space<vmem>>
        %dma_start3A_28 = tpu.memref_slice %arg5[%add3A_26] : memref<20000xf32, #tpu.memory_space<hbm>> -> memref<16xf32, #tpu.memory_space<hbm>>
        %dma_start3A_29 = tpu.memref_slice %arg5[%add3A_26] : memref<20000xf32, #tpu.memory_space<hbm>> -> memref<16xf32, #tpu.memory_space<hbm>>
        %dma_start3A_30 = arith.constant 0 : i32
        %dma_start3A_31 = tpu.memref_slice %arg8[%dma_start3A_30] : memref<624xf32, #tpu.memory_space<vmem>> -> memref<16xf32, #tpu.memory_space<vmem>>
        tpu.enqueue_dma source(%dma_start3A_31 : memref<16xf32, #tpu.memory_space<vmem>>) target(%dma_start3A_29 : memref<16xf32, #tpu.memory_space<hbm>>) target_semaphore(%run_scoped3A : memref<!tpu.dma_semaphore, #tpu.memory_space<semaphore_mem>>)
        %dma_wait3A = arith.constant 0 : i32
        %dma_wait3A_32 = tpu.memref_slice %arg8[%dma_wait3A] : memref<624xf32, #tpu.memory_space<vmem>> -> memref<16xf32, #tpu.memory_space<vmem>>
        %dma_wait3A_33 = tpu.memref_slice %arg5[%add3A_26] : memref<20000xf32, #tpu.memory_space<hbm>> -> memref<16xf32, #tpu.memory_space<hbm>>
        %dma_wait3A_34 = tpu.memref_slice %arg5[%add3A_26] : memref<20000xf32, #tpu.memory_space<hbm>> -> memref<16xf32, #tpu.memory_space<hbm>>
        %dma_wait3A_35 = arith.constant 0 : i32
        %dma_wait3A_36 = tpu.memref_slice %arg8[%dma_wait3A_35] : memref<624xf32, #tpu.memory_space<vmem>> -> memref<16xf32, #tpu.memory_space<vmem>>
        tpu.wait_dma2 semaphore(%run_scoped3A : memref<!tpu.dma_semaphore, #tpu.memory_space<semaphore_mem>>) src(%dma_wait3A_36 : memref<16xf32, #tpu.memory_space<vmem>>) dst(%dma_wait3A_34 : memref<16xf32, #tpu.memory_space<hbm>>)
        tpu.yield
      }) : () -> ()
    } else {
    }
    return
  }
}

#map = affine_map<(d0, d1) -> (0, 0)>
#map1 = affine_map<(d0, d1) -> (0, 0, 0)>
module attributes {stable_mosaic.version = 14 : i64} {
  func.func @_sc_edges(%arg0: i32, %arg1: i32, %arg2: memref<20000x128xf32, #tpu.memory_space<hbm>>, %arg3: memref<32x164x125xi32, #tpu.memory_space<hbm>>, %arg4: memref<32x164x125xi32, #tpu.memory_space<hbm>>, %arg5: memref<32x164x125xi32, #tpu.memory_space<hbm>>, %arg6: memref<32x164x125xi32, #tpu.memory_space<hbm>>, %arg7: memref<32x164x125xi32, #tpu.memory_space<hbm>>, %arg8: memref<152x128xf32, #tpu.memory_space<hbm>>, %arg9: memref<20000x128xf32, #tpu.memory_space<hbm>>, %arg10: memref<164x125xi32, #tpu.memory_space<vmem>>, %arg11: memref<164x125xi32, #tpu.memory_space<vmem>>, %arg12: memref<125x128xf32, #tpu.memory_space<vmem>>, %arg13: memref<152x128xf32, #tpu.memory_space<vmem>>, %arg14: memref<2520x128xf32, #tpu.memory_space<vmem_shared>>, %arg15: memref<2x!tpu.dma_semaphore, #tpu.memory_space<semaphore_mem>>) attributes {dimension_semantics = [#tpu.dimension_semantics<core_parallel>, #tpu.dimension_semantics<subcore_parallel>], iteration_bounds = array<i64: 2, 16>, scalar_prefetch = 0 : i64, scratch_operands = 6 : i64, tpu.core_type = #tpu.core_type<sc_vector_subcore>, window_params = [{transform_indices = #map}, {transform_indices = #map1}, {transform_indices = #map1}, {transform_indices = #map1}, {transform_indices = #map1}, {transform_indices = #map1}, {transform_indices = #map}, {transform_indices = #map}]} {
    %mul3A = arith.constant 16 : i32
    %mul3A_0 = arith.muli %arg0, %mul3A : i32
    %add3A = arith.addi %mul3A_0, %arg1 : i32
    "tpu.region"() ({
      %run_scoped3A = tpu.sem_alloc : memref<!tpu.dma_semaphore, #tpu.memory_space<semaphore_mem>>
      %dma_start3A = arith.constant 0 : i32
      %dma_start3A_115 = arith.constant 0 : i32
      %dma_start3A_116 = tpu.memref_slice %arg3[%add3A, %dma_start3A, %dma_start3A_115] : memref<32x164x125xi32, #tpu.memory_space<hbm>> -> memref<1x164x125xi32, #tpu.memory_space<hbm>>
      %dma_start3A_117 = tpu.memref_squeeze %dma_start3A_116 : memref<1x164x125xi32, #tpu.memory_space<hbm>> -> memref<164x125xi32, #tpu.memory_space<hbm>>
      %dma_start3A_118 = arith.constant 0 : i32
      %dma_start3A_119 = arith.constant 0 : i32
      %dma_start3A_120 = tpu.memref_slice %arg3[%add3A, %dma_start3A_118, %dma_start3A_119] : memref<32x164x125xi32, #tpu.memory_space<hbm>> -> memref<1x164x125xi32, #tpu.memory_space<hbm>>
      %dma_start3A_121 = tpu.memref_squeeze %dma_start3A_120 : memref<1x164x125xi32, #tpu.memory_space<hbm>> -> memref<164x125xi32, #tpu.memory_space<hbm>>
      tpu.enqueue_dma source(%dma_start3A_121 : memref<164x125xi32, #tpu.memory_space<hbm>>) target(%arg10 : memref<164x125xi32, #tpu.memory_space<vmem>>) target_semaphore(%run_scoped3A : memref<!tpu.dma_semaphore, #tpu.memory_space<semaphore_mem>>)
      %dma_wait3A = arith.constant 0 : i32
      %dma_wait3A_122 = arith.constant 0 : i32
      %dma_wait3A_123 = tpu.memref_slice %arg3[%add3A, %dma_wait3A, %dma_wait3A_122] : memref<32x164x125xi32, #tpu.memory_space<hbm>> -> memref<1x164x125xi32, #tpu.memory_space<hbm>>
      %dma_wait3A_124 = tpu.memref_squeeze %dma_wait3A_123 : memref<1x164x125xi32, #tpu.memory_space<hbm>> -> memref<164x125xi32, #tpu.memory_space<hbm>>
      %dma_wait3A_125 = arith.constant 0 : i32
      %dma_wait3A_126 = arith.constant 0 : i32
      %dma_wait3A_127 = tpu.memref_slice %arg3[%add3A, %dma_wait3A_125, %dma_wait3A_126] : memref<32x164x125xi32, #tpu.memory_space<hbm>> -> memref<1x164x125xi32, #tpu.memory_space<hbm>>
      %dma_wait3A_128 = tpu.memref_squeeze %dma_wait3A_127 : memref<1x164x125xi32, #tpu.memory_space<hbm>> -> memref<164x125xi32, #tpu.memory_space<hbm>>
      tpu.wait_dma2 semaphore(%run_scoped3A : memref<!tpu.dma_semaphore, #tpu.memory_space<semaphore_mem>>) src(%dma_wait3A_128 : memref<164x125xi32, #tpu.memory_space<hbm>>) dst(%arg10 : memref<164x125xi32, #tpu.memory_space<vmem>>)
      tpu.yield
    }) : () -> ()
    "tpu.region"() ({
      %run_scoped3A = tpu.sem_alloc : memref<!tpu.dma_semaphore, #tpu.memory_space<semaphore_mem>>
      %dma_start3A = arith.constant 0 : i32
      %dma_start3A_115 = arith.constant 0 : i32
      %dma_start3A_116 = tpu.memref_slice %arg4[%add3A, %dma_start3A, %dma_start3A_115] : memref<32x164x125xi32, #tpu.memory_space<hbm>> -> memref<1x164x125xi32, #tpu.memory_space<hbm>>
      %dma_start3A_117 = tpu.memref_squeeze %dma_start3A_116 : memref<1x164x125xi32, #tpu.memory_space<hbm>> -> memref<164x125xi32, #tpu.memory_space<hbm>>
      %dma_start3A_118 = arith.constant 0 : i32
      %dma_start3A_119 = arith.constant 0 : i32
      %dma_start3A_120 = tpu.memref_slice %arg4[%add3A, %dma_start3A_118, %dma_start3A_119] : memref<32x164x125xi32, #tpu.memory_space<hbm>> -> memref<1x164x125xi32, #tpu.memory_space<hbm>>
      %dma_start3A_121 = tpu.memref_squeeze %dma_start3A_120 : memref<1x164x125xi32, #tpu.memory_space<hbm>> -> memref<164x125xi32, #tpu.memory_space<hbm>>
      tpu.enqueue_dma source(%dma_start3A_121 : memref<164x125xi32, #tpu.memory_space<hbm>>) target(%arg11 : memref<164x125xi32, #tpu.memory_space<vmem>>) target_semaphore(%run_scoped3A : memref<!tpu.dma_semaphore, #tpu.memory_space<semaphore_mem>>)
      %dma_wait3A = arith.constant 0 : i32
      %dma_wait3A_122 = arith.constant 0 : i32
      %dma_wait3A_123 = tpu.memref_slice %arg4[%add3A, %dma_wait3A, %dma_wait3A_122] : memref<32x164x125xi32, #tpu.memory_space<hbm>> -> memref<1x164x125xi32, #tpu.memory_space<hbm>>
      %dma_wait3A_124 = tpu.memref_squeeze %dma_wait3A_123 : memref<1x164x125xi32, #tpu.memory_space<hbm>> -> memref<164x125xi32, #tpu.memory_space<hbm>>
      %dma_wait3A_125 = arith.constant 0 : i32
      %dma_wait3A_126 = arith.constant 0 : i32
      %dma_wait3A_127 = tpu.memref_slice %arg4[%add3A, %dma_wait3A_125, %dma_wait3A_126] : memref<32x164x125xi32, #tpu.memory_space<hbm>> -> memref<1x164x125xi32, #tpu.memory_space<hbm>>
      %dma_wait3A_128 = tpu.memref_squeeze %dma_wait3A_127 : memref<1x164x125xi32, #tpu.memory_space<hbm>> -> memref<164x125xi32, #tpu.memory_space<hbm>>
      tpu.wait_dma2 semaphore(%run_scoped3A : memref<!tpu.dma_semaphore, #tpu.memory_space<semaphore_mem>>) src(%dma_wait3A_128 : memref<164x125xi32, #tpu.memory_space<hbm>>) dst(%arg11 : memref<164x125xi32, #tpu.memory_space<vmem>>)
      tpu.yield
    }) : () -> ()
    "tpu.region"() ({
      %run_scoped3A = tpu.sem_alloc : memref<!tpu.dma_semaphore, #tpu.memory_space<semaphore_mem>>
      tpu.enqueue_dma source(%arg8 : memref<152x128xf32, #tpu.memory_space<hbm>>) target(%arg13 : memref<152x128xf32, #tpu.memory_space<vmem>>) target_semaphore(%run_scoped3A : memref<!tpu.dma_semaphore, #tpu.memory_space<semaphore_mem>>)
      tpu.wait_dma2 semaphore(%run_scoped3A : memref<!tpu.dma_semaphore, #tpu.memory_space<semaphore_mem>>) src(%arg8 : memref<152x128xf32, #tpu.memory_space<hbm>>) dst(%arg13 : memref<152x128xf32, #tpu.memory_space<vmem>>)
      tpu.yield
    }) : () -> ()
    %mul3A_1 = arith.constant 152 : i32
    %mul3A_2 = arith.muli %arg1, %mul3A_1 : i32
    "tpu.region"() ({
      %run_scoped3A = tpu.sem_alloc : memref<!tpu.dma_semaphore, #tpu.memory_space<semaphore_mem>>
      %dma_start3A = arith.constant 0 : i32
      %dma_start3A_115 = tpu.memref_slice %arg14[%mul3A_2, %dma_start3A] : memref<2520x128xf32, #tpu.memory_space<vmem_shared>> -> memref<152x128xf32, #tpu.memory_space<vmem_shared>>
      %dma_start3A_116 = arith.constant 0 : i32
      %dma_start3A_117 = tpu.memref_slice %arg14[%mul3A_2, %dma_start3A_116] : memref<2520x128xf32, #tpu.memory_space<vmem_shared>> -> memref<152x128xf32, #tpu.memory_space<vmem_shared>>
      tpu.enqueue_dma source(%arg13 : memref<152x128xf32, #tpu.memory_space<vmem>>) target(%dma_start3A_117 : memref<152x128xf32, #tpu.memory_space<vmem_shared>>) target_semaphore(%run_scoped3A : memref<!tpu.dma_semaphore, #tpu.memory_space<semaphore_mem>>)
      %dma_wait3A = arith.constant 0 : i32
      %dma_wait3A_118 = tpu.memref_slice %arg14[%mul3A_2, %dma_wait3A] : memref<2520x128xf32, #tpu.memory_space<vmem_shared>> -> memref<152x128xf32, #tpu.memory_space<vmem_shared>>
      %dma_wait3A_119 = arith.constant 0 : i32
      %dma_wait3A_120 = tpu.memref_slice %arg14[%mul3A_2, %dma_wait3A_119] : memref<2520x128xf32, #tpu.memory_space<vmem_shared>> -> memref<152x128xf32, #tpu.memory_space<vmem_shared>>
      tpu.wait_dma2 semaphore(%run_scoped3A : memref<!tpu.dma_semaphore, #tpu.memory_space<semaphore_mem>>) src(%arg13 : memref<152x128xf32, #tpu.memory_space<vmem>>) dst(%dma_wait3A_120 : memref<152x128xf32, #tpu.memory_space<vmem_shared>>)
      tpu.yield
    }) : () -> ()
    %eq3A = arith.constant 0 : i32
    %eq3A_3 = arith.cmpi eq, %arg1, %eq3A : i32
    %convert_element_type3A = arith.extui %eq3A_3 : i1 to i32
    %cond3A = arith.constant 0 : i32
    %cond3A_4 = arith.cmpi ne, %convert_element_type3A, %cond3A : i32
    scf.if %cond3A_4 {
      "tpu.region"() ({
        %run_scoped3A = tpu.sem_alloc : memref<!tpu.dma_semaphore, #tpu.memory_space<semaphore_mem>>
        %dma_start3A = arith.constant 0 : i32
        %dma_start3A_115 = arith.constant 0 : i32
        %dma_start3A_116 = tpu.memref_slice %arg13[%dma_start3A, %dma_start3A_115] : memref<152x128xf32, #tpu.memory_space<vmem>> -> memref<88x128xf32, #tpu.memory_space<vmem>>
        %dma_start3A_117 = arith.constant 2432 : i32
        %dma_start3A_118 = arith.constant 0 : i32
        %dma_start3A_119 = tpu.memref_slice %arg14[%dma_start3A_117, %dma_start3A_118] : memref<2520x128xf32, #tpu.memory_space<vmem_shared>> -> memref<88x128xf32, #tpu.memory_space<vmem_shared>>
        %dma_start3A_120 = arith.constant 2432 : i32
        %dma_start3A_121 = arith.constant 0 : i32
        %dma_start3A_122 = tpu.memref_slice %arg14[%dma_start3A_120, %dma_start3A_121] : memref<2520x128xf32, #tpu.memory_space<vmem_shared>> -> memref<88x128xf32, #tpu.memory_space<vmem_shared>>
        %dma_start3A_123 = arith.constant 0 : i32
        %dma_start3A_124 = arith.constant 0 : i32
        %dma_start3A_125 = tpu.memref_slice %arg13[%dma_start3A_123, %dma_start3A_124] : memref<152x128xf32, #tpu.memory_space<vmem>> -> memref<88x128xf32, #tpu.memory_space<vmem>>
        tpu.enqueue_dma source(%dma_start3A_125 : memref<88x128xf32, #tpu.memory_space<vmem>>) target(%dma_start3A_122 : memref<88x128xf32, #tpu.memory_space<vmem_shared>>) target_semaphore(%run_scoped3A : memref<!tpu.dma_semaphore, #tpu.memory_space<semaphore_mem>>)
        %dma_wait3A = arith.constant 0 : i32
        %dma_wait3A_126 = arith.constant 0 : i32
        %dma_wait3A_127 = tpu.memref_slice %arg13[%dma_wait3A, %dma_wait3A_126] : memref<152x128xf32, #tpu.memory_space<vmem>> -> memref<88x128xf32, #tpu.memory_space<vmem>>
        %dma_wait3A_128 = arith.constant 2432 : i32
        %dma_wait3A_129 = arith.constant 0 : i32
        %dma_wait3A_130 = tpu.memref_slice %arg14[%dma_wait3A_128, %dma_wait3A_129] : memref<2520x128xf32, #tpu.memory_space<vmem_shared>> -> memref<88x128xf32, #tpu.memory_space<vmem_shared>>
        %dma_wait3A_131 = arith.constant 2432 : i32
        %dma_wait3A_132 = arith.constant 0 : i32
        %dma_wait3A_133 = tpu.memref_slice %arg14[%dma_wait3A_131, %dma_wait3A_132] : memref<2520x128xf32, #tpu.memory_space<vmem_shared>> -> memref<88x128xf32, #tpu.memory_space<vmem_shared>>
        %dma_wait3A_134 = arith.constant 0 : i32
        %dma_wait3A_135 = arith.constant 0 : i32
        %dma_wait3A_136 = tpu.memref_slice %arg13[%dma_wait3A_134, %dma_wait3A_135] : memref<152x128xf32, #tpu.memory_space<vmem>> -> memref<88x128xf32, #tpu.memory_space<vmem>>
        tpu.wait_dma2 semaphore(%run_scoped3A : memref<!tpu.dma_semaphore, #tpu.memory_space<semaphore_mem>>) src(%dma_wait3A_136 : memref<88x128xf32, #tpu.memory_space<vmem>>) dst(%dma_wait3A_133 : memref<88x128xf32, #tpu.memory_space<vmem_shared>>)
        tpu.yield
      }) : () -> ()
    } else {
    }
    %barrier3A = arith.constant 0 : index
    tpu.barrier barrier_id(%barrier3A)
    %scan3A = arith.constant 0 : i32
    %scan3A_5 = arith.constant 0 : i32
    %scan3A_6 = arith.constant 164 : i32
    %scan3A_7 = arith.addi %scan3A_5, %scan3A_6 : i32
    %scan3A_8 = arith.constant 1 : i32
    scf.for %scan3A_115 = %scan3A_5 to %scan3A_7 step %scan3A_8  : i32 {
      %dma_start3A = arith.constant 0 : i32
      %dma_start3A_116 = arith.constant 0 : i32
      %dma_start3A_117 = tpu.memref_slice %arg10[%scan3A_115, %dma_start3A_116] : memref<164x125xi32, #tpu.memory_space<vmem>> -> memref<1x125xi32, #tpu.memory_space<vmem>>
      %dma_start3A_118 = tpu.memref_squeeze %dma_start3A_117 : memref<1x125xi32, #tpu.memory_space<vmem>> -> memref<125xi32, #tpu.memory_space<vmem>>
      %dma_start3A_119 = arith.constant 0 : i32
      %dma_start3A_120 = arith.constant 0 : i32
      %dma_start3A_121 = tpu.memref_slice %arg2[%dma_start3A_119, %dma_start3A_120] : memref<20000x128xf32, #tpu.memory_space<hbm>> -> memref<20000x128xf32, #tpu.memory_space<hbm>>
      %dma_start3A_122 = tpu.memref_slice %arg15[%dma_start3A] : memref<2x!tpu.dma_semaphore, #tpu.memory_space<semaphore_mem>> -> memref<1x!tpu.dma_semaphore, #tpu.memory_space<semaphore_mem>>
      %dma_start3A_123 = tpu.memref_squeeze %dma_start3A_122 : memref<1x!tpu.dma_semaphore, #tpu.memory_space<semaphore_mem>> -> memref<!tpu.dma_semaphore, #tpu.memory_space<semaphore_mem>>
      tpu.enqueue_indirect_dma source(%dma_start3A_121 : memref<20000x128xf32, #tpu.memory_space<hbm>>) target(%arg12 : memref<125x128xf32, #tpu.memory_space<vmem>>) offsets(%dma_start3A_118 : memref<125xi32, #tpu.memory_space<vmem>>) semaphore(%dma_start3A_123 : memref<!tpu.dma_semaphore, #tpu.memory_space<semaphore_mem>>)
      %dma_wait3A = arith.constant 0 : i32
      %dma_wait3A_124 = arith.constant 0 : i32
      %dma_wait3A_125 = tpu.memref_slice %arg10[%scan3A_115, %dma_wait3A_124] : memref<164x125xi32, #tpu.memory_space<vmem>> -> memref<1x125xi32, #tpu.memory_space<vmem>>
      %dma_wait3A_126 = tpu.memref_squeeze %dma_wait3A_125 : memref<1x125xi32, #tpu.memory_space<vmem>> -> memref<125xi32, #tpu.memory_space<vmem>>
      %dma_wait3A_127 = arith.constant 0 : i32
      %dma_wait3A_128 = arith.constant 0 : i32
      %dma_wait3A_129 = tpu.memref_slice %arg2[%dma_wait3A_127, %dma_wait3A_128] : memref<20000x128xf32, #tpu.memory_space<hbm>> -> memref<20000x128xf32, #tpu.memory_space<hbm>>
      %dma_wait3A_130 = tpu.memref_slice %arg15[%dma_wait3A] : memref<2x!tpu.dma_semaphore, #tpu.memory_space<semaphore_mem>> -> memref<1x!tpu.dma_semaphore, #tpu.memory_space<semaphore_mem>>
      %dma_wait3A_131 = tpu.memref_squeeze %dma_wait3A_130 : memref<1x!tpu.dma_semaphore, #tpu.memory_space<semaphore_mem>> -> memref<!tpu.dma_semaphore, #tpu.memory_space<semaphore_mem>>
      tpu.wait_indirect_dma semaphore(%dma_wait3A_131 : memref<!tpu.dma_semaphore, #tpu.memory_space<semaphore_mem>>) src(%dma_wait3A_129 : memref<20000x128xf32, #tpu.memory_space<hbm>>) dst(%arg12 : memref<125x128xf32, #tpu.memory_space<vmem>>)
      "tpu.region"() ({
        %run_scoped3A = tpu.sem_alloc : memref<!tpu.dma_semaphore, #tpu.memory_space<semaphore_mem>>
        %dma_start3A_132 = arith.constant 0 : i32
        %dma_start3A_133 = tpu.memref_slice %arg11[%scan3A_115, %dma_start3A_132] : memref<164x125xi32, #tpu.memory_space<vmem>> -> memref<1x125xi32, #tpu.memory_space<vmem>>
        %dma_start3A_134 = tpu.memref_squeeze %dma_start3A_133 : memref<1x125xi32, #tpu.memory_space<vmem>> -> memref<125xi32, #tpu.memory_space<vmem>>
        %dma_start3A_135 = arith.constant 0 : i32
        %dma_start3A_136 = arith.constant 0 : i32
        %dma_start3A_137 = tpu.memref_slice %arg14[%dma_start3A_135, %dma_start3A_136] : memref<2520x128xf32, #tpu.memory_space<vmem_shared>> -> memref<2520x128xf32, #tpu.memory_space<vmem_shared>>
        tpu.enqueue_indirect_dma source(%arg12 : memref<125x128xf32, #tpu.memory_space<vmem>>) target(%dma_start3A_137 : memref<2520x128xf32, #tpu.memory_space<vmem_shared>>) offsets(%dma_start3A_134 : memref<125xi32, #tpu.memory_space<vmem>>) semaphore(%run_scoped3A : memref<!tpu.dma_semaphore, #tpu.memory_space<semaphore_mem>>) {add = true}
        %dma_wait3A_138 = arith.constant 0 : i32
        %dma_wait3A_139 = tpu.memref_slice %arg11[%scan3A_115, %dma_wait3A_138] : memref<164x125xi32, #tpu.memory_space<vmem>> -> memref<1x125xi32, #tpu.memory_space<vmem>>
        %dma_wait3A_140 = tpu.memref_squeeze %dma_wait3A_139 : memref<1x125xi32, #tpu.memory_space<vmem>> -> memref<125xi32, #tpu.memory_space<vmem>>
        %dma_wait3A_141 = arith.constant 0 : i32
        %dma_wait3A_142 = arith.constant 0 : i32
        %dma_wait3A_143 = tpu.memref_slice %arg14[%dma_wait3A_141, %dma_wait3A_142] : memref<2520x128xf32, #tpu.memory_space<vmem_shared>> -> memref<2520x128xf32, #tpu.memory_space<vmem_shared>>
        tpu.wait_indirect_dma semaphore(%run_scoped3A : memref<!tpu.dma_semaphore, #tpu.memory_space<semaphore_mem>>) src(%arg12 : memref<125x128xf32, #tpu.memory_space<vmem>>) dst(%dma_wait3A_143 : memref<2520x128xf32, #tpu.memory_space<vmem_shared>>)
        tpu.yield
      }) : () -> ()
    }
    %scan3A_9 = arith.constant 164 : i32
    %barrier3A_10 = arith.constant 0 : index
    tpu.barrier barrier_id(%barrier3A_10)
    %mul3A_11 = arith.constant 10000 : i32
    %mul3A_12 = arith.muli %arg0, %mul3A_11 : i32
    %add3A_13 = arith.constant 0 : i32
    %add3A_14 = arith.addi %mul3A_12, %add3A_13 : i32
    %mul3A_15 = arith.constant 152 : i32
    %mul3A_16 = arith.muli %arg1, %mul3A_15 : i32
    "tpu.region"() ({
      %run_scoped3A = tpu.sem_alloc : memref<!tpu.dma_semaphore, #tpu.memory_space<semaphore_mem>>
      %dma_start3A = arith.constant 0 : i32
      %dma_start3A_115 = tpu.memref_slice %arg14[%mul3A_16, %dma_start3A] : memref<2520x128xf32, #tpu.memory_space<vmem_shared>> -> memref<152x128xf32, #tpu.memory_space<vmem_shared>>
      %dma_start3A_116 = arith.constant 0 : i32
      %dma_start3A_117 = tpu.memref_slice %arg14[%mul3A_16, %dma_start3A_116] : memref<2520x128xf32, #tpu.memory_space<vmem_shared>> -> memref<152x128xf32, #tpu.memory_space<vmem_shared>>
      tpu.enqueue_dma source(%dma_start3A_117 : memref<152x128xf32, #tpu.memory_space<vmem_shared>>) target(%arg13 : memref<152x128xf32, #tpu.memory_space<vmem>>) target_semaphore(%run_scoped3A : memref<!tpu.dma_semaphore, #tpu.memory_space<semaphore_mem>>)
      %dma_wait3A = arith.constant 0 : i32
      %dma_wait3A_118 = tpu.memref_slice %arg14[%mul3A_16, %dma_wait3A] : memref<2520x128xf32, #tpu.memory_space<vmem_shared>> -> memref<152x128xf32, #tpu.memory_space<vmem_shared>>
      %dma_wait3A_119 = arith.constant 0 : i32
      %dma_wait3A_120 = tpu.memref_slice %arg14[%mul3A_16, %dma_wait3A_119] : memref<2520x128xf32, #tpu.memory_space<vmem_shared>> -> memref<152x128xf32, #tpu.memory_space<vmem_shared>>
      tpu.wait_dma2 semaphore(%run_scoped3A : memref<!tpu.dma_semaphore, #tpu.memory_space<semaphore_mem>>) src(%dma_wait3A_120 : memref<152x128xf32, #tpu.memory_space<vmem_shared>>) dst(%arg13 : memref<152x128xf32, #tpu.memory_space<vmem>>)
      tpu.yield
    }) : () -> ()
    %mul3A_17 = arith.constant 152 : i32
    %mul3A_18 = arith.muli %arg1, %mul3A_17 : i32
    %add3A_19 = arith.addi %add3A_14, %mul3A_18 : i32
    "tpu.region"() ({
      %run_scoped3A = tpu.sem_alloc : memref<!tpu.dma_semaphore, #tpu.memory_space<semaphore_mem>>
      %dma_start3A = arith.constant 0 : i32
      %dma_start3A_115 = tpu.memref_slice %arg9[%add3A_19, %dma_start3A] : memref<20000x128xf32, #tpu.memory_space<hbm>> -> memref<152x128xf32, #tpu.memory_space<hbm>>
      %dma_start3A_116 = arith.constant 0 : i32
      %dma_start3A_117 = tpu.memref_slice %arg9[%add3A_19, %dma_start3A_116] : memref<20000x128xf32, #tpu.memory_space<hbm>> -> memref<152x128xf32, #tpu.memory_space<hbm>>
      tpu.enqueue_dma source(%arg13 : memref<152x128xf32, #tpu.memory_space<vmem>>) target(%dma_start3A_117 : memref<152x128xf32, #tpu.memory_space<hbm>>) target_semaphore(%run_scoped3A : memref<!tpu.dma_semaphore, #tpu.memory_space<semaphore_mem>>)
      %dma_wait3A = arith.constant 0 : i32
      %dma_wait3A_118 = tpu.memref_slice %arg9[%add3A_19, %dma_wait3A] : memref<20000x128xf32, #tpu.memory_space<hbm>> -> memref<152x128xf32, #tpu.memory_space<hbm>>
      %dma_wait3A_119 = arith.constant 0 : i32
      %dma_wait3A_120 = tpu.memref_slice %arg9[%add3A_19, %dma_wait3A_119] : memref<20000x128xf32, #tpu.memory_space<hbm>> -> memref<152x128xf32, #tpu.memory_space<hbm>>
      tpu.wait_dma2 semaphore(%run_scoped3A : memref<!tpu.dma_semaphore, #tpu.memory_space<semaphore_mem>>) src(%arg13 : memref<152x128xf32, #tpu.memory_space<vmem>>) dst(%dma_wait3A_120 : memref<152x128xf32, #tpu.memory_space<hbm>>)
      tpu.yield
    }) : () -> ()
    %eq3A_20 = arith.constant 0 : i32
    %eq3A_21 = arith.cmpi eq, %arg1, %eq3A_20 : i32
    %convert_element_type3A_22 = arith.extui %eq3A_21 : i1 to i32
    %cond3A_23 = arith.constant 0 : i32
    %cond3A_24 = arith.cmpi ne, %convert_element_type3A_22, %cond3A_23 : i32
    scf.if %cond3A_24 {
      "tpu.region"() ({
        %run_scoped3A = tpu.sem_alloc : memref<!tpu.dma_semaphore, #tpu.memory_space<semaphore_mem>>
        %dma_start3A = arith.constant 0 : i32
        %dma_start3A_117 = arith.constant 0 : i32
        %dma_start3A_118 = tpu.memref_slice %arg13[%dma_start3A, %dma_start3A_117] : memref<152x128xf32, #tpu.memory_space<vmem>> -> memref<80x128xf32, #tpu.memory_space<vmem>>
        %dma_start3A_119 = arith.constant 2432 : i32
        %dma_start3A_120 = arith.constant 0 : i32
        %dma_start3A_121 = tpu.memref_slice %arg14[%dma_start3A_119, %dma_start3A_120] : memref<2520x128xf32, #tpu.memory_space<vmem_shared>> -> memref<80x128xf32, #tpu.memory_space<vmem_shared>>
        %dma_start3A_122 = arith.constant 0 : i32
        %dma_start3A_123 = arith.constant 0 : i32
        %dma_start3A_124 = tpu.memref_slice %arg13[%dma_start3A_122, %dma_start3A_123] : memref<152x128xf32, #tpu.memory_space<vmem>> -> memref<80x128xf32, #tpu.memory_space<vmem>>
        %dma_start3A_125 = arith.constant 2432 : i32
        %dma_start3A_126 = arith.constant 0 : i32
        %dma_start3A_127 = tpu.memref_slice %arg14[%dma_start3A_125, %dma_start3A_126] : memref<2520x128xf32, #tpu.memory_space<vmem_shared>> -> memref<80x128xf32, #tpu.memory_space<vmem_shared>>
        tpu.enqueue_dma source(%dma_start3A_127 : memref<80x128xf32, #tpu.memory_space<vmem_shared>>) target(%dma_start3A_124 : memref<80x128xf32, #tpu.memory_space<vmem>>) target_semaphore(%run_scoped3A : memref<!tpu.dma_semaphore, #tpu.memory_space<semaphore_mem>>)
        %dma_wait3A = arith.constant 0 : i32
        %dma_wait3A_128 = arith.constant 0 : i32
        %dma_wait3A_129 = tpu.memref_slice %arg13[%dma_wait3A, %dma_wait3A_128] : memref<152x128xf32, #tpu.memory_space<vmem>> -> memref<80x128xf32, #tpu.memory_space<vmem>>
        %dma_wait3A_130 = arith.constant 2432 : i32
        %dma_wait3A_131 = arith.constant 0 : i32
        %dma_wait3A_132 = tpu.memref_slice %arg14[%dma_wait3A_130, %dma_wait3A_131] : memref<2520x128xf32, #tpu.memory_space<vmem_shared>> -> memref<80x128xf32, #tpu.memory_space<vmem_shared>>
        %dma_wait3A_133 = arith.constant 0 : i32
        %dma_wait3A_134 = arith.constant 0 : i32
        %dma_wait3A_135 = tpu.memref_slice %arg13[%dma_wait3A_133, %dma_wait3A_134] : memref<152x128xf32, #tpu.memory_space<vmem>> -> memref<80x128xf32, #tpu.memory_space<vmem>>
        %dma_wait3A_136 = arith.constant 2432 : i32
        %dma_wait3A_137 = arith.constant 0 : i32
        %dma_wait3A_138 = tpu.memref_slice %arg14[%dma_wait3A_136, %dma_wait3A_137] : memref<2520x128xf32, #tpu.memory_space<vmem_shared>> -> memref<80x128xf32, #tpu.memory_space<vmem_shared>>
        tpu.wait_dma2 semaphore(%run_scoped3A : memref<!tpu.dma_semaphore, #tpu.memory_space<semaphore_mem>>) src(%dma_wait3A_138 : memref<80x128xf32, #tpu.memory_space<vmem_shared>>) dst(%dma_wait3A_135 : memref<80x128xf32, #tpu.memory_space<vmem>>)
        tpu.yield
      }) : () -> ()
      %add3A_115 = arith.constant 2432 : i32
      %add3A_116 = arith.addi %add3A_14, %add3A_115 : i32
      "tpu.region"() ({
        %run_scoped3A = tpu.sem_alloc : memref<!tpu.dma_semaphore, #tpu.memory_space<semaphore_mem>>
        %dma_start3A = arith.constant 0 : i32
        %dma_start3A_117 = arith.constant 0 : i32
        %dma_start3A_118 = tpu.memref_slice %arg13[%dma_start3A, %dma_start3A_117] : memref<152x128xf32, #tpu.memory_space<vmem>> -> memref<80x128xf32, #tpu.memory_space<vmem>>
        %dma_start3A_119 = arith.constant 0 : i32
        %dma_start3A_120 = tpu.memref_slice %arg9[%add3A_116, %dma_start3A_119] : memref<20000x128xf32, #tpu.memory_space<hbm>> -> memref<80x128xf32, #tpu.memory_space<hbm>>
        %dma_start3A_121 = arith.constant 0 : i32
        %dma_start3A_122 = tpu.memref_slice %arg9[%add3A_116, %dma_start3A_121] : memref<20000x128xf32, #tpu.memory_space<hbm>> -> memref<80x128xf32, #tpu.memory_space<hbm>>
        %dma_start3A_123 = arith.constant 0 : i32
        %dma_start3A_124 = arith.constant 0 : i32
        %dma_start3A_125 = tpu.memref_slice %arg13[%dma_start3A_123, %dma_start3A_124] : memref<152x128xf32, #tpu.memory_space<vmem>> -> memref<80x128xf32, #tpu.memory_space<vmem>>
        tpu.enqueue_dma source(%dma_start3A_125 : memref<80x128xf32, #tpu.memory_space<vmem>>) target(%dma_start3A_122 : memref<80x128xf32, #tpu.memory_space<hbm>>) target_semaphore(%run_scoped3A : memref<!tpu.dma_semaphore, #tpu.memory_space<semaphore_mem>>)
        %dma_wait3A = arith.constant 0 : i32
        %dma_wait3A_126 = arith.constant 0 : i32
        %dma_wait3A_127 = tpu.memref_slice %arg13[%dma_wait3A, %dma_wait3A_126] : memref<152x128xf32, #tpu.memory_space<vmem>> -> memref<80x128xf32, #tpu.memory_space<vmem>>
        %dma_wait3A_128 = arith.constant 0 : i32
        %dma_wait3A_129 = tpu.memref_slice %arg9[%add3A_116, %dma_wait3A_128] : memref<20000x128xf32, #tpu.memory_space<hbm>> -> memref<80x128xf32, #tpu.memory_space<hbm>>
        %dma_wait3A_130 = arith.constant 0 : i32
        %dma_wait3A_131 = tpu.memref_slice %arg9[%add3A_116, %dma_wait3A_130] : memref<20000x128xf32, #tpu.memory_space<hbm>> -> memref<80x128xf32, #tpu.memory_space<hbm>>
        %dma_wait3A_132 = arith.constant 0 : i32
        %dma_wait3A_133 = arith.constant 0 : i32
        %dma_wait3A_134 = tpu.memref_slice %arg13[%dma_wait3A_132, %dma_wait3A_133] : memref<152x128xf32, #tpu.memory_space<vmem>> -> memref<80x128xf32, #tpu.memory_space<vmem>>
        tpu.wait_dma2 semaphore(%run_scoped3A : memref<!tpu.dma_semaphore, #tpu.memory_space<semaphore_mem>>) src(%dma_wait3A_134 : memref<80x128xf32, #tpu.memory_space<vmem>>) dst(%dma_wait3A_131 : memref<80x128xf32, #tpu.memory_space<hbm>>)
        tpu.yield
      }) : () -> ()
    } else {
    }
    %barrier3A_25 = arith.constant 0 : index
    tpu.barrier barrier_id(%barrier3A_25)
    "tpu.region"() ({
      %run_scoped3A = tpu.sem_alloc : memref<!tpu.dma_semaphore, #tpu.memory_space<semaphore_mem>>
      %dma_start3A = arith.constant 0 : i32
      %dma_start3A_115 = arith.constant 0 : i32
      %dma_start3A_116 = tpu.memref_slice %arg5[%add3A, %dma_start3A, %dma_start3A_115] : memref<32x164x125xi32, #tpu.memory_space<hbm>> -> memref<1x164x125xi32, #tpu.memory_space<hbm>>
      %dma_start3A_117 = tpu.memref_squeeze %dma_start3A_116 : memref<1x164x125xi32, #tpu.memory_space<hbm>> -> memref<164x125xi32, #tpu.memory_space<hbm>>
      %dma_start3A_118 = arith.constant 0 : i32
      %dma_start3A_119 = arith.constant 0 : i32
      %dma_start3A_120 = tpu.memref_slice %arg5[%add3A, %dma_start3A_118, %dma_start3A_119] : memref<32x164x125xi32, #tpu.memory_space<hbm>> -> memref<1x164x125xi32, #tpu.memory_space<hbm>>
      %dma_start3A_121 = tpu.memref_squeeze %dma_start3A_120 : memref<1x164x125xi32, #tpu.memory_space<hbm>> -> memref<164x125xi32, #tpu.memory_space<hbm>>
      tpu.enqueue_dma source(%dma_start3A_121 : memref<164x125xi32, #tpu.memory_space<hbm>>) target(%arg11 : memref<164x125xi32, #tpu.memory_space<vmem>>) target_semaphore(%run_scoped3A : memref<!tpu.dma_semaphore, #tpu.memory_space<semaphore_mem>>)
      %dma_wait3A = arith.constant 0 : i32
      %dma_wait3A_122 = arith.constant 0 : i32
      %dma_wait3A_123 = tpu.memref_slice %arg5[%add3A, %dma_wait3A, %dma_wait3A_122] : memref<32x164x125xi32, #tpu.memory_space<hbm>> -> memref<1x164x125xi32, #tpu.memory_space<hbm>>
      %dma_wait3A_124 = tpu.memref_squeeze %dma_wait3A_123 : memref<1x164x125xi32, #tpu.memory_space<hbm>> -> memref<164x125xi32, #tpu.memory_space<hbm>>
      %dma_wait3A_125 = arith.constant 0 : i32
      %dma_wait3A_126 = arith.constant 0 : i32
      %dma_wait3A_127 = tpu.memref_slice %arg5[%add3A, %dma_wait3A_125, %dma_wait3A_126] : memref<32x164x125xi32, #tpu.memory_space<hbm>> -> memref<1x164x125xi32, #tpu.memory_space<hbm>>
      %dma_wait3A_128 = tpu.memref_squeeze %dma_wait3A_127 : memref<1x164x125xi32, #tpu.memory_space<hbm>> -> memref<164x125xi32, #tpu.memory_space<hbm>>
      tpu.wait_dma2 semaphore(%run_scoped3A : memref<!tpu.dma_semaphore, #tpu.memory_space<semaphore_mem>>) src(%dma_wait3A_128 : memref<164x125xi32, #tpu.memory_space<hbm>>) dst(%arg11 : memref<164x125xi32, #tpu.memory_space<vmem>>)
      tpu.yield
    }) : () -> ()
    "tpu.region"() ({
      %run_scoped3A = tpu.sem_alloc : memref<!tpu.dma_semaphore, #tpu.memory_space<semaphore_mem>>
      tpu.enqueue_dma source(%arg8 : memref<152x128xf32, #tpu.memory_space<hbm>>) target(%arg13 : memref<152x128xf32, #tpu.memory_space<vmem>>) target_semaphore(%run_scoped3A : memref<!tpu.dma_semaphore, #tpu.memory_space<semaphore_mem>>)
      tpu.wait_dma2 semaphore(%run_scoped3A : memref<!tpu.dma_semaphore, #tpu.memory_space<semaphore_mem>>) src(%arg8 : memref<152x128xf32, #tpu.memory_space<hbm>>) dst(%arg13 : memref<152x128xf32, #tpu.memory_space<vmem>>)
      tpu.yield
    }) : () -> ()
    %mul3A_26 = arith.constant 152 : i32
    %mul3A_27 = arith.muli %arg1, %mul3A_26 : i32
    "tpu.region"() ({
      %run_scoped3A = tpu.sem_alloc : memref<!tpu.dma_semaphore, #tpu.memory_space<semaphore_mem>>
      %dma_start3A = arith.constant 0 : i32
      %dma_start3A_115 = tpu.memref_slice %arg14[%mul3A_27, %dma_start3A] : memref<2520x128xf32, #tpu.memory_space<vmem_shared>> -> memref<152x128xf32, #tpu.memory_space<vmem_shared>>
      %dma_start3A_116 = arith.constant 0 : i32
      %dma_start3A_117 = tpu.memref_slice %arg14[%mul3A_27, %dma_start3A_116] : memref<2520x128xf32, #tpu.memory_space<vmem_shared>> -> memref<152x128xf32, #tpu.memory_space<vmem_shared>>
      tpu.enqueue_dma source(%arg13 : memref<152x128xf32, #tpu.memory_space<vmem>>) target(%dma_start3A_117 : memref<152x128xf32, #tpu.memory_space<vmem_shared>>) target_semaphore(%run_scoped3A : memref<!tpu.dma_semaphore, #tpu.memory_space<semaphore_mem>>)
      %dma_wait3A = arith.constant 0 : i32
      %dma_wait3A_118 = tpu.memref_slice %arg14[%mul3A_27, %dma_wait3A] : memref<2520x128xf32, #tpu.memory_space<vmem_shared>> -> memref<152x128xf32, #tpu.memory_space<vmem_shared>>
      %dma_wait3A_119 = arith.constant 0 : i32
      %dma_wait3A_120 = tpu.memref_slice %arg14[%mul3A_27, %dma_wait3A_119] : memref<2520x128xf32, #tpu.memory_space<vmem_shared>> -> memref<152x128xf32, #tpu.memory_space<vmem_shared>>
      tpu.wait_dma2 semaphore(%run_scoped3A : memref<!tpu.dma_semaphore, #tpu.memory_space<semaphore_mem>>) src(%arg13 : memref<152x128xf32, #tpu.memory_space<vmem>>) dst(%dma_wait3A_120 : memref<152x128xf32, #tpu.memory_space<vmem_shared>>)
      tpu.yield
    }) : () -> ()
    %eq3A_28 = arith.constant 0 : i32
    %eq3A_29 = arith.cmpi eq, %arg1, %eq3A_28 : i32
    %convert_element_type3A_30 = arith.extui %eq3A_29 : i1 to i32
    %cond3A_31 = arith.constant 0 : i32
    %cond3A_32 = arith.cmpi ne, %convert_element_type3A_30, %cond3A_31 : i32
    scf.if %cond3A_32 {
      "tpu.region"() ({
        %run_scoped3A = tpu.sem_alloc : memref<!tpu.dma_semaphore, #tpu.memory_space<semaphore_mem>>
        %dma_start3A = arith.constant 0 : i32
        %dma_start3A_115 = arith.constant 0 : i32
        %dma_start3A_116 = tpu.memref_slice %arg13[%dma_start3A, %dma_start3A_115] : memref<152x128xf32, #tpu.memory_space<vmem>> -> memref<88x128xf32, #tpu.memory_space<vmem>>
        %dma_start3A_117 = arith.constant 2432 : i32
        %dma_start3A_118 = arith.constant 0 : i32
        %dma_start3A_119 = tpu.memref_slice %arg14[%dma_start3A_117, %dma_start3A_118] : memref<2520x128xf32, #tpu.memory_space<vmem_shared>> -> memref<88x128xf32, #tpu.memory_space<vmem_shared>>
        %dma_start3A_120 = arith.constant 2432 : i32
        %dma_start3A_121 = arith.constant 0 : i32
        %dma_start3A_122 = tpu.memref_slice %arg14[%dma_start3A_120, %dma_start3A_121] : memref<2520x128xf32, #tpu.memory_space<vmem_shared>> -> memref<88x128xf32, #tpu.memory_space<vmem_shared>>
        %dma_start3A_123 = arith.constant 0 : i32
        %dma_start3A_124 = arith.constant 0 : i32
        %dma_start3A_125 = tpu.memref_slice %arg13[%dma_start3A_123, %dma_start3A_124] : memref<152x128xf32, #tpu.memory_space<vmem>> -> memref<88x128xf32, #tpu.memory_space<vmem>>
        tpu.enqueue_dma source(%dma_start3A_125 : memref<88x128xf32, #tpu.memory_space<vmem>>) target(%dma_start3A_122 : memref<88x128xf32, #tpu.memory_space<vmem_shared>>) target_semaphore(%run_scoped3A : memref<!tpu.dma_semaphore, #tpu.memory_space<semaphore_mem>>)
        %dma_wait3A = arith.constant 0 : i32
        %dma_wait3A_126 = arith.constant 0 : i32
        %dma_wait3A_127 = tpu.memref_slice %arg13[%dma_wait3A, %dma_wait3A_126] : memref<152x128xf32, #tpu.memory_space<vmem>> -> memref<88x128xf32, #tpu.memory_space<vmem>>
        %dma_wait3A_128 = arith.constant 2432 : i32
        %dma_wait3A_129 = arith.constant 0 : i32
        %dma_wait3A_130 = tpu.memref_slice %arg14[%dma_wait3A_128, %dma_wait3A_129] : memref<2520x128xf32, #tpu.memory_space<vmem_shared>> -> memref<88x128xf32, #tpu.memory_space<vmem_shared>>
        %dma_wait3A_131 = arith.constant 2432 : i32
        %dma_wait3A_132 = arith.constant 0 : i32
        %dma_wait3A_133 = tpu.memref_slice %arg14[%dma_wait3A_131, %dma_wait3A_132] : memref<2520x128xf32, #tpu.memory_space<vmem_shared>> -> memref<88x128xf32, #tpu.memory_space<vmem_shared>>
        %dma_wait3A_134 = arith.constant 0 : i32
        %dma_wait3A_135 = arith.constant 0 : i32
        %dma_wait3A_136 = tpu.memref_slice %arg13[%dma_wait3A_134, %dma_wait3A_135] : memref<152x128xf32, #tpu.memory_space<vmem>> -> memref<88x128xf32, #tpu.memory_space<vmem>>
        tpu.wait_dma2 semaphore(%run_scoped3A : memref<!tpu.dma_semaphore, #tpu.memory_space<semaphore_mem>>) src(%dma_wait3A_136 : memref<88x128xf32, #tpu.memory_space<vmem>>) dst(%dma_wait3A_133 : memref<88x128xf32, #tpu.memory_space<vmem_shared>>)
        tpu.yield
      }) : () -> ()
    } else {
    }
    %barrier3A_33 = arith.constant 0 : index
    tpu.barrier barrier_id(%barrier3A_33)
    %scan3A_34 = arith.constant 0 : i32
    %scan3A_35 = arith.constant 0 : i32
    %scan3A_36 = arith.constant 164 : i32
    %scan3A_37 = arith.addi %scan3A_35, %scan3A_36 : i32
    %scan3A_38 = arith.constant 1 : i32
    scf.for %scan3A_115 = %scan3A_35 to %scan3A_37 step %scan3A_38  : i32 {
      %dma_start3A = arith.constant 0 : i32
      %dma_start3A_116 = arith.constant 0 : i32
      %dma_start3A_117 = tpu.memref_slice %arg10[%scan3A_115, %dma_start3A_116] : memref<164x125xi32, #tpu.memory_space<vmem>> -> memref<1x125xi32, #tpu.memory_space<vmem>>
      %dma_start3A_118 = tpu.memref_squeeze %dma_start3A_117 : memref<1x125xi32, #tpu.memory_space<vmem>> -> memref<125xi32, #tpu.memory_space<vmem>>
      %dma_start3A_119 = arith.constant 0 : i32
      %dma_start3A_120 = arith.constant 0 : i32
      %dma_start3A_121 = tpu.memref_slice %arg2[%dma_start3A_119, %dma_start3A_120] : memref<20000x128xf32, #tpu.memory_space<hbm>> -> memref<20000x128xf32, #tpu.memory_space<hbm>>
      %dma_start3A_122 = tpu.memref_slice %arg15[%dma_start3A] : memref<2x!tpu.dma_semaphore, #tpu.memory_space<semaphore_mem>> -> memref<1x!tpu.dma_semaphore, #tpu.memory_space<semaphore_mem>>
      %dma_start3A_123 = tpu.memref_squeeze %dma_start3A_122 : memref<1x!tpu.dma_semaphore, #tpu.memory_space<semaphore_mem>> -> memref<!tpu.dma_semaphore, #tpu.memory_space<semaphore_mem>>
      tpu.enqueue_indirect_dma source(%dma_start3A_121 : memref<20000x128xf32, #tpu.memory_space<hbm>>) target(%arg12 : memref<125x128xf32, #tpu.memory_space<vmem>>) offsets(%dma_start3A_118 : memref<125xi32, #tpu.memory_space<vmem>>) semaphore(%dma_start3A_123 : memref<!tpu.dma_semaphore, #tpu.memory_space<semaphore_mem>>)
      %dma_wait3A = arith.constant 0 : i32
      %dma_wait3A_124 = arith.constant 0 : i32
      %dma_wait3A_125 = tpu.memref_slice %arg10[%scan3A_115, %dma_wait3A_124] : memref<164x125xi32, #tpu.memory_space<vmem>> -> memref<1x125xi32, #tpu.memory_space<vmem>>
      %dma_wait3A_126 = tpu.memref_squeeze %dma_wait3A_125 : memref<1x125xi32, #tpu.memory_space<vmem>> -> memref<125xi32, #tpu.memory_space<vmem>>
      %dma_wait3A_127 = arith.constant 0 : i32
      %dma_wait3A_128 = arith.constant 0 : i32
      %dma_wait3A_129 = tpu.memref_slice %arg2[%dma_wait3A_127, %dma_wait3A_128] : memref<20000x128xf32, #tpu.memory_space<hbm>> -> memref<20000x128xf32, #tpu.memory_space<hbm>>
      %dma_wait3A_130 = tpu.memref_slice %arg15[%dma_wait3A] : memref<2x!tpu.dma_semaphore, #tpu.memory_space<semaphore_mem>> -> memref<1x!tpu.dma_semaphore, #tpu.memory_space<semaphore_mem>>
      %dma_wait3A_131 = tpu.memref_squeeze %dma_wait3A_130 : memref<1x!tpu.dma_semaphore, #tpu.memory_space<semaphore_mem>> -> memref<!tpu.dma_semaphore, #tpu.memory_space<semaphore_mem>>
      tpu.wait_indirect_dma semaphore(%dma_wait3A_131 : memref<!tpu.dma_semaphore, #tpu.memory_space<semaphore_mem>>) src(%dma_wait3A_129 : memref<20000x128xf32, #tpu.memory_space<hbm>>) dst(%arg12 : memref<125x128xf32, #tpu.memory_space<vmem>>)
      "tpu.region"() ({
        %run_scoped3A = tpu.sem_alloc : memref<!tpu.dma_semaphore, #tpu.memory_space<semaphore_mem>>
        %dma_start3A_132 = arith.constant 0 : i32
        %dma_start3A_133 = tpu.memref_slice %arg11[%scan3A_115, %dma_start3A_132] : memref<164x125xi32, #tpu.memory_space<vmem>> -> memref<1x125xi32, #tpu.memory_space<vmem>>
        %dma_start3A_134 = tpu.memref_squeeze %dma_start3A_133 : memref<1x125xi32, #tpu.memory_space<vmem>> -> memref<125xi32, #tpu.memory_space<vmem>>
        %dma_start3A_135 = arith.constant 0 : i32
        %dma_start3A_136 = arith.constant 0 : i32
        %dma_start3A_137 = tpu.memref_slice %arg14[%dma_start3A_135, %dma_start3A_136] : memref<2520x128xf32, #tpu.memory_space<vmem_shared>> -> memref<2520x128xf32, #tpu.memory_space<vmem_shared>>
        tpu.enqueue_indirect_dma source(%arg12 : memref<125x128xf32, #tpu.memory_space<vmem>>) target(%dma_start3A_137 : memref<2520x128xf32, #tpu.memory_space<vmem_shared>>) offsets(%dma_start3A_134 : memref<125xi32, #tpu.memory_space<vmem>>) semaphore(%run_scoped3A : memref<!tpu.dma_semaphore, #tpu.memory_space<semaphore_mem>>) {add = true}
        %dma_wait3A_138 = arith.constant 0 : i32
        %dma_wait3A_139 = tpu.memref_slice %arg11[%scan3A_115, %dma_wait3A_138] : memref<164x125xi32, #tpu.memory_space<vmem>> -> memref<1x125xi32, #tpu.memory_space<vmem>>
        %dma_wait3A_140 = tpu.memref_squeeze %dma_wait3A_139 : memref<1x125xi32, #tpu.memory_space<vmem>> -> memref<125xi32, #tpu.memory_space<vmem>>
        %dma_wait3A_141 = arith.constant 0 : i32
        %dma_wait3A_142 = arith.constant 0 : i32
        %dma_wait3A_143 = tpu.memref_slice %arg14[%dma_wait3A_141, %dma_wait3A_142] : memref<2520x128xf32, #tpu.memory_space<vmem_shared>> -> memref<2520x128xf32, #tpu.memory_space<vmem_shared>>
        tpu.wait_indirect_dma semaphore(%run_scoped3A : memref<!tpu.dma_semaphore, #tpu.memory_space<semaphore_mem>>) src(%arg12 : memref<125x128xf32, #tpu.memory_space<vmem>>) dst(%dma_wait3A_143 : memref<2520x128xf32, #tpu.memory_space<vmem_shared>>)
        tpu.yield
      }) : () -> ()
    }
    %scan3A_39 = arith.constant 164 : i32
    %barrier3A_40 = arith.constant 0 : index
    tpu.barrier barrier_id(%barrier3A_40)
    %mul3A_41 = arith.constant 10000 : i32
    %mul3A_42 = arith.muli %arg0, %mul3A_41 : i32
    %add3A_43 = arith.constant 2512 : i32
    %add3A_44 = arith.addi %mul3A_42, %add3A_43 : i32
    %mul3A_45 = arith.constant 152 : i32
    %mul3A_46 = arith.muli %arg1, %mul3A_45 : i32
    "tpu.region"() ({
      %run_scoped3A = tpu.sem_alloc : memref<!tpu.dma_semaphore, #tpu.memory_space<semaphore_mem>>
      %dma_start3A = arith.constant 0 : i32
      %dma_start3A_115 = tpu.memref_slice %arg14[%mul3A_46, %dma_start3A] : memref<2520x128xf32, #tpu.memory_space<vmem_shared>> -> memref<152x128xf32, #tpu.memory_space<vmem_shared>>
      %dma_start3A_116 = arith.constant 0 : i32
      %dma_start3A_117 = tpu.memref_slice %arg14[%mul3A_46, %dma_start3A_116] : memref<2520x128xf32, #tpu.memory_space<vmem_shared>> -> memref<152x128xf32, #tpu.memory_space<vmem_shared>>
      tpu.enqueue_dma source(%dma_start3A_117 : memref<152x128xf32, #tpu.memory_space<vmem_shared>>) target(%arg13 : memref<152x128xf32, #tpu.memory_space<vmem>>) target_semaphore(%run_scoped3A : memref<!tpu.dma_semaphore, #tpu.memory_space<semaphore_mem>>)
      %dma_wait3A = arith.constant 0 : i32
      %dma_wait3A_118 = tpu.memref_slice %arg14[%mul3A_46, %dma_wait3A] : memref<2520x128xf32, #tpu.memory_space<vmem_shared>> -> memref<152x128xf32, #tpu.memory_space<vmem_shared>>
      %dma_wait3A_119 = arith.constant 0 : i32
      %dma_wait3A_120 = tpu.memref_slice %arg14[%mul3A_46, %dma_wait3A_119] : memref<2520x128xf32, #tpu.memory_space<vmem_shared>> -> memref<152x128xf32, #tpu.memory_space<vmem_shared>>
      tpu.wait_dma2 semaphore(%run_scoped3A : memref<!tpu.dma_semaphore, #tpu.memory_space<semaphore_mem>>) src(%dma_wait3A_120 : memref<152x128xf32, #tpu.memory_space<vmem_shared>>) dst(%arg13 : memref<152x128xf32, #tpu.memory_space<vmem>>)
      tpu.yield
    }) : () -> ()
    %mul3A_47 = arith.constant 152 : i32
    %mul3A_48 = arith.muli %arg1, %mul3A_47 : i32
    %add3A_49 = arith.addi %add3A_44, %mul3A_48 : i32
    "tpu.region"() ({
      %run_scoped3A = tpu.sem_alloc : memref<!tpu.dma_semaphore, #tpu.memory_space<semaphore_mem>>
      %dma_start3A = arith.constant 0 : i32
      %dma_start3A_115 = tpu.memref_slice %arg9[%add3A_49, %dma_start3A] : memref<20000x128xf32, #tpu.memory_space<hbm>> -> memref<152x128xf32, #tpu.memory_space<hbm>>
      %dma_start3A_116 = arith.constant 0 : i32
      %dma_start3A_117 = tpu.memref_slice %arg9[%add3A_49, %dma_start3A_116] : memref<20000x128xf32, #tpu.memory_space<hbm>> -> memref<152x128xf32, #tpu.memory_space<hbm>>
      tpu.enqueue_dma source(%arg13 : memref<152x128xf32, #tpu.memory_space<vmem>>) target(%dma_start3A_117 : memref<152x128xf32, #tpu.memory_space<hbm>>) target_semaphore(%run_scoped3A : memref<!tpu.dma_semaphore, #tpu.memory_space<semaphore_mem>>)
      %dma_wait3A = arith.constant 0 : i32
      %dma_wait3A_118 = tpu.memref_slice %arg9[%add3A_49, %dma_wait3A] : memref<20000x128xf32, #tpu.memory_space<hbm>> -> memref<152x128xf32, #tpu.memory_space<hbm>>
      %dma_wait3A_119 = arith.constant 0 : i32
      %dma_wait3A_120 = tpu.memref_slice %arg9[%add3A_49, %dma_wait3A_119] : memref<20000x128xf32, #tpu.memory_space<hbm>> -> memref<152x128xf32, #tpu.memory_space<hbm>>
      tpu.wait_dma2 semaphore(%run_scoped3A : memref<!tpu.dma_semaphore, #tpu.memory_space<semaphore_mem>>) src(%arg13 : memref<152x128xf32, #tpu.memory_space<vmem>>) dst(%dma_wait3A_120 : memref<152x128xf32, #tpu.memory_space<hbm>>)
      tpu.yield
    }) : () -> ()
    %eq3A_50 = arith.constant 0 : i32
    %eq3A_51 = arith.cmpi eq, %arg1, %eq3A_50 : i32
    %convert_element_type3A_52 = arith.extui %eq3A_51 : i1 to i32
    %cond3A_53 = arith.constant 0 : i32
    %cond3A_54 = arith.cmpi ne, %convert_element_type3A_52, %cond3A_53 : i32
    scf.if %cond3A_54 {
      "tpu.region"() ({
        %run_scoped3A = tpu.sem_alloc : memref<!tpu.dma_semaphore, #tpu.memory_space<semaphore_mem>>
        %dma_start3A = arith.constant 0 : i32
        %dma_start3A_117 = arith.constant 0 : i32
        %dma_start3A_118 = tpu.memref_slice %arg13[%dma_start3A, %dma_start3A_117] : memref<152x128xf32, #tpu.memory_space<vmem>> -> memref<80x128xf32, #tpu.memory_space<vmem>>
        %dma_start3A_119 = arith.constant 2432 : i32
        %dma_start3A_120 = arith.constant 0 : i32
        %dma_start3A_121 = tpu.memref_slice %arg14[%dma_start3A_119, %dma_start3A_120] : memref<2520x128xf32, #tpu.memory_space<vmem_shared>> -> memref<80x128xf32, #tpu.memory_space<vmem_shared>>
        %dma_start3A_122 = arith.constant 0 : i32
        %dma_start3A_123 = arith.constant 0 : i32
        %dma_start3A_124 = tpu.memref_slice %arg13[%dma_start3A_122, %dma_start3A_123] : memref<152x128xf32, #tpu.memory_space<vmem>> -> memref<80x128xf32, #tpu.memory_space<vmem>>
        %dma_start3A_125 = arith.constant 2432 : i32
        %dma_start3A_126 = arith.constant 0 : i32
        %dma_start3A_127 = tpu.memref_slice %arg14[%dma_start3A_125, %dma_start3A_126] : memref<2520x128xf32, #tpu.memory_space<vmem_shared>> -> memref<80x128xf32, #tpu.memory_space<vmem_shared>>
        tpu.enqueue_dma source(%dma_start3A_127 : memref<80x128xf32, #tpu.memory_space<vmem_shared>>) target(%dma_start3A_124 : memref<80x128xf32, #tpu.memory_space<vmem>>) target_semaphore(%run_scoped3A : memref<!tpu.dma_semaphore, #tpu.memory_space<semaphore_mem>>)
        %dma_wait3A = arith.constant 0 : i32
        %dma_wait3A_128 = arith.constant 0 : i32
        %dma_wait3A_129 = tpu.memref_slice %arg13[%dma_wait3A, %dma_wait3A_128] : memref<152x128xf32, #tpu.memory_space<vmem>> -> memref<80x128xf32, #tpu.memory_space<vmem>>
        %dma_wait3A_130 = arith.constant 2432 : i32
        %dma_wait3A_131 = arith.constant 0 : i32
        %dma_wait3A_132 = tpu.memref_slice %arg14[%dma_wait3A_130, %dma_wait3A_131] : memref<2520x128xf32, #tpu.memory_space<vmem_shared>> -> memref<80x128xf32, #tpu.memory_space<vmem_shared>>
        %dma_wait3A_133 = arith.constant 0 : i32
        %dma_wait3A_134 = arith.constant 0 : i32
        %dma_wait3A_135 = tpu.memref_slice %arg13[%dma_wait3A_133, %dma_wait3A_134] : memref<152x128xf32, #tpu.memory_space<vmem>> -> memref<80x128xf32, #tpu.memory_space<vmem>>
        %dma_wait3A_136 = arith.constant 2432 : i32
        %dma_wait3A_137 = arith.constant 0 : i32
        %dma_wait3A_138 = tpu.memref_slice %arg14[%dma_wait3A_136, %dma_wait3A_137] : memref<2520x128xf32, #tpu.memory_space<vmem_shared>> -> memref<80x128xf32, #tpu.memory_space<vmem_shared>>
        tpu.wait_dma2 semaphore(%run_scoped3A : memref<!tpu.dma_semaphore, #tpu.memory_space<semaphore_mem>>) src(%dma_wait3A_138 : memref<80x128xf32, #tpu.memory_space<vmem_shared>>) dst(%dma_wait3A_135 : memref<80x128xf32, #tpu.memory_space<vmem>>)
        tpu.yield
      }) : () -> ()
      %add3A_115 = arith.constant 2432 : i32
      %add3A_116 = arith.addi %add3A_44, %add3A_115 : i32
      "tpu.region"() ({
        %run_scoped3A = tpu.sem_alloc : memref<!tpu.dma_semaphore, #tpu.memory_space<semaphore_mem>>
        %dma_start3A = arith.constant 0 : i32
        %dma_start3A_117 = arith.constant 0 : i32
        %dma_start3A_118 = tpu.memref_slice %arg13[%dma_start3A, %dma_start3A_117] : memref<152x128xf32, #tpu.memory_space<vmem>> -> memref<80x128xf32, #tpu.memory_space<vmem>>
        %dma_start3A_119 = arith.constant 0 : i32
        %dma_start3A_120 = tpu.memref_slice %arg9[%add3A_116, %dma_start3A_119] : memref<20000x128xf32, #tpu.memory_space<hbm>> -> memref<80x128xf32, #tpu.memory_space<hbm>>
        %dma_start3A_121 = arith.constant 0 : i32
        %dma_start3A_122 = tpu.memref_slice %arg9[%add3A_116, %dma_start3A_121] : memref<20000x128xf32, #tpu.memory_space<hbm>> -> memref<80x128xf32, #tpu.memory_space<hbm>>
        %dma_start3A_123 = arith.constant 0 : i32
        %dma_start3A_124 = arith.constant 0 : i32
        %dma_start3A_125 = tpu.memref_slice %arg13[%dma_start3A_123, %dma_start3A_124] : memref<152x128xf32, #tpu.memory_space<vmem>> -> memref<80x128xf32, #tpu.memory_space<vmem>>
        tpu.enqueue_dma source(%dma_start3A_125 : memref<80x128xf32, #tpu.memory_space<vmem>>) target(%dma_start3A_122 : memref<80x128xf32, #tpu.memory_space<hbm>>) target_semaphore(%run_scoped3A : memref<!tpu.dma_semaphore, #tpu.memory_space<semaphore_mem>>)
        %dma_wait3A = arith.constant 0 : i32
        %dma_wait3A_126 = arith.constant 0 : i32
        %dma_wait3A_127 = tpu.memref_slice %arg13[%dma_wait3A, %dma_wait3A_126] : memref<152x128xf32, #tpu.memory_space<vmem>> -> memref<80x128xf32, #tpu.memory_space<vmem>>
        %dma_wait3A_128 = arith.constant 0 : i32
        %dma_wait3A_129 = tpu.memref_slice %arg9[%add3A_116, %dma_wait3A_128] : memref<20000x128xf32, #tpu.memory_space<hbm>> -> memref<80x128xf32, #tpu.memory_space<hbm>>
        %dma_wait3A_130 = arith.constant 0 : i32
        %dma_wait3A_131 = tpu.memref_slice %arg9[%add3A_116, %dma_wait3A_130] : memref<20000x128xf32, #tpu.memory_space<hbm>> -> memref<80x128xf32, #tpu.memory_space<hbm>>
        %dma_wait3A_132 = arith.constant 0 : i32
        %dma_wait3A_133 = arith.constant 0 : i32
        %dma_wait3A_134 = tpu.memref_slice %arg13[%dma_wait3A_132, %dma_wait3A_133] : memref<152x128xf32, #tpu.memory_space<vmem>> -> memref<80x128xf32, #tpu.memory_space<vmem>>
        tpu.wait_dma2 semaphore(%run_scoped3A : memref<!tpu.dma_semaphore, #tpu.memory_space<semaphore_mem>>) src(%dma_wait3A_134 : memref<80x128xf32, #tpu.memory_space<vmem>>) dst(%dma_wait3A_131 : memref<80x128xf32, #tpu.memory_space<hbm>>)
        tpu.yield
      }) : () -> ()
    } else {
    }
    %barrier3A_55 = arith.constant 0 : index
    tpu.barrier barrier_id(%barrier3A_55)
    "tpu.region"() ({
      %run_scoped3A = tpu.sem_alloc : memref<!tpu.dma_semaphore, #tpu.memory_space<semaphore_mem>>
      %dma_start3A = arith.constant 0 : i32
      %dma_start3A_115 = arith.constant 0 : i32
      %dma_start3A_116 = tpu.memref_slice %arg6[%add3A, %dma_start3A, %dma_start3A_115] : memref<32x164x125xi32, #tpu.memory_space<hbm>> -> memref<1x164x125xi32, #tpu.memory_space<hbm>>
      %dma_start3A_117 = tpu.memref_squeeze %dma_start3A_116 : memref<1x164x125xi32, #tpu.memory_space<hbm>> -> memref<164x125xi32, #tpu.memory_space<hbm>>
      %dma_start3A_118 = arith.constant 0 : i32
      %dma_start3A_119 = arith.constant 0 : i32
      %dma_start3A_120 = tpu.memref_slice %arg6[%add3A, %dma_start3A_118, %dma_start3A_119] : memref<32x164x125xi32, #tpu.memory_space<hbm>> -> memref<1x164x125xi32, #tpu.memory_space<hbm>>
      %dma_start3A_121 = tpu.memref_squeeze %dma_start3A_120 : memref<1x164x125xi32, #tpu.memory_space<hbm>> -> memref<164x125xi32, #tpu.memory_space<hbm>>
      tpu.enqueue_dma source(%dma_start3A_121 : memref<164x125xi32, #tpu.memory_space<hbm>>) target(%arg11 : memref<164x125xi32, #tpu.memory_space<vmem>>) target_semaphore(%run_scoped3A : memref<!tpu.dma_semaphore, #tpu.memory_space<semaphore_mem>>)
      %dma_wait3A = arith.constant 0 : i32
      %dma_wait3A_122 = arith.constant 0 : i32
      %dma_wait3A_123 = tpu.memref_slice %arg6[%add3A, %dma_wait3A, %dma_wait3A_122] : memref<32x164x125xi32, #tpu.memory_space<hbm>> -> memref<1x164x125xi32, #tpu.memory_space<hbm>>
      %dma_wait3A_124 = tpu.memref_squeeze %dma_wait3A_123 : memref<1x164x125xi32, #tpu.memory_space<hbm>> -> memref<164x125xi32, #tpu.memory_space<hbm>>
      %dma_wait3A_125 = arith.constant 0 : i32
      %dma_wait3A_126 = arith.constant 0 : i32
      %dma_wait3A_127 = tpu.memref_slice %arg6[%add3A, %dma_wait3A_125, %dma_wait3A_126] : memref<32x164x125xi32, #tpu.memory_space<hbm>> -> memref<1x164x125xi32, #tpu.memory_space<hbm>>
      %dma_wait3A_128 = tpu.memref_squeeze %dma_wait3A_127 : memref<1x164x125xi32, #tpu.memory_space<hbm>> -> memref<164x125xi32, #tpu.memory_space<hbm>>
      tpu.wait_dma2 semaphore(%run_scoped3A : memref<!tpu.dma_semaphore, #tpu.memory_space<semaphore_mem>>) src(%dma_wait3A_128 : memref<164x125xi32, #tpu.memory_space<hbm>>) dst(%arg11 : memref<164x125xi32, #tpu.memory_space<vmem>>)
      tpu.yield
    }) : () -> ()
    "tpu.region"() ({
      %run_scoped3A = tpu.sem_alloc : memref<!tpu.dma_semaphore, #tpu.memory_space<semaphore_mem>>
      tpu.enqueue_dma source(%arg8 : memref<152x128xf32, #tpu.memory_space<hbm>>) target(%arg13 : memref<152x128xf32, #tpu.memory_space<vmem>>) target_semaphore(%run_scoped3A : memref<!tpu.dma_semaphore, #tpu.memory_space<semaphore_mem>>)
      tpu.wait_dma2 semaphore(%run_scoped3A : memref<!tpu.dma_semaphore, #tpu.memory_space<semaphore_mem>>) src(%arg8 : memref<152x128xf32, #tpu.memory_space<hbm>>) dst(%arg13 : memref<152x128xf32, #tpu.memory_space<vmem>>)
      tpu.yield
    }) : () -> ()
    %mul3A_56 = arith.constant 152 : i32
    %mul3A_57 = arith.muli %arg1, %mul3A_56 : i32
    "tpu.region"() ({
      %run_scoped3A = tpu.sem_alloc : memref<!tpu.dma_semaphore, #tpu.memory_space<semaphore_mem>>
      %dma_start3A = arith.constant 0 : i32
      %dma_start3A_115 = tpu.memref_slice %arg14[%mul3A_57, %dma_start3A] : memref<2520x128xf32, #tpu.memory_space<vmem_shared>> -> memref<152x128xf32, #tpu.memory_space<vmem_shared>>
      %dma_start3A_116 = arith.constant 0 : i32
      %dma_start3A_117 = tpu.memref_slice %arg14[%mul3A_57, %dma_start3A_116] : memref<2520x128xf32, #tpu.memory_space<vmem_shared>> -> memref<152x128xf32, #tpu.memory_space<vmem_shared>>
      tpu.enqueue_dma source(%arg13 : memref<152x128xf32, #tpu.memory_space<vmem>>) target(%dma_start3A_117 : memref<152x128xf32, #tpu.memory_space<vmem_shared>>) target_semaphore(%run_scoped3A : memref<!tpu.dma_semaphore, #tpu.memory_space<semaphore_mem>>)
      %dma_wait3A = arith.constant 0 : i32
      %dma_wait3A_118 = tpu.memref_slice %arg14[%mul3A_57, %dma_wait3A] : memref<2520x128xf32, #tpu.memory_space<vmem_shared>> -> memref<152x128xf32, #tpu.memory_space<vmem_shared>>
      %dma_wait3A_119 = arith.constant 0 : i32
      %dma_wait3A_120 = tpu.memref_slice %arg14[%mul3A_57, %dma_wait3A_119] : memref<2520x128xf32, #tpu.memory_space<vmem_shared>> -> memref<152x128xf32, #tpu.memory_space<vmem_shared>>
      tpu.wait_dma2 semaphore(%run_scoped3A : memref<!tpu.dma_semaphore, #tpu.memory_space<semaphore_mem>>) src(%arg13 : memref<152x128xf32, #tpu.memory_space<vmem>>) dst(%dma_wait3A_120 : memref<152x128xf32, #tpu.memory_space<vmem_shared>>)
      tpu.yield
    }) : () -> ()
    %eq3A_58 = arith.constant 0 : i32
    %eq3A_59 = arith.cmpi eq, %arg1, %eq3A_58 : i32
    %convert_element_type3A_60 = arith.extui %eq3A_59 : i1 to i32
    %cond3A_61 = arith.constant 0 : i32
    %cond3A_62 = arith.cmpi ne, %convert_element_type3A_60, %cond3A_61 : i32
    scf.if %cond3A_62 {
      "tpu.region"() ({
        %run_scoped3A = tpu.sem_alloc : memref<!tpu.dma_semaphore, #tpu.memory_space<semaphore_mem>>
        %dma_start3A = arith.constant 0 : i32
        %dma_start3A_115 = arith.constant 0 : i32
        %dma_start3A_116 = tpu.memref_slice %arg13[%dma_start3A, %dma_start3A_115] : memref<152x128xf32, #tpu.memory_space<vmem>> -> memref<88x128xf32, #tpu.memory_space<vmem>>
        %dma_start3A_117 = arith.constant 2432 : i32
        %dma_start3A_118 = arith.constant 0 : i32
        %dma_start3A_119 = tpu.memref_slice %arg14[%dma_start3A_117, %dma_start3A_118] : memref<2520x128xf32, #tpu.memory_space<vmem_shared>> -> memref<88x128xf32, #tpu.memory_space<vmem_shared>>
        %dma_start3A_120 = arith.constant 2432 : i32
        %dma_start3A_121 = arith.constant 0 : i32
        %dma_start3A_122 = tpu.memref_slice %arg14[%dma_start3A_120, %dma_start3A_121] : memref<2520x128xf32, #tpu.memory_space<vmem_shared>> -> memref<88x128xf32, #tpu.memory_space<vmem_shared>>
        %dma_start3A_123 = arith.constant 0 : i32
        %dma_start3A_124 = arith.constant 0 : i32
        %dma_start3A_125 = tpu.memref_slice %arg13[%dma_start3A_123, %dma_start3A_124] : memref<152x128xf32, #tpu.memory_space<vmem>> -> memref<88x128xf32, #tpu.memory_space<vmem>>
        tpu.enqueue_dma source(%dma_start3A_125 : memref<88x128xf32, #tpu.memory_space<vmem>>) target(%dma_start3A_122 : memref<88x128xf32, #tpu.memory_space<vmem_shared>>) target_semaphore(%run_scoped3A : memref<!tpu.dma_semaphore, #tpu.memory_space<semaphore_mem>>)
        %dma_wait3A = arith.constant 0 : i32
        %dma_wait3A_126 = arith.constant 0 : i32
        %dma_wait3A_127 = tpu.memref_slice %arg13[%dma_wait3A, %dma_wait3A_126] : memref<152x128xf32, #tpu.memory_space<vmem>> -> memref<88x128xf32, #tpu.memory_space<vmem>>
        %dma_wait3A_128 = arith.constant 2432 : i32
        %dma_wait3A_129 = arith.constant 0 : i32
        %dma_wait3A_130 = tpu.memref_slice %arg14[%dma_wait3A_128, %dma_wait3A_129] : memref<2520x128xf32, #tpu.memory_space<vmem_shared>> -> memref<88x128xf32, #tpu.memory_space<vmem_shared>>
        %dma_wait3A_131 = arith.constant 2432 : i32
        %dma_wait3A_132 = arith.constant 0 : i32
        %dma_wait3A_133 = tpu.memref_slice %arg14[%dma_wait3A_131, %dma_wait3A_132] : memref<2520x128xf32, #tpu.memory_space<vmem_shared>> -> memref<88x128xf32, #tpu.memory_space<vmem_shared>>
        %dma_wait3A_134 = arith.constant 0 : i32
        %dma_wait3A_135 = arith.constant 0 : i32
        %dma_wait3A_136 = tpu.memref_slice %arg13[%dma_wait3A_134, %dma_wait3A_135] : memref<152x128xf32, #tpu.memory_space<vmem>> -> memref<88x128xf32, #tpu.memory_space<vmem>>
        tpu.wait_dma2 semaphore(%run_scoped3A : memref<!tpu.dma_semaphore, #tpu.memory_space<semaphore_mem>>) src(%dma_wait3A_136 : memref<88x128xf32, #tpu.memory_space<vmem>>) dst(%dma_wait3A_133 : memref<88x128xf32, #tpu.memory_space<vmem_shared>>)
        tpu.yield
      }) : () -> ()
    } else {
    }
    %barrier3A_63 = arith.constant 0 : index
    tpu.barrier barrier_id(%barrier3A_63)
    %scan3A_64 = arith.constant 0 : i32
    %scan3A_65 = arith.constant 0 : i32
    %scan3A_66 = arith.constant 164 : i32
    %scan3A_67 = arith.addi %scan3A_65, %scan3A_66 : i32
    %scan3A_68 = arith.constant 1 : i32
    scf.for %scan3A_115 = %scan3A_65 to %scan3A_67 step %scan3A_68  : i32 {
      %dma_start3A = arith.constant 0 : i32
      %dma_start3A_116 = arith.constant 0 : i32
      %dma_start3A_117 = tpu.memref_slice %arg10[%scan3A_115, %dma_start3A_116] : memref<164x125xi32, #tpu.memory_space<vmem>> -> memref<1x125xi32, #tpu.memory_space<vmem>>
      %dma_start3A_118 = tpu.memref_squeeze %dma_start3A_117 : memref<1x125xi32, #tpu.memory_space<vmem>> -> memref<125xi32, #tpu.memory_space<vmem>>
      %dma_start3A_119 = arith.constant 0 : i32
      %dma_start3A_120 = arith.constant 0 : i32
      %dma_start3A_121 = tpu.memref_slice %arg2[%dma_start3A_119, %dma_start3A_120] : memref<20000x128xf32, #tpu.memory_space<hbm>> -> memref<20000x128xf32, #tpu.memory_space<hbm>>
      %dma_start3A_122 = tpu.memref_slice %arg15[%dma_start3A] : memref<2x!tpu.dma_semaphore, #tpu.memory_space<semaphore_mem>> -> memref<1x!tpu.dma_semaphore, #tpu.memory_space<semaphore_mem>>
      %dma_start3A_123 = tpu.memref_squeeze %dma_start3A_122 : memref<1x!tpu.dma_semaphore, #tpu.memory_space<semaphore_mem>> -> memref<!tpu.dma_semaphore, #tpu.memory_space<semaphore_mem>>
      tpu.enqueue_indirect_dma source(%dma_start3A_121 : memref<20000x128xf32, #tpu.memory_space<hbm>>) target(%arg12 : memref<125x128xf32, #tpu.memory_space<vmem>>) offsets(%dma_start3A_118 : memref<125xi32, #tpu.memory_space<vmem>>) semaphore(%dma_start3A_123 : memref<!tpu.dma_semaphore, #tpu.memory_space<semaphore_mem>>)
      %dma_wait3A = arith.constant 0 : i32
      %dma_wait3A_124 = arith.constant 0 : i32
      %dma_wait3A_125 = tpu.memref_slice %arg10[%scan3A_115, %dma_wait3A_124] : memref<164x125xi32, #tpu.memory_space<vmem>> -> memref<1x125xi32, #tpu.memory_space<vmem>>
      %dma_wait3A_126 = tpu.memref_squeeze %dma_wait3A_125 : memref<1x125xi32, #tpu.memory_space<vmem>> -> memref<125xi32, #tpu.memory_space<vmem>>
      %dma_wait3A_127 = arith.constant 0 : i32
      %dma_wait3A_128 = arith.constant 0 : i32
      %dma_wait3A_129 = tpu.memref_slice %arg2[%dma_wait3A_127, %dma_wait3A_128] : memref<20000x128xf32, #tpu.memory_space<hbm>> -> memref<20000x128xf32, #tpu.memory_space<hbm>>
      %dma_wait3A_130 = tpu.memref_slice %arg15[%dma_wait3A] : memref<2x!tpu.dma_semaphore, #tpu.memory_space<semaphore_mem>> -> memref<1x!tpu.dma_semaphore, #tpu.memory_space<semaphore_mem>>
      %dma_wait3A_131 = tpu.memref_squeeze %dma_wait3A_130 : memref<1x!tpu.dma_semaphore, #tpu.memory_space<semaphore_mem>> -> memref<!tpu.dma_semaphore, #tpu.memory_space<semaphore_mem>>
      tpu.wait_indirect_dma semaphore(%dma_wait3A_131 : memref<!tpu.dma_semaphore, #tpu.memory_space<semaphore_mem>>) src(%dma_wait3A_129 : memref<20000x128xf32, #tpu.memory_space<hbm>>) dst(%arg12 : memref<125x128xf32, #tpu.memory_space<vmem>>)
      "tpu.region"() ({
        %run_scoped3A = tpu.sem_alloc : memref<!tpu.dma_semaphore, #tpu.memory_space<semaphore_mem>>
        %dma_start3A_132 = arith.constant 0 : i32
        %dma_start3A_133 = tpu.memref_slice %arg11[%scan3A_115, %dma_start3A_132] : memref<164x125xi32, #tpu.memory_space<vmem>> -> memref<1x125xi32, #tpu.memory_space<vmem>>
        %dma_start3A_134 = tpu.memref_squeeze %dma_start3A_133 : memref<1x125xi32, #tpu.memory_space<vmem>> -> memref<125xi32, #tpu.memory_space<vmem>>
        %dma_start3A_135 = arith.constant 0 : i32
        %dma_start3A_136 = arith.constant 0 : i32
        %dma_start3A_137 = tpu.memref_slice %arg14[%dma_start3A_135, %dma_start3A_136] : memref<2520x128xf32, #tpu.memory_space<vmem_shared>> -> memref<2520x128xf32, #tpu.memory_space<vmem_shared>>
        tpu.enqueue_indirect_dma source(%arg12 : memref<125x128xf32, #tpu.memory_space<vmem>>) target(%dma_start3A_137 : memref<2520x128xf32, #tpu.memory_space<vmem_shared>>) offsets(%dma_start3A_134 : memref<125xi32, #tpu.memory_space<vmem>>) semaphore(%run_scoped3A : memref<!tpu.dma_semaphore, #tpu.memory_space<semaphore_mem>>) {add = true}
        %dma_wait3A_138 = arith.constant 0 : i32
        %dma_wait3A_139 = tpu.memref_slice %arg11[%scan3A_115, %dma_wait3A_138] : memref<164x125xi32, #tpu.memory_space<vmem>> -> memref<1x125xi32, #tpu.memory_space<vmem>>
        %dma_wait3A_140 = tpu.memref_squeeze %dma_wait3A_139 : memref<1x125xi32, #tpu.memory_space<vmem>> -> memref<125xi32, #tpu.memory_space<vmem>>
        %dma_wait3A_141 = arith.constant 0 : i32
        %dma_wait3A_142 = arith.constant 0 : i32
        %dma_wait3A_143 = tpu.memref_slice %arg14[%dma_wait3A_141, %dma_wait3A_142] : memref<2520x128xf32, #tpu.memory_space<vmem_shared>> -> memref<2520x128xf32, #tpu.memory_space<vmem_shared>>
        tpu.wait_indirect_dma semaphore(%run_scoped3A : memref<!tpu.dma_semaphore, #tpu.memory_space<semaphore_mem>>) src(%arg12 : memref<125x128xf32, #tpu.memory_space<vmem>>) dst(%dma_wait3A_143 : memref<2520x128xf32, #tpu.memory_space<vmem_shared>>)
        tpu.yield
      }) : () -> ()
    }
    %scan3A_69 = arith.constant 164 : i32
    %barrier3A_70 = arith.constant 0 : index
    tpu.barrier barrier_id(%barrier3A_70)
    %mul3A_71 = arith.constant 10000 : i32
    %mul3A_72 = arith.muli %arg0, %mul3A_71 : i32
    %add3A_73 = arith.constant 5024 : i32
    %add3A_74 = arith.addi %mul3A_72, %add3A_73 : i32
    %mul3A_75 = arith.constant 152 : i32
    %mul3A_76 = arith.muli %arg1, %mul3A_75 : i32
    "tpu.region"() ({
      %run_scoped3A = tpu.sem_alloc : memref<!tpu.dma_semaphore, #tpu.memory_space<semaphore_mem>>
      %dma_start3A = arith.constant 0 : i32
      %dma_start3A_115 = tpu.memref_slice %arg14[%mul3A_76, %dma_start3A] : memref<2520x128xf32, #tpu.memory_space<vmem_shared>> -> memref<152x128xf32, #tpu.memory_space<vmem_shared>>
      %dma_start3A_116 = arith.constant 0 : i32
      %dma_start3A_117 = tpu.memref_slice %arg14[%mul3A_76, %dma_start3A_116] : memref<2520x128xf32, #tpu.memory_space<vmem_shared>> -> memref<152x128xf32, #tpu.memory_space<vmem_shared>>
      tpu.enqueue_dma source(%dma_start3A_117 : memref<152x128xf32, #tpu.memory_space<vmem_shared>>) target(%arg13 : memref<152x128xf32, #tpu.memory_space<vmem>>) target_semaphore(%run_scoped3A : memref<!tpu.dma_semaphore, #tpu.memory_space<semaphore_mem>>)
      %dma_wait3A = arith.constant 0 : i32
      %dma_wait3A_118 = tpu.memref_slice %arg14[%mul3A_76, %dma_wait3A] : memref<2520x128xf32, #tpu.memory_space<vmem_shared>> -> memref<152x128xf32, #tpu.memory_space<vmem_shared>>
      %dma_wait3A_119 = arith.constant 0 : i32
      %dma_wait3A_120 = tpu.memref_slice %arg14[%mul3A_76, %dma_wait3A_119] : memref<2520x128xf32, #tpu.memory_space<vmem_shared>> -> memref<152x128xf32, #tpu.memory_space<vmem_shared>>
      tpu.wait_dma2 semaphore(%run_scoped3A : memref<!tpu.dma_semaphore, #tpu.memory_space<semaphore_mem>>) src(%dma_wait3A_120 : memref<152x128xf32, #tpu.memory_space<vmem_shared>>) dst(%arg13 : memref<152x128xf32, #tpu.memory_space<vmem>>)
      tpu.yield
    }) : () -> ()
    %mul3A_77 = arith.constant 152 : i32
    %mul3A_78 = arith.muli %arg1, %mul3A_77 : i32
    %add3A_79 = arith.addi %add3A_74, %mul3A_78 : i32
    "tpu.region"() ({
      %run_scoped3A = tpu.sem_alloc : memref<!tpu.dma_semaphore, #tpu.memory_space<semaphore_mem>>
      %dma_start3A = arith.constant 0 : i32
      %dma_start3A_115 = tpu.memref_slice %arg9[%add3A_79, %dma_start3A] : memref<20000x128xf32, #tpu.memory_space<hbm>> -> memref<152x128xf32, #tpu.memory_space<hbm>>
      %dma_start3A_116 = arith.constant 0 : i32
      %dma_start3A_117 = tpu.memref_slice %arg9[%add3A_79, %dma_start3A_116] : memref<20000x128xf32, #tpu.memory_space<hbm>> -> memref<152x128xf32, #tpu.memory_space<hbm>>
      tpu.enqueue_dma source(%arg13 : memref<152x128xf32, #tpu.memory_space<vmem>>) target(%dma_start3A_117 : memref<152x128xf32, #tpu.memory_space<hbm>>) target_semaphore(%run_scoped3A : memref<!tpu.dma_semaphore, #tpu.memory_space<semaphore_mem>>)
      %dma_wait3A = arith.constant 0 : i32
      %dma_wait3A_118 = tpu.memref_slice %arg9[%add3A_79, %dma_wait3A] : memref<20000x128xf32, #tpu.memory_space<hbm>> -> memref<152x128xf32, #tpu.memory_space<hbm>>
      %dma_wait3A_119 = arith.constant 0 : i32
      %dma_wait3A_120 = tpu.memref_slice %arg9[%add3A_79, %dma_wait3A_119] : memref<20000x128xf32, #tpu.memory_space<hbm>> -> memref<152x128xf32, #tpu.memory_space<hbm>>
      tpu.wait_dma2 semaphore(%run_scoped3A : memref<!tpu.dma_semaphore, #tpu.memory_space<semaphore_mem>>) src(%arg13 : memref<152x128xf32, #tpu.memory_space<vmem>>) dst(%dma_wait3A_120 : memref<152x128xf32, #tpu.memory_space<hbm>>)
      tpu.yield
    }) : () -> ()
    %eq3A_80 = arith.constant 0 : i32
    %eq3A_81 = arith.cmpi eq, %arg1, %eq3A_80 : i32
    %convert_element_type3A_82 = arith.extui %eq3A_81 : i1 to i32
    %cond3A_83 = arith.constant 0 : i32
    %cond3A_84 = arith.cmpi ne, %convert_element_type3A_82, %cond3A_83 : i32
    scf.if %cond3A_84 {
      "tpu.region"() ({
        %run_scoped3A = tpu.sem_alloc : memref<!tpu.dma_semaphore, #tpu.memory_space<semaphore_mem>>
        %dma_start3A = arith.constant 0 : i32
        %dma_start3A_117 = arith.constant 0 : i32
        %dma_start3A_118 = tpu.memref_slice %arg13[%dma_start3A, %dma_start3A_117] : memref<152x128xf32, #tpu.memory_space<vmem>> -> memref<80x128xf32, #tpu.memory_space<vmem>>
        %dma_start3A_119 = arith.constant 2432 : i32
        %dma_start3A_120 = arith.constant 0 : i32
        %dma_start3A_121 = tpu.memref_slice %arg14[%dma_start3A_119, %dma_start3A_120] : memref<2520x128xf32, #tpu.memory_space<vmem_shared>> -> memref<80x128xf32, #tpu.memory_space<vmem_shared>>
        %dma_start3A_122 = arith.constant 0 : i32
        %dma_start3A_123 = arith.constant 0 : i32
        %dma_start3A_124 = tpu.memref_slice %arg13[%dma_start3A_122, %dma_start3A_123] : memref<152x128xf32, #tpu.memory_space<vmem>> -> memref<80x128xf32, #tpu.memory_space<vmem>>
        %dma_start3A_125 = arith.constant 2432 : i32
        %dma_start3A_126 = arith.constant 0 : i32
        %dma_start3A_127 = tpu.memref_slice %arg14[%dma_start3A_125, %dma_start3A_126] : memref<2520x128xf32, #tpu.memory_space<vmem_shared>> -> memref<80x128xf32, #tpu.memory_space<vmem_shared>>
        tpu.enqueue_dma source(%dma_start3A_127 : memref<80x128xf32, #tpu.memory_space<vmem_shared>>) target(%dma_start3A_124 : memref<80x128xf32, #tpu.memory_space<vmem>>) target_semaphore(%run_scoped3A : memref<!tpu.dma_semaphore, #tpu.memory_space<semaphore_mem>>)
        %dma_wait3A = arith.constant 0 : i32
        %dma_wait3A_128 = arith.constant 0 : i32
        %dma_wait3A_129 = tpu.memref_slice %arg13[%dma_wait3A, %dma_wait3A_128] : memref<152x128xf32, #tpu.memory_space<vmem>> -> memref<80x128xf32, #tpu.memory_space<vmem>>
        %dma_wait3A_130 = arith.constant 2432 : i32
        %dma_wait3A_131 = arith.constant 0 : i32
        %dma_wait3A_132 = tpu.memref_slice %arg14[%dma_wait3A_130, %dma_wait3A_131] : memref<2520x128xf32, #tpu.memory_space<vmem_shared>> -> memref<80x128xf32, #tpu.memory_space<vmem_shared>>
        %dma_wait3A_133 = arith.constant 0 : i32
        %dma_wait3A_134 = arith.constant 0 : i32
        %dma_wait3A_135 = tpu.memref_slice %arg13[%dma_wait3A_133, %dma_wait3A_134] : memref<152x128xf32, #tpu.memory_space<vmem>> -> memref<80x128xf32, #tpu.memory_space<vmem>>
        %dma_wait3A_136 = arith.constant 2432 : i32
        %dma_wait3A_137 = arith.constant 0 : i32
        %dma_wait3A_138 = tpu.memref_slice %arg14[%dma_wait3A_136, %dma_wait3A_137] : memref<2520x128xf32, #tpu.memory_space<vmem_shared>> -> memref<80x128xf32, #tpu.memory_space<vmem_shared>>
        tpu.wait_dma2 semaphore(%run_scoped3A : memref<!tpu.dma_semaphore, #tpu.memory_space<semaphore_mem>>) src(%dma_wait3A_138 : memref<80x128xf32, #tpu.memory_space<vmem_shared>>) dst(%dma_wait3A_135 : memref<80x128xf32, #tpu.memory_space<vmem>>)
        tpu.yield
      }) : () -> ()
      %add3A_115 = arith.constant 2432 : i32
      %add3A_116 = arith.addi %add3A_74, %add3A_115 : i32
      "tpu.region"() ({
        %run_scoped3A = tpu.sem_alloc : memref<!tpu.dma_semaphore, #tpu.memory_space<semaphore_mem>>
        %dma_start3A = arith.constant 0 : i32
        %dma_start3A_117 = arith.constant 0 : i32
        %dma_start3A_118 = tpu.memref_slice %arg13[%dma_start3A, %dma_start3A_117] : memref<152x128xf32, #tpu.memory_space<vmem>> -> memref<80x128xf32, #tpu.memory_space<vmem>>
        %dma_start3A_119 = arith.constant 0 : i32
        %dma_start3A_120 = tpu.memref_slice %arg9[%add3A_116, %dma_start3A_119] : memref<20000x128xf32, #tpu.memory_space<hbm>> -> memref<80x128xf32, #tpu.memory_space<hbm>>
        %dma_start3A_121 = arith.constant 0 : i32
        %dma_start3A_122 = tpu.memref_slice %arg9[%add3A_116, %dma_start3A_121] : memref<20000x128xf32, #tpu.memory_space<hbm>> -> memref<80x128xf32, #tpu.memory_space<hbm>>
        %dma_start3A_123 = arith.constant 0 : i32
        %dma_start3A_124 = arith.constant 0 : i32
        %dma_start3A_125 = tpu.memref_slice %arg13[%dma_start3A_123, %dma_start3A_124] : memref<152x128xf32, #tpu.memory_space<vmem>> -> memref<80x128xf32, #tpu.memory_space<vmem>>
        tpu.enqueue_dma source(%dma_start3A_125 : memref<80x128xf32, #tpu.memory_space<vmem>>) target(%dma_start3A_122 : memref<80x128xf32, #tpu.memory_space<hbm>>) target_semaphore(%run_scoped3A : memref<!tpu.dma_semaphore, #tpu.memory_space<semaphore_mem>>)
        %dma_wait3A = arith.constant 0 : i32
        %dma_wait3A_126 = arith.constant 0 : i32
        %dma_wait3A_127 = tpu.memref_slice %arg13[%dma_wait3A, %dma_wait3A_126] : memref<152x128xf32, #tpu.memory_space<vmem>> -> memref<80x128xf32, #tpu.memory_space<vmem>>
        %dma_wait3A_128 = arith.constant 0 : i32
        %dma_wait3A_129 = tpu.memref_slice %arg9[%add3A_116, %dma_wait3A_128] : memref<20000x128xf32, #tpu.memory_space<hbm>> -> memref<80x128xf32, #tpu.memory_space<hbm>>
        %dma_wait3A_130 = arith.constant 0 : i32
        %dma_wait3A_131 = tpu.memref_slice %arg9[%add3A_116, %dma_wait3A_130] : memref<20000x128xf32, #tpu.memory_space<hbm>> -> memref<80x128xf32, #tpu.memory_space<hbm>>
        %dma_wait3A_132 = arith.constant 0 : i32
        %dma_wait3A_133 = arith.constant 0 : i32
        %dma_wait3A_134 = tpu.memref_slice %arg13[%dma_wait3A_132, %dma_wait3A_133] : memref<152x128xf32, #tpu.memory_space<vmem>> -> memref<80x128xf32, #tpu.memory_space<vmem>>
        tpu.wait_dma2 semaphore(%run_scoped3A : memref<!tpu.dma_semaphore, #tpu.memory_space<semaphore_mem>>) src(%dma_wait3A_134 : memref<80x128xf32, #tpu.memory_space<vmem>>) dst(%dma_wait3A_131 : memref<80x128xf32, #tpu.memory_space<hbm>>)
        tpu.yield
      }) : () -> ()
    } else {
    }
    %barrier3A_85 = arith.constant 0 : index
    tpu.barrier barrier_id(%barrier3A_85)
    "tpu.region"() ({
      %run_scoped3A = tpu.sem_alloc : memref<!tpu.dma_semaphore, #tpu.memory_space<semaphore_mem>>
      %dma_start3A = arith.constant 0 : i32
      %dma_start3A_115 = arith.constant 0 : i32
      %dma_start3A_116 = tpu.memref_slice %arg7[%add3A, %dma_start3A, %dma_start3A_115] : memref<32x164x125xi32, #tpu.memory_space<hbm>> -> memref<1x164x125xi32, #tpu.memory_space<hbm>>
      %dma_start3A_117 = tpu.memref_squeeze %dma_start3A_116 : memref<1x164x125xi32, #tpu.memory_space<hbm>> -> memref<164x125xi32, #tpu.memory_space<hbm>>
      %dma_start3A_118 = arith.constant 0 : i32
      %dma_start3A_119 = arith.constant 0 : i32
      %dma_start3A_120 = tpu.memref_slice %arg7[%add3A, %dma_start3A_118, %dma_start3A_119] : memref<32x164x125xi32, #tpu.memory_space<hbm>> -> memref<1x164x125xi32, #tpu.memory_space<hbm>>
      %dma_start3A_121 = tpu.memref_squeeze %dma_start3A_120 : memref<1x164x125xi32, #tpu.memory_space<hbm>> -> memref<164x125xi32, #tpu.memory_space<hbm>>
      tpu.enqueue_dma source(%dma_start3A_121 : memref<164x125xi32, #tpu.memory_space<hbm>>) target(%arg11 : memref<164x125xi32, #tpu.memory_space<vmem>>) target_semaphore(%run_scoped3A : memref<!tpu.dma_semaphore, #tpu.memory_space<semaphore_mem>>)
      %dma_wait3A = arith.constant 0 : i32
      %dma_wait3A_122 = arith.constant 0 : i32
      %dma_wait3A_123 = tpu.memref_slice %arg7[%add3A, %dma_wait3A, %dma_wait3A_122] : memref<32x164x125xi32, #tpu.memory_space<hbm>> -> memref<1x164x125xi32, #tpu.memory_space<hbm>>
      %dma_wait3A_124 = tpu.memref_squeeze %dma_wait3A_123 : memref<1x164x125xi32, #tpu.memory_space<hbm>> -> memref<164x125xi32, #tpu.memory_space<hbm>>
      %dma_wait3A_125 = arith.constant 0 : i32
      %dma_wait3A_126 = arith.constant 0 : i32
      %dma_wait3A_127 = tpu.memref_slice %arg7[%add3A, %dma_wait3A_125, %dma_wait3A_126] : memref<32x164x125xi32, #tpu.memory_space<hbm>> -> memref<1x164x125xi32, #tpu.memory_space<hbm>>
      %dma_wait3A_128 = tpu.memref_squeeze %dma_wait3A_127 : memref<1x164x125xi32, #tpu.memory_space<hbm>> -> memref<164x125xi32, #tpu.memory_space<hbm>>
      tpu.wait_dma2 semaphore(%run_scoped3A : memref<!tpu.dma_semaphore, #tpu.memory_space<semaphore_mem>>) src(%dma_wait3A_128 : memref<164x125xi32, #tpu.memory_space<hbm>>) dst(%arg11 : memref<164x125xi32, #tpu.memory_space<vmem>>)
      tpu.yield
    }) : () -> ()
    "tpu.region"() ({
      %run_scoped3A = tpu.sem_alloc : memref<!tpu.dma_semaphore, #tpu.memory_space<semaphore_mem>>
      tpu.enqueue_dma source(%arg8 : memref<152x128xf32, #tpu.memory_space<hbm>>) target(%arg13 : memref<152x128xf32, #tpu.memory_space<vmem>>) target_semaphore(%run_scoped3A : memref<!tpu.dma_semaphore, #tpu.memory_space<semaphore_mem>>)
      tpu.wait_dma2 semaphore(%run_scoped3A : memref<!tpu.dma_semaphore, #tpu.memory_space<semaphore_mem>>) src(%arg8 : memref<152x128xf32, #tpu.memory_space<hbm>>) dst(%arg13 : memref<152x128xf32, #tpu.memory_space<vmem>>)
      tpu.yield
    }) : () -> ()
    %mul3A_86 = arith.constant 152 : i32
    %mul3A_87 = arith.muli %arg1, %mul3A_86 : i32
    "tpu.region"() ({
      %run_scoped3A = tpu.sem_alloc : memref<!tpu.dma_semaphore, #tpu.memory_space<semaphore_mem>>
      %dma_start3A = arith.constant 0 : i32
      %dma_start3A_115 = tpu.memref_slice %arg14[%mul3A_87, %dma_start3A] : memref<2520x128xf32, #tpu.memory_space<vmem_shared>> -> memref<152x128xf32, #tpu.memory_space<vmem_shared>>
      %dma_start3A_116 = arith.constant 0 : i32
      %dma_start3A_117 = tpu.memref_slice %arg14[%mul3A_87, %dma_start3A_116] : memref<2520x128xf32, #tpu.memory_space<vmem_shared>> -> memref<152x128xf32, #tpu.memory_space<vmem_shared>>
      tpu.enqueue_dma source(%arg13 : memref<152x128xf32, #tpu.memory_space<vmem>>) target(%dma_start3A_117 : memref<152x128xf32, #tpu.memory_space<vmem_shared>>) target_semaphore(%run_scoped3A : memref<!tpu.dma_semaphore, #tpu.memory_space<semaphore_mem>>)
      %dma_wait3A = arith.constant 0 : i32
      %dma_wait3A_118 = tpu.memref_slice %arg14[%mul3A_87, %dma_wait3A] : memref<2520x128xf32, #tpu.memory_space<vmem_shared>> -> memref<152x128xf32, #tpu.memory_space<vmem_shared>>
      %dma_wait3A_119 = arith.constant 0 : i32
      %dma_wait3A_120 = tpu.memref_slice %arg14[%mul3A_87, %dma_wait3A_119] : memref<2520x128xf32, #tpu.memory_space<vmem_shared>> -> memref<152x128xf32, #tpu.memory_space<vmem_shared>>
      tpu.wait_dma2 semaphore(%run_scoped3A : memref<!tpu.dma_semaphore, #tpu.memory_space<semaphore_mem>>) src(%arg13 : memref<152x128xf32, #tpu.memory_space<vmem>>) dst(%dma_wait3A_120 : memref<152x128xf32, #tpu.memory_space<vmem_shared>>)
      tpu.yield
    }) : () -> ()
    %eq3A_88 = arith.constant 0 : i32
    %eq3A_89 = arith.cmpi eq, %arg1, %eq3A_88 : i32
    %convert_element_type3A_90 = arith.extui %eq3A_89 : i1 to i32
    %cond3A_91 = arith.constant 0 : i32
    %cond3A_92 = arith.cmpi ne, %convert_element_type3A_90, %cond3A_91 : i32
    scf.if %cond3A_92 {
      "tpu.region"() ({
        %run_scoped3A = tpu.sem_alloc : memref<!tpu.dma_semaphore, #tpu.memory_space<semaphore_mem>>
        %dma_start3A = arith.constant 0 : i32
        %dma_start3A_115 = arith.constant 0 : i32
        %dma_start3A_116 = tpu.memref_slice %arg13[%dma_start3A, %dma_start3A_115] : memref<152x128xf32, #tpu.memory_space<vmem>> -> memref<88x128xf32, #tpu.memory_space<vmem>>
        %dma_start3A_117 = arith.constant 2432 : i32
        %dma_start3A_118 = arith.constant 0 : i32
        %dma_start3A_119 = tpu.memref_slice %arg14[%dma_start3A_117, %dma_start3A_118] : memref<2520x128xf32, #tpu.memory_space<vmem_shared>> -> memref<88x128xf32, #tpu.memory_space<vmem_shared>>
        %dma_start3A_120 = arith.constant 2432 : i32
        %dma_start3A_121 = arith.constant 0 : i32
        %dma_start3A_122 = tpu.memref_slice %arg14[%dma_start3A_120, %dma_start3A_121] : memref<2520x128xf32, #tpu.memory_space<vmem_shared>> -> memref<88x128xf32, #tpu.memory_space<vmem_shared>>
        %dma_start3A_123 = arith.constant 0 : i32
        %dma_start3A_124 = arith.constant 0 : i32
        %dma_start3A_125 = tpu.memref_slice %arg13[%dma_start3A_123, %dma_start3A_124] : memref<152x128xf32, #tpu.memory_space<vmem>> -> memref<88x128xf32, #tpu.memory_space<vmem>>
        tpu.enqueue_dma source(%dma_start3A_125 : memref<88x128xf32, #tpu.memory_space<vmem>>) target(%dma_start3A_122 : memref<88x128xf32, #tpu.memory_space<vmem_shared>>) target_semaphore(%run_scoped3A : memref<!tpu.dma_semaphore, #tpu.memory_space<semaphore_mem>>)
        %dma_wait3A = arith.constant 0 : i32
        %dma_wait3A_126 = arith.constant 0 : i32
        %dma_wait3A_127 = tpu.memref_slice %arg13[%dma_wait3A, %dma_wait3A_126] : memref<152x128xf32, #tpu.memory_space<vmem>> -> memref<88x128xf32, #tpu.memory_space<vmem>>
        %dma_wait3A_128 = arith.constant 2432 : i32
        %dma_wait3A_129 = arith.constant 0 : i32
        %dma_wait3A_130 = tpu.memref_slice %arg14[%dma_wait3A_128, %dma_wait3A_129] : memref<2520x128xf32, #tpu.memory_space<vmem_shared>> -> memref<88x128xf32, #tpu.memory_space<vmem_shared>>
        %dma_wait3A_131 = arith.constant 2432 : i32
        %dma_wait3A_132 = arith.constant 0 : i32
        %dma_wait3A_133 = tpu.memref_slice %arg14[%dma_wait3A_131, %dma_wait3A_132] : memref<2520x128xf32, #tpu.memory_space<vmem_shared>> -> memref<88x128xf32, #tpu.memory_space<vmem_shared>>
        %dma_wait3A_134 = arith.constant 0 : i32
        %dma_wait3A_135 = arith.constant 0 : i32
        %dma_wait3A_136 = tpu.memref_slice %arg13[%dma_wait3A_134, %dma_wait3A_135] : memref<152x128xf32, #tpu.memory_space<vmem>> -> memref<88x128xf32, #tpu.memory_space<vmem>>
        tpu.wait_dma2 semaphore(%run_scoped3A : memref<!tpu.dma_semaphore, #tpu.memory_space<semaphore_mem>>) src(%dma_wait3A_136 : memref<88x128xf32, #tpu.memory_space<vmem>>) dst(%dma_wait3A_133 : memref<88x128xf32, #tpu.memory_space<vmem_shared>>)
        tpu.yield
      }) : () -> ()
    } else {
    }
    %barrier3A_93 = arith.constant 0 : index
    tpu.barrier barrier_id(%barrier3A_93)
    %scan3A_94 = arith.constant 0 : i32
    %scan3A_95 = arith.constant 0 : i32
    %scan3A_96 = arith.constant 164 : i32
    %scan3A_97 = arith.addi %scan3A_95, %scan3A_96 : i32
    %scan3A_98 = arith.constant 1 : i32
    scf.for %scan3A_115 = %scan3A_95 to %scan3A_97 step %scan3A_98  : i32 {
      %dma_start3A = arith.constant 0 : i32
      %dma_start3A_116 = arith.constant 0 : i32
      %dma_start3A_117 = tpu.memref_slice %arg10[%scan3A_115, %dma_start3A_116] : memref<164x125xi32, #tpu.memory_space<vmem>> -> memref<1x125xi32, #tpu.memory_space<vmem>>
      %dma_start3A_118 = tpu.memref_squeeze %dma_start3A_117 : memref<1x125xi32, #tpu.memory_space<vmem>> -> memref<125xi32, #tpu.memory_space<vmem>>
      %dma_start3A_119 = arith.constant 0 : i32
      %dma_start3A_120 = arith.constant 0 : i32
      %dma_start3A_121 = tpu.memref_slice %arg2[%dma_start3A_119, %dma_start3A_120] : memref<20000x128xf32, #tpu.memory_space<hbm>> -> memref<20000x128xf32, #tpu.memory_space<hbm>>
      %dma_start3A_122 = tpu.memref_slice %arg15[%dma_start3A] : memref<2x!tpu.dma_semaphore, #tpu.memory_space<semaphore_mem>> -> memref<1x!tpu.dma_semaphore, #tpu.memory_space<semaphore_mem>>
      %dma_start3A_123 = tpu.memref_squeeze %dma_start3A_122 : memref<1x!tpu.dma_semaphore, #tpu.memory_space<semaphore_mem>> -> memref<!tpu.dma_semaphore, #tpu.memory_space<semaphore_mem>>
      tpu.enqueue_indirect_dma source(%dma_start3A_121 : memref<20000x128xf32, #tpu.memory_space<hbm>>) target(%arg12 : memref<125x128xf32, #tpu.memory_space<vmem>>) offsets(%dma_start3A_118 : memref<125xi32, #tpu.memory_space<vmem>>) semaphore(%dma_start3A_123 : memref<!tpu.dma_semaphore, #tpu.memory_space<semaphore_mem>>)
      %dma_wait3A = arith.constant 0 : i32
      %dma_wait3A_124 = arith.constant 0 : i32
      %dma_wait3A_125 = tpu.memref_slice %arg10[%scan3A_115, %dma_wait3A_124] : memref<164x125xi32, #tpu.memory_space<vmem>> -> memref<1x125xi32, #tpu.memory_space<vmem>>
      %dma_wait3A_126 = tpu.memref_squeeze %dma_wait3A_125 : memref<1x125xi32, #tpu.memory_space<vmem>> -> memref<125xi32, #tpu.memory_space<vmem>>
      %dma_wait3A_127 = arith.constant 0 : i32
      %dma_wait3A_128 = arith.constant 0 : i32
      %dma_wait3A_129 = tpu.memref_slice %arg2[%dma_wait3A_127, %dma_wait3A_128] : memref<20000x128xf32, #tpu.memory_space<hbm>> -> memref<20000x128xf32, #tpu.memory_space<hbm>>
      %dma_wait3A_130 = tpu.memref_slice %arg15[%dma_wait3A] : memref<2x!tpu.dma_semaphore, #tpu.memory_space<semaphore_mem>> -> memref<1x!tpu.dma_semaphore, #tpu.memory_space<semaphore_mem>>
      %dma_wait3A_131 = tpu.memref_squeeze %dma_wait3A_130 : memref<1x!tpu.dma_semaphore, #tpu.memory_space<semaphore_mem>> -> memref<!tpu.dma_semaphore, #tpu.memory_space<semaphore_mem>>
      tpu.wait_indirect_dma semaphore(%dma_wait3A_131 : memref<!tpu.dma_semaphore, #tpu.memory_space<semaphore_mem>>) src(%dma_wait3A_129 : memref<20000x128xf32, #tpu.memory_space<hbm>>) dst(%arg12 : memref<125x128xf32, #tpu.memory_space<vmem>>)
      "tpu.region"() ({
        %run_scoped3A = tpu.sem_alloc : memref<!tpu.dma_semaphore, #tpu.memory_space<semaphore_mem>>
        %dma_start3A_132 = arith.constant 0 : i32
        %dma_start3A_133 = tpu.memref_slice %arg11[%scan3A_115, %dma_start3A_132] : memref<164x125xi32, #tpu.memory_space<vmem>> -> memref<1x125xi32, #tpu.memory_space<vmem>>
        %dma_start3A_134 = tpu.memref_squeeze %dma_start3A_133 : memref<1x125xi32, #tpu.memory_space<vmem>> -> memref<125xi32, #tpu.memory_space<vmem>>
        %dma_start3A_135 = arith.constant 0 : i32
        %dma_start3A_136 = arith.constant 0 : i32
        %dma_start3A_137 = tpu.memref_slice %arg14[%dma_start3A_135, %dma_start3A_136] : memref<2520x128xf32, #tpu.memory_space<vmem_shared>> -> memref<2520x128xf32, #tpu.memory_space<vmem_shared>>
        tpu.enqueue_indirect_dma source(%arg12 : memref<125x128xf32, #tpu.memory_space<vmem>>) target(%dma_start3A_137 : memref<2520x128xf32, #tpu.memory_space<vmem_shared>>) offsets(%dma_start3A_134 : memref<125xi32, #tpu.memory_space<vmem>>) semaphore(%run_scoped3A : memref<!tpu.dma_semaphore, #tpu.memory_space<semaphore_mem>>) {add = true}
        %dma_wait3A_138 = arith.constant 0 : i32
        %dma_wait3A_139 = tpu.memref_slice %arg11[%scan3A_115, %dma_wait3A_138] : memref<164x125xi32, #tpu.memory_space<vmem>> -> memref<1x125xi32, #tpu.memory_space<vmem>>
        %dma_wait3A_140 = tpu.memref_squeeze %dma_wait3A_139 : memref<1x125xi32, #tpu.memory_space<vmem>> -> memref<125xi32, #tpu.memory_space<vmem>>
        %dma_wait3A_141 = arith.constant 0 : i32
        %dma_wait3A_142 = arith.constant 0 : i32
        %dma_wait3A_143 = tpu.memref_slice %arg14[%dma_wait3A_141, %dma_wait3A_142] : memref<2520x128xf32, #tpu.memory_space<vmem_shared>> -> memref<2520x128xf32, #tpu.memory_space<vmem_shared>>
        tpu.wait_indirect_dma semaphore(%run_scoped3A : memref<!tpu.dma_semaphore, #tpu.memory_space<semaphore_mem>>) src(%arg12 : memref<125x128xf32, #tpu.memory_space<vmem>>) dst(%dma_wait3A_143 : memref<2520x128xf32, #tpu.memory_space<vmem_shared>>)
        tpu.yield
      }) : () -> ()
    }
    %scan3A_99 = arith.constant 164 : i32
    %barrier3A_100 = arith.constant 0 : index
    tpu.barrier barrier_id(%barrier3A_100)
    %mul3A_101 = arith.constant 10000 : i32
    %mul3A_102 = arith.muli %arg0, %mul3A_101 : i32
    %add3A_103 = arith.constant 7536 : i32
    %add3A_104 = arith.addi %mul3A_102, %add3A_103 : i32
    %mul3A_105 = arith.constant 152 : i32
    %mul3A_106 = arith.muli %arg1, %mul3A_105 : i32
    "tpu.region"() ({
      %run_scoped3A = tpu.sem_alloc : memref<!tpu.dma_semaphore, #tpu.memory_space<semaphore_mem>>
      %dma_start3A = arith.constant 0 : i32
      %dma_start3A_115 = tpu.memref_slice %arg14[%mul3A_106, %dma_start3A] : memref<2520x128xf32, #tpu.memory_space<vmem_shared>> -> memref<152x128xf32, #tpu.memory_space<vmem_shared>>
      %dma_start3A_116 = arith.constant 0 : i32
      %dma_start3A_117 = tpu.memref_slice %arg14[%mul3A_106, %dma_start3A_116] : memref<2520x128xf32, #tpu.memory_space<vmem_shared>> -> memref<152x128xf32, #tpu.memory_space<vmem_shared>>
      tpu.enqueue_dma source(%dma_start3A_117 : memref<152x128xf32, #tpu.memory_space<vmem_shared>>) target(%arg13 : memref<152x128xf32, #tpu.memory_space<vmem>>) target_semaphore(%run_scoped3A : memref<!tpu.dma_semaphore, #tpu.memory_space<semaphore_mem>>)
      %dma_wait3A = arith.constant 0 : i32
      %dma_wait3A_118 = tpu.memref_slice %arg14[%mul3A_106, %dma_wait3A] : memref<2520x128xf32, #tpu.memory_space<vmem_shared>> -> memref<152x128xf32, #tpu.memory_space<vmem_shared>>
      %dma_wait3A_119 = arith.constant 0 : i32
      %dma_wait3A_120 = tpu.memref_slice %arg14[%mul3A_106, %dma_wait3A_119] : memref<2520x128xf32, #tpu.memory_space<vmem_shared>> -> memref<152x128xf32, #tpu.memory_space<vmem_shared>>
      tpu.wait_dma2 semaphore(%run_scoped3A : memref<!tpu.dma_semaphore, #tpu.memory_space<semaphore_mem>>) src(%dma_wait3A_120 : memref<152x128xf32, #tpu.memory_space<vmem_shared>>) dst(%arg13 : memref<152x128xf32, #tpu.memory_space<vmem>>)
      tpu.yield
    }) : () -> ()
    %mul3A_107 = arith.constant 152 : i32
    %mul3A_108 = arith.muli %arg1, %mul3A_107 : i32
    %add3A_109 = arith.addi %add3A_104, %mul3A_108 : i32
    "tpu.region"() ({
      %run_scoped3A = tpu.sem_alloc : memref<!tpu.dma_semaphore, #tpu.memory_space<semaphore_mem>>
      %dma_start3A = arith.constant 0 : i32
      %dma_start3A_115 = tpu.memref_slice %arg9[%add3A_109, %dma_start3A] : memref<20000x128xf32, #tpu.memory_space<hbm>> -> memref<152x128xf32, #tpu.memory_space<hbm>>
      %dma_start3A_116 = arith.constant 0 : i32
      %dma_start3A_117 = tpu.memref_slice %arg9[%add3A_109, %dma_start3A_116] : memref<20000x128xf32, #tpu.memory_space<hbm>> -> memref<152x128xf32, #tpu.memory_space<hbm>>
      tpu.enqueue_dma source(%arg13 : memref<152x128xf32, #tpu.memory_space<vmem>>) target(%dma_start3A_117 : memref<152x128xf32, #tpu.memory_space<hbm>>) target_semaphore(%run_scoped3A : memref<!tpu.dma_semaphore, #tpu.memory_space<semaphore_mem>>)
      %dma_wait3A = arith.constant 0 : i32
      %dma_wait3A_118 = tpu.memref_slice %arg9[%add3A_109, %dma_wait3A] : memref<20000x128xf32, #tpu.memory_space<hbm>> -> memref<152x128xf32, #tpu.memory_space<hbm>>
      %dma_wait3A_119 = arith.constant 0 : i32
      %dma_wait3A_120 = tpu.memref_slice %arg9[%add3A_109, %dma_wait3A_119] : memref<20000x128xf32, #tpu.memory_space<hbm>> -> memref<152x128xf32, #tpu.memory_space<hbm>>
      tpu.wait_dma2 semaphore(%run_scoped3A : memref<!tpu.dma_semaphore, #tpu.memory_space<semaphore_mem>>) src(%arg13 : memref<152x128xf32, #tpu.memory_space<vmem>>) dst(%dma_wait3A_120 : memref<152x128xf32, #tpu.memory_space<hbm>>)
      tpu.yield
    }) : () -> ()
    %eq3A_110 = arith.constant 0 : i32
    %eq3A_111 = arith.cmpi eq, %arg1, %eq3A_110 : i32
    %convert_element_type3A_112 = arith.extui %eq3A_111 : i1 to i32
    %cond3A_113 = arith.constant 0 : i32
    %cond3A_114 = arith.cmpi ne, %convert_element_type3A_112, %cond3A_113 : i32
    scf.if %cond3A_114 {
      "tpu.region"() ({
        %run_scoped3A = tpu.sem_alloc : memref<!tpu.dma_semaphore, #tpu.memory_space<semaphore_mem>>
        %dma_start3A = arith.constant 0 : i32
        %dma_start3A_117 = arith.constant 0 : i32
        %dma_start3A_118 = tpu.memref_slice %arg13[%dma_start3A, %dma_start3A_117] : memref<152x128xf32, #tpu.memory_space<vmem>> -> memref<32x128xf32, #tpu.memory_space<vmem>>
        %dma_start3A_119 = arith.constant 2432 : i32
        %dma_start3A_120 = arith.constant 0 : i32
        %dma_start3A_121 = tpu.memref_slice %arg14[%dma_start3A_119, %dma_start3A_120] : memref<2520x128xf32, #tpu.memory_space<vmem_shared>> -> memref<32x128xf32, #tpu.memory_space<vmem_shared>>
        %dma_start3A_122 = arith.constant 0 : i32
        %dma_start3A_123 = arith.constant 0 : i32
        %dma_start3A_124 = tpu.memref_slice %arg13[%dma_start3A_122, %dma_start3A_123] : memref<152x128xf32, #tpu.memory_space<vmem>> -> memref<32x128xf32, #tpu.memory_space<vmem>>
        %dma_start3A_125 = arith.constant 2432 : i32
        %dma_start3A_126 = arith.constant 0 : i32
        %dma_start3A_127 = tpu.memref_slice %arg14[%dma_start3A_125, %dma_start3A_126] : memref<2520x128xf32, #tpu.memory_space<vmem_shared>> -> memref<32x128xf32, #tpu.memory_space<vmem_shared>>
        tpu.enqueue_dma source(%dma_start3A_127 : memref<32x128xf32, #tpu.memory_space<vmem_shared>>) target(%dma_start3A_124 : memref<32x128xf32, #tpu.memory_space<vmem>>) target_semaphore(%run_scoped3A : memref<!tpu.dma_semaphore, #tpu.memory_space<semaphore_mem>>)
        %dma_wait3A = arith.constant 0 : i32
        %dma_wait3A_128 = arith.constant 0 : i32
        %dma_wait3A_129 = tpu.memref_slice %arg13[%dma_wait3A, %dma_wait3A_128] : memref<152x128xf32, #tpu.memory_space<vmem>> -> memref<32x128xf32, #tpu.memory_space<vmem>>
        %dma_wait3A_130 = arith.constant 2432 : i32
        %dma_wait3A_131 = arith.constant 0 : i32
        %dma_wait3A_132 = tpu.memref_slice %arg14[%dma_wait3A_130, %dma_wait3A_131] : memref<2520x128xf32, #tpu.memory_space<vmem_shared>> -> memref<32x128xf32, #tpu.memory_space<vmem_shared>>
        %dma_wait3A_133 = arith.constant 0 : i32
        %dma_wait3A_134 = arith.constant 0 : i32
        %dma_wait3A_135 = tpu.memref_slice %arg13[%dma_wait3A_133, %dma_wait3A_134] : memref<152x128xf32, #tpu.memory_space<vmem>> -> memref<32x128xf32, #tpu.memory_space<vmem>>
        %dma_wait3A_136 = arith.constant 2432 : i32
        %dma_wait3A_137 = arith.constant 0 : i32
        %dma_wait3A_138 = tpu.memref_slice %arg14[%dma_wait3A_136, %dma_wait3A_137] : memref<2520x128xf32, #tpu.memory_space<vmem_shared>> -> memref<32x128xf32, #tpu.memory_space<vmem_shared>>
        tpu.wait_dma2 semaphore(%run_scoped3A : memref<!tpu.dma_semaphore, #tpu.memory_space<semaphore_mem>>) src(%dma_wait3A_138 : memref<32x128xf32, #tpu.memory_space<vmem_shared>>) dst(%dma_wait3A_135 : memref<32x128xf32, #tpu.memory_space<vmem>>)
        tpu.yield
      }) : () -> ()
      %add3A_115 = arith.constant 2432 : i32
      %add3A_116 = arith.addi %add3A_104, %add3A_115 : i32
      "tpu.region"() ({
        %run_scoped3A = tpu.sem_alloc : memref<!tpu.dma_semaphore, #tpu.memory_space<semaphore_mem>>
        %dma_start3A = arith.constant 0 : i32
        %dma_start3A_117 = arith.constant 0 : i32
        %dma_start3A_118 = tpu.memref_slice %arg13[%dma_start3A, %dma_start3A_117] : memref<152x128xf32, #tpu.memory_space<vmem>> -> memref<32x128xf32, #tpu.memory_space<vmem>>
        %dma_start3A_119 = arith.constant 0 : i32
        %dma_start3A_120 = tpu.memref_slice %arg9[%add3A_116, %dma_start3A_119] : memref<20000x128xf32, #tpu.memory_space<hbm>> -> memref<32x128xf32, #tpu.memory_space<hbm>>
        %dma_start3A_121 = arith.constant 0 : i32
        %dma_start3A_122 = tpu.memref_slice %arg9[%add3A_116, %dma_start3A_121] : memref<20000x128xf32, #tpu.memory_space<hbm>> -> memref<32x128xf32, #tpu.memory_space<hbm>>
        %dma_start3A_123 = arith.constant 0 : i32
        %dma_start3A_124 = arith.constant 0 : i32
        %dma_start3A_125 = tpu.memref_slice %arg13[%dma_start3A_123, %dma_start3A_124] : memref<152x128xf32, #tpu.memory_space<vmem>> -> memref<32x128xf32, #tpu.memory_space<vmem>>
        tpu.enqueue_dma source(%dma_start3A_125 : memref<32x128xf32, #tpu.memory_space<vmem>>) target(%dma_start3A_122 : memref<32x128xf32, #tpu.memory_space<hbm>>) target_semaphore(%run_scoped3A : memref<!tpu.dma_semaphore, #tpu.memory_space<semaphore_mem>>)
        %dma_wait3A = arith.constant 0 : i32
        %dma_wait3A_126 = arith.constant 0 : i32
        %dma_wait3A_127 = tpu.memref_slice %arg13[%dma_wait3A, %dma_wait3A_126] : memref<152x128xf32, #tpu.memory_space<vmem>> -> memref<32x128xf32, #tpu.memory_space<vmem>>
        %dma_wait3A_128 = arith.constant 0 : i32
        %dma_wait3A_129 = tpu.memref_slice %arg9[%add3A_116, %dma_wait3A_128] : memref<20000x128xf32, #tpu.memory_space<hbm>> -> memref<32x128xf32, #tpu.memory_space<hbm>>
        %dma_wait3A_130 = arith.constant 0 : i32
        %dma_wait3A_131 = tpu.memref_slice %arg9[%add3A_116, %dma_wait3A_130] : memref<20000x128xf32, #tpu.memory_space<hbm>> -> memref<32x128xf32, #tpu.memory_space<hbm>>
        %dma_wait3A_132 = arith.constant 0 : i32
        %dma_wait3A_133 = arith.constant 0 : i32
        %dma_wait3A_134 = tpu.memref_slice %arg13[%dma_wait3A_132, %dma_wait3A_133] : memref<152x128xf32, #tpu.memory_space<vmem>> -> memref<32x128xf32, #tpu.memory_space<vmem>>
        tpu.wait_dma2 semaphore(%run_scoped3A : memref<!tpu.dma_semaphore, #tpu.memory_space<semaphore_mem>>) src(%dma_wait3A_134 : memref<32x128xf32, #tpu.memory_space<vmem>>) dst(%dma_wait3A_131 : memref<32x128xf32, #tpu.memory_space<hbm>>)
        tpu.yield
      }) : () -> ()
    } else {
    }
    return
  }
}

module attributes {stable_mosaic.version = 14 : i64} {
  func.func @_mm_body(%arg0: i32, %arg1: memref<2000x128xf32, #tpu.memory_space<vmem>>, %arg2: memref<2000x128xf32, #tpu.memory_space<vmem>>, %arg3: memref<128x128xf32, #tpu.memory_space<vmem>>, %arg4: memref<128x128xf32, #tpu.memory_space<vmem>>, %arg5: memref<128x128xf32, #tpu.memory_space<vmem>>, %arg6: memref<1x128xf32, #tpu.memory_space<vmem>>, %arg7: memref<1x128xf32, #tpu.memory_space<vmem>>, %arg8: memref<2000x128xf32, #tpu.memory_space<vmem>>, %arg9: memref<2000x128xf32, #tpu.memory_space<vmem>>, %arg10: memref<2000x128xf32, #tpu.memory_space<vmem>>) attributes {dimension_semantics = [#tpu.dimension_semantics<arbitrary>], iteration_bounds = array<i64: 5>, scalar_prefetch = 0 : i64, scratch_operands = 0 : i64, tpu.core_type = #tpu.core_type<tc>, window_params = [{transform_indices = @transform_0, window_bounds = array<i64: 2000, 128>}, {transform_indices = @transform_1, window_bounds = array<i64: 2000, 128>}, {pipeline_mode = #tpu.pipeline_mode<synchronous>, transform_indices = @transform_2, window_bounds = array<i64: 128, 128>}, {pipeline_mode = #tpu.pipeline_mode<synchronous>, transform_indices = @transform_3, window_bounds = array<i64: 128, 128>}, {pipeline_mode = #tpu.pipeline_mode<synchronous>, transform_indices = @transform_4, window_bounds = array<i64: 128, 128>}, {pipeline_mode = #tpu.pipeline_mode<synchronous>, transform_indices = @transform_5, window_bounds = array<i64: 1, 128>}, {pipeline_mode = #tpu.pipeline_mode<synchronous>, transform_indices = @transform_6, window_bounds = array<i64: 1, 128>}, {transform_indices = @transform_7, window_bounds = array<i64: 2000, 128>}, {transform_indices = @transform_8, window_bounds = array<i64: 2000, 128>}, {transform_indices = @transform_9, window_bounds = array<i64: 2000, 128>}]} {
    %get3A = arith.constant 0 : index
    %get3A_0 = arith.constant 0 : index
    %get3A_1 = vector.load %arg1[%get3A, %get3A_0] : memref<2000x128xf32, #tpu.memory_space<vmem>>, vector<2000x128xf32>
    %get3A_2 = arith.constant 0 : index
    %get3A_3 = arith.constant 0 : index
    %get3A_4 = vector.load %arg3[%get3A_2, %get3A_3] : memref<128x128xf32, #tpu.memory_space<vmem>>, vector<128x128xf32>
    %dot_general3A = arith.constant dense<0.000000e+00> : vector<2000x128xf32>
    %dot_general3A_5 = tpu.matmul %get3A_1, %get3A_4, %dot_general3A {dimension_numbers = #tpu.dot_dimension_numbers<[1], [0], [0], [1], [0, 0, 1, 1], [], []>, transpose_lhs_hint = false} : vector<2000x128xf32>, vector<128x128xf32>, vector<2000x128xf32> -> vector<2000x128xf32>
    %swap3A = arith.constant 0 : index
    %swap3A_6 = arith.constant 0 : index
    %swap3A_7 = vector.load %arg8[%swap3A, %swap3A_6] : memref<2000x128xf32, #tpu.memory_space<vmem>>, vector<2000x128xf32>
    tpu.vector_store %arg8[%swap3A, %swap3A_6], %dot_general3A_5 {strides = array<i32>} : memref<2000x128xf32, #tpu.memory_space<vmem>>, vector<2000x128xf32>,
    %get3A_8 = arith.constant 0 : index
    %get3A_9 = arith.constant 0 : index
    %get3A_10 = vector.load %arg2[%get3A_8, %get3A_9] : memref<2000x128xf32, #tpu.memory_space<vmem>>, vector<2000x128xf32>
    %get3A_11 = arith.constant 0 : index
    %get3A_12 = arith.constant 0 : index
    %get3A_13 = vector.load %arg4[%get3A_11, %get3A_12] : memref<128x128xf32, #tpu.memory_space<vmem>>, vector<128x128xf32>
    %dot_general3A_14 = arith.constant dense<0.000000e+00> : vector<2000x128xf32>
    %dot_general3A_15 = tpu.matmul %get3A_10, %get3A_13, %dot_general3A_14 {dimension_numbers = #tpu.dot_dimension_numbers<[1], [0], [0], [1], [0, 0, 1, 1], [], []>, transpose_lhs_hint = false} : vector<2000x128xf32>, vector<128x128xf32>, vector<2000x128xf32> -> vector<2000x128xf32>
    %get3A_16 = arith.constant 0 : index
    %get3A_17 = arith.constant 0 : index
    %get3A_18 = vector.load %arg6[%get3A_16, %get3A_17] : memref<1x128xf32, #tpu.memory_space<vmem>>, vector<1x128xf32>
    %add3A = vector.broadcast %get3A_18 : vector<1x128xf32> to vector<2000x128xf32>
    %add3A_19 = arith.addf %dot_general3A_15, %add3A : vector<2000x128xf32>
    %swap3A_20 = arith.constant 0 : index
    %swap3A_21 = arith.constant 0 : index
    %swap3A_22 = vector.load %arg9[%swap3A_20, %swap3A_21] : memref<2000x128xf32, #tpu.memory_space<vmem>>, vector<2000x128xf32>
    tpu.vector_store %arg9[%swap3A_20, %swap3A_21], %add3A_19 {strides = array<i32>} : memref<2000x128xf32, #tpu.memory_space<vmem>>, vector<2000x128xf32>,
    %get3A_23 = arith.constant 0 : index
    %get3A_24 = arith.constant 0 : index
    %get3A_25 = vector.load %arg5[%get3A_23, %get3A_24] : memref<128x128xf32, #tpu.memory_space<vmem>>, vector<128x128xf32>
    %dot_general3A_26 = arith.constant dense<0.000000e+00> : vector<2000x128xf32>
    %dot_general3A_27 = tpu.matmul %get3A_1, %get3A_25, %dot_general3A_26 {dimension_numbers = #tpu.dot_dimension_numbers<[1], [0], [0], [1], [0, 0, 1, 1], [], []>, transpose_lhs_hint = false} : vector<2000x128xf32>, vector<128x128xf32>, vector<2000x128xf32> -> vector<2000x128xf32>
    %get3A_28 = arith.constant 0 : index
    %get3A_29 = arith.constant 0 : index
    %get3A_30 = vector.load %arg7[%get3A_28, %get3A_29] : memref<1x128xf32, #tpu.memory_space<vmem>>, vector<1x128xf32>
    %add3A_31 = vector.broadcast %get3A_30 : vector<1x128xf32> to vector<2000x128xf32>
    %add3A_32 = arith.addf %dot_general3A_27, %add3A_31 : vector<2000x128xf32>
    %swap3A_33 = arith.constant 0 : index
    %swap3A_34 = arith.constant 0 : index
    %swap3A_35 = vector.load %arg10[%swap3A_33, %swap3A_34] : memref<2000x128xf32, #tpu.memory_space<vmem>>, vector<2000x128xf32>
    tpu.vector_store %arg10[%swap3A_33, %swap3A_34], %add3A_32 {strides = array<i32>} : memref<2000x128xf32, #tpu.memory_space<vmem>>, vector<2000x128xf32>,
    return
  }
  func.func @transform_0(%arg0: i32) -> (i32, i32) {
    %c0_i32 = arith.constant 0 : i32
    %c0_i32_0 = arith.constant 0 : i32
    return %arg0, %c0_i32 : i32, i32
  }
  func.func @transform_1(%arg0: i32) -> (i32, i32) {
    %c0_i32 = arith.constant 0 : i32
    %c0_i32_0 = arith.constant 0 : i32
    return %arg0, %c0_i32 : i32, i32
  }
  func.func @transform_2(%arg0: i32) -> (i32, i32) {
    %c0_i32 = arith.constant 0 : i32
    %c0_i32_0 = arith.constant 0 : i32
    %c0_i32_1 = arith.constant 0 : i32
    return %c0_i32, %c0_i32_0 : i32, i32
  }
  func.func @transform_3(%arg0: i32) -> (i32, i32) {
    %c0_i32 = arith.constant 0 : i32
    %c0_i32_0 = arith.constant 0 : i32
    %c0_i32_1 = arith.constant 0 : i32
    return %c0_i32, %c0_i32_0 : i32, i32
  }
  func.func @transform_4(%arg0: i32) -> (i32, i32) {
    %c0_i32 = arith.constant 0 : i32
    %c0_i32_0 = arith.constant 0 : i32
    %c0_i32_1 = arith.constant 0 : i32
    return %c0_i32, %c0_i32_0 : i32, i32
  }
  func.func @transform_5(%arg0: i32) -> (i32, i32) {
    %c0_i32 = arith.constant 0 : i32
    %c0_i32_0 = arith.constant 0 : i32
    %c0_i32_1 = arith.constant 0 : i32
    return %c0_i32, %c0_i32_0 : i32, i32
  }
  func.func @transform_6(%arg0: i32) -> (i32, i32) {
    %c0_i32 = arith.constant 0 : i32
    %c0_i32_0 = arith.constant 0 : i32
    %c0_i32_1 = arith.constant 0 : i32
    return %c0_i32, %c0_i32_0 : i32, i32
  }
  func.func @transform_7(%arg0: i32) -> (i32, i32) {
    %c0_i32 = arith.constant 0 : i32
    %c0_i32_0 = arith.constant 0 : i32
    return %arg0, %c0_i32 : i32, i32
  }
  func.func @transform_8(%arg0: i32) -> (i32, i32) {
    %c0_i32 = arith.constant 0 : i32
    %c0_i32_0 = arith.constant 0 : i32
    return %arg0, %c0_i32 : i32, i32
  }
  func.func @transform_9(%arg0: i32) -> (i32, i32) {
    %c0_i32 = arith.constant 0 : i32
    %c0_i32_0 = arith.constant 0 : i32
    return %arg0, %c0_i32 : i32, i32
  }
}

module attributes {stable_mosaic.version = 14 : i64} {
  func.func @_scale_body(%arg0: i32, %arg1: memref<2000x128xf32, #tpu.memory_space<vmem>>, %arg2: memref<2000x128xf32, #tpu.memory_space<vmem>>, %arg3: memref<2000x1xf32, #tpu.memory_space<vmem>>, %arg4: memref<2x2000x128xf32, #tpu.memory_space<vmem>>, %arg5: memref<2000x1xf32, #tpu.memory_space<vmem>>) attributes {dimension_semantics = [#tpu.dimension_semantics<arbitrary>], iteration_bounds = array<i64: 5>, scalar_prefetch = 0 : i64, scratch_operands = 0 : i64, tpu.core_type = #tpu.core_type<tc>, window_params = [{transform_indices = @transform_0, window_bounds = array<i64: 2000, 128>}, {transform_indices = @transform_1, window_bounds = array<i64: 2000, 128>}, {transform_indices = @transform_2, window_bounds = array<i64: 2000, 1>}, {transform_indices = @transform_3, window_bounds = array<i64: 2, 2000, 128>}, {transform_indices = @transform_4, window_bounds = array<i64: 2000, 1>}]} {
    %get3A = arith.constant 0 : index
    %get3A_0 = arith.constant 0 : index
    %get3A_1 = vector.load %arg3[%get3A, %get3A_0] : memref<2000x1xf32, #tpu.memory_space<vmem>>, vector<2000x1xf32>
    %add3A = arith.constant 1.000000e+00 : f32
    %add3A_2 = vector.broadcast %add3A : f32 to vector<2000x1xf32>
    %add3A_3 = arith.addf %get3A_1, %add3A_2 : vector<2000x1xf32>
    %rsqrt3A = math.rsqrt %add3A_3 : vector<2000x1xf32>
    %get3A_4 = arith.constant 0 : index
    %get3A_5 = arith.constant 0 : index
    %get3A_6 = vector.load %arg1[%get3A_4, %get3A_5] : memref<2000x128xf32, #tpu.memory_space<vmem>>, vector<2000x128xf32>
    %mul3A = vector.broadcast %rsqrt3A : vector<2000x1xf32> to vector<2000x128xf32>
    %mul3A_7 = arith.mulf %get3A_6, %mul3A : vector<2000x128xf32>
    %swap3A = arith.constant 0 : index
    %swap3A_8 = arith.constant 0 : index
    %swap3A_9 = arith.constant 0 : index
    %swap3A_10 = vector.load %arg4[%swap3A, %swap3A_8, %swap3A_9] : memref<2x2000x128xf32, #tpu.memory_space<vmem>>, vector<1x2000x128xf32>
    %swap3A_11 = vector.shape_cast %swap3A_10 : vector<1x2000x128xf32> to vector<2000x128xf32>
    %swap3A_12 = vector.shape_cast %mul3A_7 : vector<2000x128xf32> to vector<1x2000x128xf32>
    tpu.vector_store %arg4[%swap3A, %swap3A_8, %swap3A_9], %swap3A_12 {strides = array<i32>} : memref<2x2000x128xf32, #tpu.memory_space<vmem>>, vector<1x2000x128xf32>,
    %get3A_13 = arith.constant 0 : index
    %get3A_14 = arith.constant 0 : index
    %get3A_15 = vector.load %arg2[%get3A_13, %get3A_14] : memref<2000x128xf32, #tpu.memory_space<vmem>>, vector<2000x128xf32>
    %swap3A_16 = arith.constant 1 : index
    %swap3A_17 = arith.constant 0 : index
    %swap3A_18 = arith.constant 0 : index
    %swap3A_19 = vector.load %arg4[%swap3A_16, %swap3A_17, %swap3A_18] : memref<2x2000x128xf32, #tpu.memory_space<vmem>>, vector<1x2000x128xf32>
    %swap3A_20 = vector.shape_cast %swap3A_19 : vector<1x2000x128xf32> to vector<2000x128xf32>
    %swap3A_21 = vector.shape_cast %get3A_15 : vector<2000x128xf32> to vector<1x2000x128xf32>
    tpu.vector_store %arg4[%swap3A_16, %swap3A_17, %swap3A_18], %swap3A_21 {strides = array<i32>} : memref<2x2000x128xf32, #tpu.memory_space<vmem>>, vector<1x2000x128xf32>,
    %swap3A_22 = arith.constant 0 : index
    %swap3A_23 = arith.constant 0 : index
    %swap3A_24 = vector.load %arg5[%swap3A_22, %swap3A_23] : memref<2000x1xf32, #tpu.memory_space<vmem>>, vector<2000x1xf32>
    tpu.vector_store %arg5[%swap3A_22, %swap3A_23], %rsqrt3A {strides = array<i32>} : memref<2000x1xf32, #tpu.memory_space<vmem>>, vector<2000x1xf32>,
    return
  }
  func.func @transform_0(%arg0: i32) -> (i32, i32) {
    %c0_i32 = arith.constant 0 : i32
    %c0_i32_0 = arith.constant 0 : i32
    return %arg0, %c0_i32 : i32, i32
  }
  func.func @transform_1(%arg0: i32) -> (i32, i32) {
    %c0_i32 = arith.constant 0 : i32
    %c0_i32_0 = arith.constant 0 : i32
    return %arg0, %c0_i32 : i32, i32
  }
  func.func @transform_2(%arg0: i32) -> (i32, i32) {
    %c0_i32 = arith.constant 0 : i32
    %c0_i32_0 = arith.constant 0 : i32
    return %arg0, %c0_i32 : i32, i32
  }
  func.func @transform_3(%arg0: i32) -> (i32, i32, i32) {
    %c0_i32 = arith.constant 0 : i32
    %c0_i32_0 = arith.constant 0 : i32
    %c0_i32_1 = arith.constant 0 : i32
    return %c0_i32, %arg0, %c0_i32_0 : i32, i32, i32
  }
  func.func @transform_4(%arg0: i32) -> (i32, i32) {
    %c0_i32 = arith.constant 0 : i32
    %c0_i32_0 = arith.constant 0 : i32
    return %arg0, %c0_i32 : i32, i32
  }
}

module attributes {stable_mosaic.version = 14 : i64} {
  func.func @_final_body(%arg0: i32, %arg1: memref<2x2000x128xf32, #tpu.memory_space<vmem>>, %arg2: memref<1x2000x128xf32, #tpu.memory_space<vmem>>, %arg3: memref<2000x128xf32, #tpu.memory_space<vmem>>, %arg4: memref<2000x1xf32, #tpu.memory_space<vmem>>, %arg5: memref<2000x1xf32, #tpu.memory_space<vmem>>, %arg6: memref<1x128xf32, #tpu.memory_space<vmem>>, %arg7: memref<2000x128xf32, #tpu.memory_space<vmem>>) attributes {dimension_semantics = [#tpu.dimension_semantics<arbitrary>], iteration_bounds = array<i64: 5>, scalar_prefetch = 0 : i64, scratch_operands = 0 : i64, tpu.core_type = #tpu.core_type<tc>, window_params = [{transform_indices = @transform_0, window_bounds = array<i64: 2, 2000, 128>}, {transform_indices = @transform_1, window_bounds = array<i64: 1, 2000, 128>}, {transform_indices = @transform_2, window_bounds = array<i64: 2000, 128>}, {transform_indices = @transform_3, window_bounds = array<i64: 2000, 1>}, {transform_indices = @transform_4, window_bounds = array<i64: 2000, 1>}, {pipeline_mode = #tpu.pipeline_mode<synchronous>, transform_indices = @transform_5, window_bounds = array<i64: 1, 128>}, {transform_indices = @transform_6, window_bounds = array<i64: 2000, 128>}]} {
    %get3A = arith.constant 0 : index
    %get3A_0 = arith.constant 0 : index
    %get3A_1 = arith.constant 0 : index
    %get3A_2 = vector.load %arg1[%get3A, %get3A_0, %get3A_1] : memref<2x2000x128xf32, #tpu.memory_space<vmem>>, vector<2x2000x128xf32>
    %slice3A = vector.extract_strided_slice %get3A_2 {offsets = [0, 0, 0], sizes = [1, 2000, 128], strides = [1, 1, 1]} : vector<2x2000x128xf32> to vector<1x2000x128xf32>
    %squeeze3A = vector.shape_cast %slice3A : vector<1x2000x128xf32> to vector<2000x128xf32>
    %slice3A_3 = vector.extract_strided_slice %get3A_2 {offsets = [1, 0, 0], sizes = [1, 2000, 128], strides = [1, 1, 1]} : vector<2x2000x128xf32> to vector<1x2000x128xf32>
    %squeeze3A_4 = vector.shape_cast %slice3A_3 : vector<1x2000x128xf32> to vector<2000x128xf32>
    %get3A_5 = arith.constant 0 : index
    %get3A_6 = arith.constant 0 : index
    %get3A_7 = arith.constant 0 : index
    %get3A_8 = vector.load %arg2[%get3A_5, %get3A_6, %get3A_7] : memref<1x2000x128xf32, #tpu.memory_space<vmem>>, vector<1x2000x128xf32>
    %get3A_9 = vector.shape_cast %get3A_8 : vector<1x2000x128xf32> to vector<2000x128xf32>
    %get3A_10 = arith.constant 0 : index
    %get3A_11 = arith.constant 0 : index
    %get3A_12 = vector.load %arg5[%get3A_10, %get3A_11] : memref<2000x1xf32, #tpu.memory_space<vmem>>, vector<2000x1xf32>
    %get3A_13 = arith.constant 0 : index
    %get3A_14 = arith.constant 0 : index
    %get3A_15 = vector.load %arg4[%get3A_13, %get3A_14] : memref<2000x1xf32, #tpu.memory_space<vmem>>, vector<2000x1xf32>
    %add3A = arith.addf %squeeze3A, %get3A_9 : vector<2000x128xf32>
    %mul3A = vector.broadcast %get3A_15 : vector<2000x1xf32> to vector<2000x128xf32>
    %mul3A_16 = arith.mulf %mul3A, %add3A : vector<2000x128xf32>
    %get3A_17 = arith.constant 0 : index
    %get3A_18 = arith.constant 0 : index
    %get3A_19 = vector.load %arg6[%get3A_17, %get3A_18] : memref<1x128xf32, #tpu.memory_space<vmem>>, vector<1x128xf32>
    %add3A_20 = vector.broadcast %get3A_19 : vector<1x128xf32> to vector<2000x128xf32>
    %add3A_21 = arith.addf %mul3A_16, %add3A_20 : vector<2000x128xf32>
    %max3A = arith.constant 1.000000e+00 : f32
    %max3A_22 = vector.broadcast %max3A : f32 to vector<2000x1xf32>
    %max3A_23 = arith.maximumf %get3A_12, %max3A_22 : vector<2000x1xf32>
    %div3A = vector.broadcast %max3A_23 : vector<2000x1xf32> to vector<2000x128xf32>
    %div3A_24 = arith.divf %squeeze3A_4, %div3A : vector<2000x128xf32>
    %add3A_25 = arith.addf %add3A_21, %div3A_24 : vector<2000x128xf32>
    %get3A_26 = arith.constant 0 : index
    %get3A_27 = arith.constant 0 : index
    %get3A_28 = vector.load %arg3[%get3A_26, %get3A_27] : memref<2000x128xf32, #tpu.memory_space<vmem>>, vector<2000x128xf32>
    %add3A_29 = arith.addf %add3A_25, %get3A_28 : vector<2000x128xf32>
    %add3A_30 = arith.constant 9.99999997E-7 : f32
    %add3A_31 = vector.broadcast %add3A_30 : f32 to vector<2000x128xf32>
    %add3A_32 = arith.addf %add3A_29, %add3A_31 : vector<2000x128xf32>
    %reduce_sum3A = arith.constant dense<0.000000e+00> : vector<2000xf32>
    %reduce_sum3A_33 = vector.multi_reduction <add>, %add3A_32, %reduce_sum3A [1] : vector<2000x128xf32> to vector<2000xf32>
    %broadcast_in_dim3A = vector.shape_cast %reduce_sum3A_33 : vector<2000xf32> to vector<2000x1xf32>
    %div3A_34 = arith.constant 1.280000e+02 : f32
    %div3A_35 = vector.broadcast %div3A_34 : f32 to vector<2000x1xf32>
    %div3A_36 = arith.divf %broadcast_in_dim3A, %div3A_35 : vector<2000x1xf32>
    %sub3A = vector.broadcast %div3A_36 : vector<2000x1xf32> to vector<2000x128xf32>
    %sub3A_37 = arith.subf %add3A_32, %sub3A : vector<2000x128xf32>
    %mul3A_38 = arith.mulf %sub3A_37, %sub3A_37 : vector<2000x128xf32>
    %reduce_sum3A_39 = arith.constant dense<0.000000e+00> : vector<2000xf32>
    %reduce_sum3A_40 = vector.multi_reduction <add>, %mul3A_38, %reduce_sum3A_39 [1] : vector<2000x128xf32> to vector<2000xf32>
    %broadcast_in_dim3A_41 = vector.shape_cast %reduce_sum3A_40 : vector<2000xf32> to vector<2000x1xf32>
    %div3A_42 = arith.constant 1.280000e+02 : f32
    %div3A_43 = vector.broadcast %div3A_42 : f32 to vector<2000x1xf32>
    %div3A_44 = arith.divf %broadcast_in_dim3A_41, %div3A_43 : vector<2000x1xf32>
    %add3A_45 = arith.constant 9.99999974E-6 : f32
    %add3A_46 = vector.broadcast %add3A_45 : f32 to vector<2000x1xf32>
    %add3A_47 = arith.addf %div3A_44, %add3A_46 : vector<2000x1xf32>
    %rsqrt3A = math.rsqrt %add3A_47 : vector<2000x1xf32>
    %mul3A_48 = vector.broadcast %rsqrt3A : vector<2000x1xf32> to vector<2000x128xf32>
    %mul3A_49 = arith.mulf %sub3A_37, %mul3A_48 : vector<2000x128xf32>
    %swap3A = arith.constant 0 : index
    %swap3A_50 = arith.constant 0 : index
    %swap3A_51 = vector.load %arg7[%swap3A, %swap3A_50] : memref<2000x128xf32, #tpu.memory_space<vmem>>, vector<2000x128xf32>
    tpu.vector_store %arg7[%swap3A, %swap3A_50], %mul3A_49 {strides = array<i32>} : memref<2000x128xf32, #tpu.memory_space<vmem>>, vector<2000x128xf32>,
    return
  }
  func.func @transform_0(%arg0: i32) -> (i32, i32, i32) {
    %c0_i32 = arith.constant 0 : i32
    %c0_i32_0 = arith.constant 0 : i32
    %c0_i32_1 = arith.constant 0 : i32
    return %c0_i32, %arg0, %c0_i32_0 : i32, i32, i32
  }
  func.func @transform_1(%arg0: i32) -> (i32, i32, i32) {
    %c0_i32 = arith.constant 0 : i32
    %c0_i32_0 = arith.constant 0 : i32
    %c0_i32_1 = arith.constant 0 : i32
    return %c0_i32, %arg0, %c0_i32_0 : i32, i32, i32
  }
  func.func @transform_2(%arg0: i32) -> (i32, i32) {
    %c0_i32 = arith.constant 0 : i32
    %c0_i32_0 = arith.constant 0 : i32
    return %arg0, %c0_i32 : i32, i32
  }
  func.func @transform_3(%arg0: i32) -> (i32, i32) {
    %c0_i32 = arith.constant 0 : i32
    %c0_i32_0 = arith.constant 0 : i32
    return %arg0, %c0_i32 : i32, i32
  }
  func.func @transform_4(%arg0: i32) -> (i32, i32) {
    %c0_i32 = arith.constant 0 : i32
    %c0_i32_0 = arith.constant 0 : i32
    return %arg0, %c0_i32 : i32, i32
  }
  func.func @transform_5(%arg0: i32) -> (i32, i32) {
    %c0_i32 = arith.constant 0 : i32
    %c0_i32_0 = arith.constant 0 : i32
    %c0_i32_1 = arith.constant 0 : i32
    return %c0_i32, %c0_i32_0 : i32, i32
  }
  func.func @transform_6(%arg0: i32) -> (i32, i32) {
    %c0_i32 = arith.constant 0 : i32
    %c0_i32_0 = arith.constant 0 : i32
    return %arg0, %c0_i32 : i32, i32
  }
}

</mosaic_0001>

<sc_bundles>
// kernel: kernel.10.cloned.1.call-start
scs
__scs_entry_jumppad:
0x0: {  	(pc) =	sbr.rel $0x88, $3  }
0x1: {  	(tag) =	ssettag $0x0;
	lr =	simm.s32 $0x1  }
0x2: {  	[smem:$0x3F97] =	sst lr;
	_ =	strace $0xD0000000  }
0x3: {  	_ = 	snop  }
0x4: {  	_ = 	snop  }
0x5: {  	_ = 	snop  }
0x6: {  	_ = 	snop  }
0x7: {  	_ = 	snop  }
__scs_overlays_trampoline_lowered:
0x8: {  	[smem:$0x3FA6] =	sst s0  }
0x9: {  	[smem:$0x3FA7] =	sst s1  }
0xa: {  	[smem:$0x3FA8] =	sst s2  }
0xb: {  	[smem:$0x3FA9] =	sst s3  }
0xc: {  	[smem:$0x3FAA] =	sst s4  }
0xd: {  	[smem:$0x3FAB] =	sst s5  }
0xe: {  	[smem:$0x3FAC] =	sst s6  }
0xf: {  	[smem:$0x3FAD] =	sst s7  }
0x10: {  	[smem:$0x3FAE] =	sst s8  }
0x11: {  	[smem:$0x3FAF] =	sst s9;
	s0 =	simm.s32 @!p0 $0x0  }
0x12: {  	s1 =	sld [smem:$0x3F95];
	s0 =	simm.s32 @p0 $0x1  }
0x13: {  	[smem:$0x3FB0] =	sst s0;
	s0 =	simm.s32 @!p1 $0x0  }
0x14: {  	s2 =	sld [smem:$0x3F94];
	s0 =	simm.s32 @p1 $0x1  }
0x15: {  	[smem:$0x3FB1] =	sst s0;
	s0 =	simm.s32 @!p2 $0x0  }
0x16: {  	s3 =	sld [smem:$0x3FDB];
	s0 =	simm.s32 @p2 $0x1  }
0x17: {  	s4 =	simm.s32 $0x1BF5;
	[smem:$0x3FB3] =	sst s0  }
0x18: {  	s0 =	sld [smem:$0x3F96];
	_ =	swait.ge [sflag:s4], $0x0  }
0x19: {  	s7 =	sld [smem:$0x3F97]  }
0x1a: {  	s8 =	sadd.s32 $0xFFFFE003, lr  }
0x1b: {  	s9 =	sadd.s32 $0xFFFFFEF7, lr;
	s5 =	simm.s32 $0xFFFFFFFF;
	p2 =	slt.u32 s8, $0xFFFFF086  }
0x1c: {  	p1 =	slt.u32 s9, $0xF7A;
	s5 =	simm.s32 @!p2 $0x0  }
0x1d: {  	s5 =	simm.s32 @p1 $0x1;
	p0 =	seq.s32 s7, s2  }
0x1e: {  	s7 =	smul.u32 @!p0 $0xF7A, s2;
	p2 =	seq.s32 @!p0 s5, $0x0  }
0x1f: {  	s9 =	smul.u32 $0xF7A, s1;
	s8 =	simm.s32 @!p0 $0x1BF5;
	p2 =	por !p2, p0  }
0x20: {  	[sflag:s8] =	ssyncset.s32 @!p0 $0xFFFFF086;
	s6 =	sadd.s32 @!p0 s3, s7;
	s7 =	simm.s32 @!p0 $0x108  }
0x21: {  	s3 =	sadd.s32 s3, s9;
	s6 =	sadd.s32 @!p0 $0x88, s6;
	s7 =	simm.s32 @p2 $0x1082  }
0x22: {  	[simem:s7], [sflag:s8] =	dma.local @!p0 [hbm:s6], $0xF7A  }
0x23: {  	s9 =	sor.u32 $0xD0000000, s2;
	s6 =	simm.s32 $0x108;
	_ =	swait.ge @!p0 [sflag:s8], $0x0  }
0x24: {  	s3 =	sadd.s32 $0x88, s3;
	s6 =	simm.s32 @!p1 $0x1082;
	[sflag:s4] =	ssyncset.s32 $0xFFFFF086  }
0x25: {  	[simem:s6], [sflag:s4] =	dma.local [hbm:s3], $0xF7A  }
0x26: {  	[smem:$0x3F97] =	sst s1;
	(tag) =	ssettag s2;
	_ =	strace s9  }
0x27: {  	s1 =	sld [smem:$0x3FA7]  }
0x28: {  	s2 =	sld [smem:$0x3FA8]  }
0x29: {  	s4 =	sld [smem:$0x3FAA]  }
0x2a: {  	p0 =	seq.s32 s5, $0x0;
	s5 =	sld [smem:$0x3FAB]  }
0x2b: {  	s6 =	sld [smem:$0x3FAC]  }
0x2c: {  	s7 =	sld [smem:$0x3FAD]  }
0x2d: {  	s3 =	simm.s32 $0x108;
	s8 =	sld [smem:$0x3FAE]  }
0x2e: {  	s3 =	simm.s32 @!p0 $0x1082;
	s9 =	sld [smem:$0x3FAF]  }
0x2f: {  	lr =	sadd.s32 s0, s3;
	s0 =	sld [smem:$0x3FA6]  }
0x30: {  	s3 =	sld [smem:$0x3FA9]  }
0x31: {  	[smem:$0x3FB2] =	sst s10  }
0x32: {  	s10 =	sld [smem:$0x3FB0];
	_ =	sdelay $0x3  }
0x33: {  	p0 =	seq.s32 s10, $0x1;
	s10 =	sld [smem:$0x3FB2];
	_ =	sdelay $0x3  }
0x34: {  	[smem:$0x3FB2] =	sst s10  }
0x35: {  	s10 =	sld [smem:$0x3FB1];
	_ =	sdelay $0x3  }
0x36: {  	p1 =	seq.s32 s10, $0x1;
	s10 =	sld [smem:$0x3FB2];
	_ =	sdelay $0x3  }
0x37: {  	[smem:$0x3FB2] =	sst s10  }
0x38: {  	s10 =	sld [smem:$0x3FB3]  }
0x39: {  	_ = 	snop;
	(pc) =	sbr.ind lr, $3  }
0x3a: {  	_ = 	snop  }
0x3b: {  	_ = 	snop  }
0x3c: {  	p2 =	seq.s32 s10, $0x1;
	s10 =	sld [smem:$0x3FB2]  }
0x3d: {  	_ =	shalt  }
0x3e: {  	_ =	shalt  }
0x3f: {  	_ =	shalt  }
0x40: {  	_ =	shalt  }
0x41: {  	_ =	shalt  }
0x42: {  	_ =	shalt  }
0x43: {  	_ =	shalt  }
0x44: {  	_ =	shalt  }
0x45: {  	_ =	shalt  }
0x46: {  	_ =	shalt  }
0x47: {  	_ =	shalt  }
0x48: {  	_ =	shalt  }
0x49: {  	_ =	shalt  }
0x4a: {  	_ =	shalt  }
0x4b: {  	_ =	shalt  }
0x4c: {  	_ =	shalt  }
0x4d: {  	_ =	shalt  }
0x4e: {  	_ =	shalt  }
0x4f: {  	_ =	shalt  }
0x50: {  	_ =	shalt  }
0x51: {  	_ =	shalt  }
0x52: {  	_ =	shalt  }
0x53: {  	_ =	shalt  }
0x54: {  	_ =	shalt  }
0x55: {  	_ =	shalt  }
0x56: {  	_ =	shalt  }
0x57: {  	_ =	shalt  }
0x58: {  	_ =	shalt  }
0x59: {  	_ =	shalt  }
0x5a: {  	_ =	shalt  }
0x5b: {  	_ =	shalt  }
0x5c: {  	_ =	shalt  }
0x5d: {  	_ =	shalt  }
0x5e: {  	_ =	shalt  }
0x5f: {  	_ =	shalt  }
0x60: {  	_ =	shalt  }
0x61: {  	_ =	shalt  }
0x62: {  	_ =	shalt  }
0x63: {  	_ =	shalt  }
0x64: {  	_ =	shalt  }
0x65: {  	_ =	shalt  }
0x66: {  	_ =	shalt  }
0x67: {  	_ =	shalt  }
0x68: {  	_ =	shalt  }
0x69: {  	_ =	shalt  }
0x6a: {  	_ =	shalt  }
0x6b: {  	_ =	shalt  }
0x6c: {  	_ =	shalt  }
0x6d: {  	_ =	shalt  }
0x6e: {  	_ =	shalt  }
0x6f: {  	_ =	shalt  }
0x70: {  	_ =	shalt  }
0x71: {  	_ =	shalt  }
0x72: {  	_ =	shalt  }
0x73: {  	_ =	shalt  }
0x74: {  	_ =	shalt  }
0x75: {  	_ =	shalt  }
0x76: {  	_ =	shalt  }
0x77: {  	_ =	shalt  }
0x78: {  	_ =	shalt  }
0x79: {  	_ =	shalt  }
0x7a: {  	_ =	shalt  }
0x7b: {  	_ =	shalt  }
0x7c: {  	_ =	shalt  }
0x7d: {  	_ =	shalt  }
0x7e: {  	_ =	shalt  }
0x7f: {  	_ =	shalt  }
0x80: {  	_ =	shalt  }
0x81: {  	_ =	shalt  }
0x82: {  	_ =	shalt  }
0x83: {  	_ =	shalt  }
0x84: {  	_ =	shalt  }
0x85: {  	_ =	shalt  }
0x86: {  	_ =	shalt  }
0x87: {  	_ =	shalt  }
.Lfunc_end0:
.L_simem_size_0:
called_computation.1_lowered:
.L_overlay_start_0:
0x88: {  	s2 =	sld [smem:$0x3FD9]  }
0x89: {  	s3 =	sld [smem:$0x3FFE];
	_ =	sdelay $0x1  }
0x8a: {  	s1 =	srdreg.scid  }
0x8b: {  	s0 =	sand.u32 $0x1, s1  }
0x8c: {  	s17 =	sshll.u32 s0, $0xA;
	s2 =	sadd.s32 s3, s2  }
0x8d: {  	s2 =	sadd.s32 s2, s17  }
0x8e: {  	[smem:$0x3FBE] =	sst s2  }
0x8f: {  	_ = 	snop  }
0x90: {  	s2 =	sld [smem:$0x3FD0];
	(tm) =	ssettm $0x1  }
0x91: {  	s18 =	sld [smem:$0x3FFB];
	_ =	sdelay $0x3  }
0x92: {  	_ =	strace s18  }
0x93: {  	s3 =	sld [smem:$0x3FFC];
	_ =	sdelay $0x3  }
0x94: {  	_ =	strace s3  }
0x95: {  	s3 =	sld [smem:$0x3FFD];
	_ =	sdelay $0x3  }
0x96: {  	_ =	strace s3  }
0x97: {  	_ =	strace $0x8FFFFFFF  }
0x98: {  	s19 =	sld [smem:$0x3FDB];
	_ =	sdelay $0x1  }
0x99: {  	s4 =	simm.s32 $_scs_section_size  }
0x9a: {  	s5 =	simm.s32 $_size__tile_overlayer_lowered;
	s6 =	simm.s32 $_tile_overlayer_lowered  }
0x9b: {  	s22 =	simm.s32 $0x1BFF;
	s21 =	sshll.u32 s6, $0x1;
	s3 =	sadd.s32 s4, s19  }
0x9c: {  	s7 =	simm.s32 $0x0;
	s20 =	sshll.u32 s5, $0x1;
	s5 =	sadd.s32 s21, s3  }
0x9d: {  	[timem:s7], [sflag:s22] =	dma.local [hbm:s5], s20  }
0x9e: {  	_ =	swait.ge [sflag:s22], s20  }
0x9f: {  	s4 =	ssub.s32 $0x0, s20;
	[sflag:s22] =	ssyncset.done $0x0  }
0xa0: {  	[sflag:s22] =	ssyncadd.s32 s4;
	_ =	sdelay $0x1  }
0xa1: {  	s23 =	simm.s32 $0x1B8B  }
0xa2: {  	_ =	swait.ge [sflag:s23], $0x1  }
0xa3: {  	[sflag:s23] =	ssyncset.done $0x0  }
0xa4: {  	s25 =	simm.s32 $0x1B8E;
	s24 =	sld [smem:$0x3FFE];
	[sflag:s23] =	ssyncadd.s32 $0xFFFFFFFF  }
0xa5: {  	s26 =	simm.s32 $execute0_lowered;
	[smem:$0x3FD2] =	sst s25  }
0xa6: {  	s5 =	sshll.u32 s26, $0x1;
	_ =	strace $0x80000049;
	[dreg:$0x1] =	wrdreg $0xFFFFFFFF  }
0xa7: {  	s28 =	simm.s32 $_size_execute0_lowered;
	s3 =	sadd.s32 s3, s5;
	[dreg:$0x0] =	wrdreg $0x0  }
0xa8: {  	s5 =	sshll.u32 s28, $0x1;
	[dreg:$0x2] =	wrdreg s3  }
0xa9: {  	[dreg:$0x3] =	wrdreg s5  }
0xaa: {  	[dreg:$0x4] =	wrdreg $0xC0  }
0xab: {  	_ =	task [dreg:s7], $0x5FFFF  }
0xac: {  	[dreg:$0x1] =	wrdreg $0xFFFFFFFF  }
0xad: {  	[dreg:$0x0] =	wrdreg $0x60  }
0xae: {  	[dreg:$0x2] =	wrdreg s24  }
0xaf: {  	[dreg:$0x3] =	wrdreg s2  }
0xb0: {  	[dreg:$0x4] =	wrdreg $0x134000  }
0xb1: {  	[dreg:$0x5] =	wrdreg $0x9  }
0xb2: {  	_ =	task.clear_ibuf [dreg:s7], $0x6FFFF;
	_ =	strace $0x90000049  }
0xb3: {  	s29 =	simm.s32 $0x9;
	_ =	strace $0x8000004B  }
0xb4: {  	_ =	swait.ge [sflag:s29], $0x1  }
0xb5: {  	[sflag:s29] =	ssyncadd.s32 $0xFFFFFFFF  }
0xb6: {  	_ =	strace $0x9000004B  }
0xb7: {  	_ =	sfence  }
0xb8: {  	s30 =	sld [smem:$0x0];
	_ =	sdelay $0x2  }
0xb9: {  	s31 =	sshll.u32 s1, $0xD;
	s1 =	sshrl.u32 s1, $0x2  }
0xba: {  	s3 =	sand.u32 $0x4000, s31;
	s1 =	sadd.s32 s1, s30  }
0xbb: {  	s0 =	sor.u32 s3, s0;
	s1 =	sshll.u32 s1, $0x11  }
0xbc: {  	s0 =	sor.u32 s1, s0  }
0xbd: {  	s0 =	sadd.s32 $0x8F2B, s0  }
0xbe: {  	[sflag:s0] =	ssyncadd.remote.s32 $0x1  }
0xbf: {  	_ =	sfence.sel $0xFFFF  }
0xc0: {  	[dreg:$0x0] =	wrdreg $0xFFFFFFFF;
	(pc) =	sbr.abs _section_cstart, $3  }
0xc1: {  	[dreg:$0x1] =	wrdreg $0xFFFFFFFF  }
0xc2: {  	_ =	task.clear_ibuf [dreg:s7], $0x2FFFF;
	_ =	strace $0x9FFFFFFF  }
0xc3: {  	(tm) =	ssettm $0x7FFFFFFF  }
tec
execute0_lowered:
.L_overlay_start_1:
0x0: {  	(tag) =	ssettag $0x1  }
0x1: {  	s5 =	rddreg [dreg:$0x0]  }
0x2: {  	s0 =	srdreg.scid;
	s1 =	rddreg [dreg:$0x1]  }
0x3: {  	s21 =	stileid.u32;
	s2 =	rddreg [dreg:$0x2];
	s3 =	simm.s32 $0x0  }
0x4: {  	s22 =	simm.s32 $0x5400;
	s23 =	simm.s32 $0xE800;
	s24 =	simm.s32 $0x7D  }
0x5: {  	s25 =	simm.s32 $0xA800;
	s28 =	simm.s32 $0x0;
	s8 =	smul.u32 $0x98, s21  }
0x6: {  	s6 =	sand.u32 $0x1, s0;
	[smem:$0x7FF] =	sst s3;
	s9 =	smul.u32 $0x13000, s21  }
0x7: {  	s11 =	sadd.s32 $0xCD800, s5;
	p0 =	sne.s32 s21, $0x0;
	s0 =	sshll.u32 s6, $0x4  }
0x8: {  	_ =	strace $0x8000004A;
	s26 =	ssub.s32 $0x2, s6;
	s10 =	smul.u32 $0x2710, s6  }
0x9: {  	s12 =	smul.u32 $0x138800, s6;
	s4 =	sor.u32 s21, s0;
	s29 =	sshrl.u32 s26, $0x1  }
0xa: {  	s30 =	sshrl.u32 s9, $0x2;
	s21 =	simm.s32 $0x3;
	s7 =	smul.u32 $0xA80, s4  }
0xb: {  	s4 =	sadd.s32 $0x7F600, s5;
	s20 =	ssub.s32 s26, s29;
	s8 =	sadd.s32 s8, s10  }
0xc: {  	s31 =	sshrl.u32 s12, $0x3;
	s26 =	simm.s32 $0x1;
	s10 =	sshll.u32 s8, $0x4  }
0xd: {  	s19 =	sadd.s32 s11, s31;
	s8 =	sadd.s32 $0x4C000, s2;
	s20 =	smax.u32 s20, $0x1  }
0xe: {  	s17 =	sadd.s32 s7, s5;
	s7 =	sadd.s32 s30, s2;
	s9 =	sadd.s32 s11, s10  }
0xf: {  	s10 =	sadd.s32 $0x9800, s19;
	s13 =	sadd.s32 $0x13500, s19;
	s16 =	sadd.s32 $0x1D200, s19  }
0x10: {  	s19 =	sadd.s32 $0x26F00, s19;
	s5 =	sadd.s32 $0x16600, s17;
	s6 =	sadd.s32 $0x2B600, s17  }
0x11: {  	s11 =	sadd.s32 $0x40600, s17;
	s12 =	sadd.s32 $0x9D00, s9;
	s14 =	sadd.s32 $0x55600, s17  }
0x12: {  	s15 =	sadd.s32 $0x13A00, s9;
	s17 =	sadd.s32 $0x6A600, s17;
	s18 =	sadd.s32 $0x1D700, s9  }
.LBB2_1:
0x13: {  	[tilespmem:s3], [sflag:$0x3] =	stream.linear.gather [hbm4b:s5+s3], $0x5200, $0x38;
	[tilespmem:$0x182C0] =	vst v63  }
0x14: {  	_ =	swait.ge [sflag:s21], $0x5200  }
0x15: {  	[sflag:s21] =	ssyncset.done $0x0  }
0x16: {  	[sflag:s21] =	ssyncadd.s32 $0xFFFFAE00  }
0x17: {  	[tilespmem:s22], [sflag:$0x3] =	stream.linear.gather [hbm4b:s6+s3], $0x5200, $0x38;
	[tilespmem:$0x182C0] =	vst v63  }
0x18: {  	_ =	swait.ge [sflag:s21], $0x5200  }
0x19: {  	[sflag:s21] =	ssyncset.done $0x0  }
0x1a: {  	[sflag:s21] =	ssyncadd.s32 $0xFFFFAE00  }
0x1b: {  	[tilespmem:s23], [sflag:$0x3] =	stream.linear.gather [hbm4b:s1+s3], $0x4C00, $0x38;
	[tilespmem:$0x182C0] =	vst v63  }
0x1c: {  	_ =	swait.ge [sflag:s21], $0x4C00  }
0x1d: {  	[sflag:s21] =	ssyncset.done $0x0  }
0x1e: {  	[sflag:s21] =	ssyncadd.s32 $0xFFFFB400  }
0x1f: {  	[spmem:s7] =	stream.linear.scatter [tilespmem:s23], [sflag:$0x3], $0x4C00, $0x38;
	[tilespmem:$0x182C0] =	vst v63  }
0x20: {  	_ =	swait.ge [sflag:s21], $0x4C00  }
0x21: {  	[sflag:s21] =	ssyncset.done $0x0  }
0x22: {  	s29 =	simm.s32 @!p0 $0xE800;
	[sflag:s21] =	ssyncadd.s32 $0xFFFFB400  }
0x23: {  	[spmem:s8] =	stream.linear.scatter @!p0 [tilespmem:s29], [sflag:$0x3], $0x2C00, $0x38;
	[tilespmem:$0x182C0] =	vst v63  }
0x24: {  	s29 =	simm.s32 @!p0 $0x3  }
0x25: {  	_ =	swait.ge @!p0 [sflag:s29], $0x2C00  }
0x26: {  	[sflag:s29] =	ssyncset.done @!p0 $0x0  }
0x27: {  	[sflag:s29] =	ssyncadd.s32 @!p0 $0xFFFFD400  }
0x28: {  	s29 =	simm.s32 $0x0;
	[bflag:$0x0] =	sbarrier.arrive $0xFFFF  }
0x29: {  	[tilespmem:s25], [sflag:$0x1] =	stream.indirect.gather [hbm4b:s4+s24], $0x80, s29, s24, $0xb8;
	[tilespmem:$0x182C0] =	vst v63  }
0x2a: {  	_ =	swait.ge [sflag:s26], $0x3E80  }
0x2b: {  	[sflag:s26] =	ssyncset.done $0x0  }
0x2c: {  	s29 =	simm.s32 $0x5400;
	[sflag:s26] =	ssyncadd.s32 $0xFFFFC180  }
0x2d: {  	[spmem:s2] =	stream.indirect.scatter.add.f32 [tilespmem:s25], [sflag:$0x3], $0x80, s29, s24, $0xb8;
	[tilespmem:$0x182C0] =	vst v63  }
0x2e: {  	_ =	swait.ge [sflag:s21], $0x3E80  }
0x2f: {  	s30 =	simm.s32 $0x400;
	s29 =	simm.s32 $0x200;
	[sflag:s21] =	ssyncset.done $0x0  }
.LBB2_2:
0x30: {  	s31 =	sshra.s32 s29, $0x2  }
0x31: {  	[sflag:s21] =	ssyncadd.s32 $0xFFFFC180;
	s29 =	smov.u32 s30;
	s0 =	sadd.s32 $0x200, s30  }
0x32: {  	[tilespmem:s25], [sflag:$0x1] =	stream.indirect.gather [hbm4b:s4+s24], $0x80, s31, s24, $0xb8;
	[tilespmem:$0x182C0] =	vst v63  }
0x33: {  	p1 =	sne.s32 s30, $0x14600;
	_ =	swait.ge [sflag:s26], $0x3E80  }
.Ltmp0:
0x34: {  	[sflag:s26] =	ssyncset.done $0x0;
	(pc) =	sbr.rel @p1 .LBB2_2-.Ltmp0, $4  }
0x35: {  	s30 =	sadd.s32 $0x5400, s31;
	[sflag:s26] =	ssyncadd.s32 $0xFFFFC180  }
0x36: {  	[spmem:s2] =	stream.indirect.scatter.add.f32 [tilespmem:s25], [sflag:$0x3], $0x80, s30, s24, $0xb8;
	[tilespmem:$0x182C0] =	vst v63  }
0x37: {  	_ =	swait.ge [sflag:s21], $0x3E80  }
0x38: {  	s30 =	smov.u32 s0;
	[sflag:s21] =	ssyncset.done $0x0  }
0x39: {  	s0 =	sshra.s32 s29, $0x2;
	[sflag:s21] =	ssyncadd.s32 $0xFFFFC180  }
0x3a: {  	[tilespmem:s25], [sflag:$0x1] =	stream.indirect.gather [hbm4b:s4+s24], $0x80, s0, s24, $0xb8;
	[tilespmem:$0x182C0] =	vst v63  }
0x3b: {  	_ =	swait.ge [sflag:s26], $0x3E80  }
0x3c: {  	[sflag:s26] =	ssyncset.done $0x0  }
0x3d: {  	s0 =	sadd.s32 $0x5400, s0;
	[sflag:s26] =	ssyncadd.s32 $0xFFFFC180  }
0x3e: {  	[spmem:s2] =	stream.indirect.scatter.add.f32 [tilespmem:s25], [sflag:$0x3], $0x80, s0, s24, $0xb8;
	[tilespmem:$0x182C0] =	vst v63  }
0x3f: {  	_ =	swait.ge [sflag:s21], $0x3E80  }
0x40: {  	[sflag:s21] =	ssyncset.done $0x0  }
0x41: {  	[sflag:s21] =	ssyncadd.s32 $0xFFFFC180  }
0x42: {  	[bflag:$0x0] =	sbarrier.arrive $0xFFFF  }
0x43: {  	[tilespmem:s23], [sflag:$0x3] =	stream.linear.gather [spmem:s7], $0x4C00, $0x38;
	[tilespmem:$0x182C0] =	vst v63  }
0x44: {  	_ =	swait.ge [sflag:s21], $0x4C00  }
0x45: {  	[sflag:s21] =	ssyncset.done $0x0  }
0x46: {  	[sflag:s21] =	ssyncadd.s32 $0xFFFFB400  }
0x47: {  	[hbm4b:s9+s3] =	stream.linear.scatter [tilespmem:s23], [sflag:$0x3], $0x4C00, $0x38;
	[tilespmem:$0x182C0] =	vst v63  }
0x48: {  	_ =	swait.ge [sflag:s21], $0x4C00  }
0x49: {  	[sflag:s21] =	ssyncset.done $0x0  }
0x4a: {  	s29 =	simm.s32 @!p0 $0x3;
	s0 =	simm.s32 @!p0 $0xE800;
	[sflag:s21] =	ssyncadd.s32 $0xFFFFB400  }
0x4b: {  	[tilespmem:s0], [sflag:$0x3] =	stream.linear.gather @!p0 [spmem:s8], $0x2800, $0x38;
	[tilespmem:$0x182C0] =	vst v63  }
0x4c: {  	_ =	swait.ge @!p0 [sflag:s29], $0x2800  }
0x4d: {  	[sflag:s29] =	ssyncset.done @!p0 $0x0  }
0x4e: {  	s30 =	simm.s32 @!p0 $0x0;
	[sflag:s29] =	ssyncadd.s32 @!p0 $0xFFFFD800  }
0x4f: {  	[hbm4b:s10+s30] =	stream.linear.scatter @!p0 [tilespmem:s0], [sflag:$0x3], $0x2800, $0x38;
	[tilespmem:$0x182C0] =	vst v63  }
0x50: {  	_ =	swait.ge @!p0 [sflag:s29], $0x2800  }
0x51: {  	[sflag:s29] =	ssyncset.done @!p0 $0x0  }
0x52: {  	[sflag:s29] =	ssyncadd.s32 @!p0 $0xFFFFD800  }
0x53: {  	[bflag:$0x0] =	sbarrier.arrive $0xFFFF  }
0x54: {  	[tilespmem:s22], [sflag:$0x3] =	stream.linear.gather [hbm4b:s11+s3], $0x5200, $0x38;
	[tilespmem:$0x182C0] =	vst v63  }
0x55: {  	_ =	swait.ge [sflag:s21], $0x5200  }
0x56: {  	[sflag:s21] =	ssyncset.done $0x0  }
0x57: {  	[sflag:s21] =	ssyncadd.s32 $0xFFFFAE00  }
0x58: {  	[tilespmem:s23], [sflag:$0x3] =	stream.linear.gather [hbm4b:s1+s3], $0x4C00, $0x38;
	[tilespmem:$0x182C0] =	vst v63  }
0x59: {  	_ =	swait.ge [sflag:s21], $0x4C00  }
0x5a: {  	[sflag:s21] =	ssyncset.done $0x0  }
0x5b: {  	[sflag:s21] =	ssyncadd.s32 $0xFFFFB400  }
0x5c: {  	[spmem:s7] =	stream.linear.scatter [tilespmem:s23], [sflag:$0x3], $0x4C00, $0x38;
	[tilespmem:$0x182C0] =	vst v63  }
0x5d: {  	_ =	swait.ge [sflag:s21], $0x4C00  }
0x5e: {  	[sflag:s21] =	ssyncset.done $0x0  }
0x5f: {  	[sflag:s21] =	ssyncadd.s32 $0xFFFFB400  }
0x60: {  	[spmem:s8] =	stream.linear.scatter @!p0 [tilespmem:s0], [sflag:$0x3], $0x2C00, $0x38;
	[tilespmem:$0x182C0] =	vst v63  }
0x61: {  	_ =	swait.ge @!p0 [sflag:s29], $0x2C00  }
0x62: {  	[sflag:s29] =	ssyncset.done @!p0 $0x0  }
0x63: {  	[sflag:s29] =	ssyncadd.s32 @!p0 $0xFFFFD400  }
0x64: {  	s31 =	simm.s32 $0x0;
	[bflag:$0x0] =	sbarrier.arrive $0xFFFF  }
0x65: {  	[tilespmem:s25], [sflag:$0x1] =	stream.indirect.gather [hbm4b:s4+s24], $0x80, s31, s24, $0xb8;
	[tilespmem:$0x182C0] =	vst v63  }
0x66: {  	_ =	swait.ge [sflag:s26], $0x3E80  }
0x67: {  	[sflag:s26] =	ssyncset.done $0x0  }
0x68: {  	s31 =	simm.s32 $0x5400;
	[sflag:s26] =	ssyncadd.s32 $0xFFFFC180  }
0x69: {  	[spmem:s2] =	stream.indirect.scatter.add.f32 [tilespmem:s25], [sflag:$0x3], $0x80, s31, s24, $0xb8;
	[tilespmem:$0x182C0] =	vst v63  }
0x6a: {  	_ =	swait.ge [sflag:s21], $0x3E80  }
0x6b: {  	s30 =	simm.s32 $0x400;
	s29 =	simm.s32 $0x200;
	[sflag:s21] =	ssyncset.done $0x0  }
.LBB2_4:
0x6c: {  	s0 =	sshra.s32 s29, $0x2  }
0x6d: {  	[sflag:s21] =	ssyncadd.s32 $0xFFFFC180;
	s29 =	smov.u32 s30;
	s31 =	sadd.s32 $0x200, s30  }
0x6e: {  	[tilespmem:s25], [sflag:$0x1] =	stream.indirect.gather [hbm4b:s4+s24], $0x80, s0, s24, $0xb8;
	[tilespmem:$0x182C0] =	vst v63  }
0x6f: {  	p1 =	sne.s32 s30, $0x14600;
	_ =	swait.ge [sflag:s26], $0x3E80  }
.Ltmp1:
0x70: {  	[sflag:s26] =	ssyncset.done $0x0;
	(pc) =	sbr.rel @p1 .LBB2_4-.Ltmp1, $4  }
0x71: {  	s0 =	sadd.s32 $0x5400, s0;
	[sflag:s26] =	ssyncadd.s32 $0xFFFFC180  }
0x72: {  	[spmem:s2] =	stream.indirect.scatter.add.f32 [tilespmem:s25], [sflag:$0x3], $0x80, s0, s24, $0xb8;
	[tilespmem:$0x182C0] =	vst v63  }
0x73: {  	_ =	swait.ge [sflag:s21], $0x3E80  }
0x74: {  	s30 =	smov.u32 s31;
	[sflag:s21] =	ssyncset.done $0x0  }
0x75: {  	s0 =	sshra.s32 s29, $0x2;
	[sflag:s21] =	ssyncadd.s32 $0xFFFFC180  }
0x76: {  	[tilespmem:s25], [sflag:$0x1] =	stream.indirect.gather [hbm4b:s4+s24], $0x80, s0, s24, $0xb8;
	[tilespmem:$0x182C0] =	vst v63  }
0x77: {  	_ =	swait.ge [sflag:s26], $0x3E80  }
0x78: {  	[sflag:s26] =	ssyncset.done $0x0  }
0x79: {  	s0 =	sadd.s32 $0x5400, s0;
	[sflag:s26] =	ssyncadd.s32 $0xFFFFC180  }
0x7a: {  	[spmem:s2] =	stream.indirect.scatter.add.f32 [tilespmem:s25], [sflag:$0x3], $0x80, s0, s24, $0xb8;
	[tilespmem:$0x182C0] =	vst v63  }
0x7b: {  	_ =	swait.ge [sflag:s21], $0x3E80  }
0x7c: {  	[sflag:s21] =	ssyncset.done $0x0  }
0x7d: {  	[sflag:s21] =	ssyncadd.s32 $0xFFFFC180  }
0x7e: {  	[bflag:$0x0] =	sbarrier.arrive $0xFFFF  }
0x7f: {  	[tilespmem:s23], [sflag:$0x3] =	stream.linear.gather [spmem:s7], $0x4C00, $0x38;
	[tilespmem:$0x182C0] =	vst v63  }
0x80: {  	_ =	swait.ge [sflag:s21], $0x4C00  }
0x81: {  	[sflag:s21] =	ssyncset.done $0x0  }
0x82: {  	[sflag:s21] =	ssyncadd.s32 $0xFFFFB400  }
0x83: {  	[hbm4b:s12+s3] =	stream.linear.scatter [tilespmem:s23], [sflag:$0x3], $0x4C00, $0x38;
	[tilespmem:$0x182C0] =	vst v63  }
0x84: {  	_ =	swait.ge [sflag:s21], $0x4C00  }
0x85: {  	[sflag:s21] =	ssyncset.done $0x0  }
0x86: {  	s29 =	simm.s32 @!p0 $0x3;
	s0 =	simm.s32 @!p0 $0xE800;
	[sflag:s21] =	ssyncadd.s32 $0xFFFFB400  }
0x87: {  	[tilespmem:s0], [sflag:$0x3] =	stream.linear.gather @!p0 [spmem:s8], $0x2800, $0x38;
	[tilespmem:$0x182C0] =	vst v63  }
0x88: {  	_ =	swait.ge @!p0 [sflag:s29], $0x2800  }
0x89: {  	[sflag:s29] =	ssyncset.done @!p0 $0x0  }
0x8a: {  	s30 =	simm.s32 @!p0 $0x0;
	[sflag:s29] =	ssyncadd.s32 @!p0 $0xFFFFD800  }
0x8b: {  	[hbm4b:s13+s30] =	stream.linear.scatter @!p0 [tilespmem:s0], [sflag:$0x3], $0x2800, $0x38;
	[tilespmem:$0x182C0] =	vst v63  }
0x8c: {  	_ =	swait.ge @!p0 [sflag:s29], $0x2800  }
0x8d: {  	[sflag:s29] =	ssyncset.done @!p0 $0x0  }
0x8e: {  	[sflag:s29] =	ssyncadd.s32 @!p0 $0xFFFFD800  }
0x8f: {  	[bflag:$0x0] =	sbarrier.arrive $0xFFFF  }
0x90: {  	[tilespmem:s22], [sflag:$0x3] =	stream.linear.gather [hbm4b:s14+s3], $0x5200, $0x38;
	[tilespmem:$0x182C0] =	vst v63  }
0x91: {  	_ =	swait.ge [sflag:s21], $0x5200  }
0x92: {  	[sflag:s21] =	ssyncset.done $0x0  }
0x93: {  	[sflag:s21] =	ssyncadd.s32 $0xFFFFAE00  }
0x94: {  	[tilespmem:s23], [sflag:$0x3] =	stream.linear.gather [hbm4b:s1+s3], $0x4C00, $0x38;
	[tilespmem:$0x182C0] =	vst v63  }
0x95: {  	_ =	swait.ge [sflag:s21], $0x4C00  }
0x96: {  	[sflag:s21] =	ssyncset.done $0x0  }
0x97: {  	[sflag:s21] =	ssyncadd.s32 $0xFFFFB400  }
0x98: {  	[spmem:s7] =	stream.linear.scatter [tilespmem:s23], [sflag:$0x3], $0x4C00, $0x38;
	[tilespmem:$0x182C0] =	vst v63  }
0x99: {  	_ =	swait.ge [sflag:s21], $0x4C00  }
0x9a: {  	[sflag:s21] =	ssyncset.done $0x0  }
0x9b: {  	[sflag:s21] =	ssyncadd.s32 $0xFFFFB400  }
0x9c: {  	[spmem:s8] =	stream.linear.scatter @!p0 [tilespmem:s0], [sflag:$0x3], $0x2C00, $0x38;
	[tilespmem:$0x182C0] =	vst v63  }
0x9d: {  	_ =	swait.ge @!p0 [sflag:s29], $0x2C00  }
0x9e: {  	[sflag:s29] =	ssyncset.done @!p0 $0x0  }
0x9f: {  	[sflag:s29] =	ssyncadd.s32 @!p0 $0xFFFFD400  }
0xa0: {  	s31 =	simm.s32 $0x0;
	[bflag:$0x0] =	sbarrier.arrive $0xFFFF  }
0xa1: {  	[tilespmem:s25], [sflag:$0x1] =	stream.indirect.gather [hbm4b:s4+s24], $0x80, s31, s24, $0xb8;
	[tilespmem:$0x182C0] =	vst v63  }
0xa2: {  	_ =	swait.ge [sflag:s26], $0x3E80  }
0xa3: {  	[sflag:s26] =	ssyncset.done $0x0  }
0xa4: {  	s31 =	simm.s32 $0x5400;
	[sflag:s26] =	ssyncadd.s32 $0xFFFFC180  }
0xa5: {  	[spmem:s2] =	stream.indirect.scatter.add.f32 [tilespmem:s25], [sflag:$0x3], $0x80, s31, s24, $0xb8;
	[tilespmem:$0x182C0] =	vst v63  }
0xa6: {  	_ =	swait.ge [sflag:s21], $0x3E80  }
0xa7: {  	s30 =	simm.s32 $0x400;
	s29 =	simm.s32 $0x200;
	[sflag:s21] =	ssyncset.done $0x0  }
.LBB2_6:
0xa8: {  	s0 =	sshra.s32 s29, $0x2  }
0xa9: {  	[sflag:s21] =	ssyncadd.s32 $0xFFFFC180;
	s29 =	smov.u32 s30;
	s31 =	sadd.s32 $0x200, s30  }
0xaa: {  	[tilespmem:s25], [sflag:$0x1] =	stream.indirect.gather [hbm4b:s4+s24], $0x80, s0, s24, $0xb8;
	[tilespmem:$0x182C0] =	vst v63  }
0xab: {  	p1 =	sne.s32 s30, $0x14600;
	_ =	swait.ge [sflag:s26], $0x3E80  }
.Ltmp2:
0xac: {  	[sflag:s26] =	ssyncset.done $0x0;
	(pc) =	sbr.rel @p1 .LBB2_6-.Ltmp2, $4  }
0xad: {  	s0 =	sadd.s32 $0x5400, s0;
	[sflag:s26] =	ssyncadd.s32 $0xFFFFC180  }
0xae: {  	[spmem:s2] =	stream.indirect.scatter.add.f32 [tilespmem:s25], [sflag:$0x3], $0x80, s0, s24, $0xb8;
	[tilespmem:$0x182C0] =	vst v63  }
0xaf: {  	_ =	swait.ge [sflag:s21], $0x3E80  }
0xb0: {  	s30 =	smov.u32 s31;
	[sflag:s21] =	ssyncset.done $0x0  }
0xb1: {  	s0 =	sshra.s32 s29, $0x2;
	[sflag:s21] =	ssyncadd.s32 $0xFFFFC180  }
0xb2: {  	[tilespmem:s25], [sflag:$0x1] =	stream.indirect.gather [hbm4b:s4+s24], $0x80, s0, s24, $0xb8;
	[tilespmem:$0x182C0] =	vst v63  }
0xb3: {  	_ =	swait.ge [sflag:s26], $0x3E80  }
0xb4: {  	[sflag:s26] =	ssyncset.done $0x0  }
0xb5: {  	s0 =	sadd.s32 $0x5400, s0;
	[sflag:s26] =	ssyncadd.s32 $0xFFFFC180  }
0xb6: {  	[spmem:s2] =	stream.indirect.scatter.add.f32 [tilespmem:s25], [sflag:$0x3], $0x80, s0, s24, $0xb8;
	[tilespmem:$0x182C0] =	vst v63  }
0xb7: {  	_ =	swait.ge [sflag:s21], $0x3E80  }
0xb8: {  	[sflag:s21] =	ssyncset.done $0x0  }
0xb9: {  	[sflag:s21] =	ssyncadd.s32 $0xFFFFC180  }
0xba: {  	[bflag:$0x0] =	sbarrier.arrive $0xFFFF  }
0xbb: {  	[tilespmem:s23], [sflag:$0x3] =	stream.linear.gather [spmem:s7], $0x4C00, $0x38;
	[tilespmem:$0x182C0] =	vst v63  }
0xbc: {  	_ =	swait.ge [sflag:s21], $0x4C00  }
0xbd: {  	[sflag:s21] =	ssyncset.done $0x0  }
0xbe: {  	[sflag:s21] =	ssyncadd.s32 $0xFFFFB400  }
0xbf: {  	[hbm4b:s15+s3] =	stream.linear.scatter [tilespmem:s23], [sflag:$0x3], $0x4C00, $0x38;
	[tilespmem:$0x182C0] =	vst v63  }
0xc0: {  	_ =	swait.ge [sflag:s21], $0x4C00  }
0xc1: {  	[sflag:s21] =	ssyncset.done $0x0  }
0xc2: {  	s29 =	simm.s32 @!p0 $0x3;
	s0 =	simm.s32 @!p0 $0xE800;
	[sflag:s21] =	ssyncadd.s32 $0xFFFFB400  }
0xc3: {  	[tilespmem:s0], [sflag:$0x3] =	stream.linear.gather @!p0 [spmem:s8], $0x2800, $0x38;
	[tilespmem:$0x182C0] =	vst v63  }
0xc4: {  	_ =	swait.ge @!p0 [sflag:s29], $0x2800  }
0xc5: {  	[sflag:s29] =	ssyncset.done @!p0 $0x0  }
0xc6: {  	s30 =	simm.s32 @!p0 $0x0;
	[sflag:s29] =	ssyncadd.s32 @!p0 $0xFFFFD800  }
0xc7: {  	[hbm4b:s16+s30] =	stream.linear.scatter @!p0 [tilespmem:s0], [sflag:$0x3], $0x2800, $0x38;
	[tilespmem:$0x182C0] =	vst v63  }
0xc8: {  	_ =	swait.ge @!p0 [sflag:s29], $0x2800  }
0xc9: {  	[sflag:s29] =	ssyncset.done @!p0 $0x0  }
0xca: {  	[sflag:s29] =	ssyncadd.s32 @!p0 $0xFFFFD800  }
0xcb: {  	[bflag:$0x0] =	sbarrier.arrive $0xFFFF  }
0xcc: {  	[tilespmem:s22], [sflag:$0x3] =	stream.linear.gather [hbm4b:s17+s3], $0x5200, $0x38;
	[tilespmem:$0x182C0] =	vst v63  }
0xcd: {  	_ =	swait.ge [sflag:s21], $0x5200  }
0xce: {  	[sflag:s21] =	ssyncset.done $0x0  }
0xcf: {  	[sflag:s21] =	ssyncadd.s32 $0xFFFFAE00  }
0xd0: {  	[tilespmem:s23], [sflag:$0x3] =	stream.linear.gather [hbm4b:s1+s3], $0x4C00, $0x38;
	[tilespmem:$0x182C0] =	vst v63  }
0xd1: {  	_ =	swait.ge [sflag:s21], $0x4C00  }
0xd2: {  	[sflag:s21] =	ssyncset.done $0x0  }
0xd3: {  	[sflag:s21] =	ssyncadd.s32 $0xFFFFB400  }
0xd4: {  	[spmem:s7] =	stream.linear.scatter [tilespmem:s23], [sflag:$0x3], $0x4C00, $0x38;
	[tilespmem:$0x182C0] =	vst v63  }
0xd5: {  	_ =	swait.ge [sflag:s21], $0x4C00  }
0xd6: {  	[sflag:s21] =	ssyncset.done $0x0  }
0xd7: {  	[sflag:s21] =	ssyncadd.s32 $0xFFFFB400  }
0xd8: {  	[spmem:s8] =	stream.linear.scatter @!p0 [tilespmem:s0], [sflag:$0x3], $0x2C00, $0x38;
	[tilespmem:$0x182C0] =	vst v63  }
0xd9: {  	_ =	swait.ge @!p0 [sflag:s29], $0x2C00  }
0xda: {  	[sflag:s29] =	ssyncset.done @!p0 $0x0  }
0xdb: {  	[sflag:s29] =	ssyncadd.s32 @!p0 $0xFFFFD400  }
0xdc: {  	s31 =	simm.s32 $0x0;
	[bflag:$0x0] =	sbarrier.arrive $0xFFFF  }
0xdd: {  	[tilespmem:s25], [sflag:$0x1] =	stream.indirect.gather [hbm4b:s4+s24], $0x80, s31, s24, $0xb8;
	[tilespmem:$0x182C0] =	vst v63  }
0xde: {  	_ =	swait.ge [sflag:s26], $0x3E80  }
0xdf: {  	[sflag:s26] =	ssyncset.done $0x0  }
0xe0: {  	s31 =	simm.s32 $0x5400;
	[sflag:s26] =	ssyncadd.s32 $0xFFFFC180  }
0xe1: {  	[spmem:s2] =	stream.indirect.scatter.add.f32 [tilespmem:s25], [sflag:$0x3], $0x80, s31, s24, $0xb8;
	[tilespmem:$0x182C0] =	vst v63  }
0xe2: {  	_ =	swait.ge [sflag:s21], $0x3E80  }
0xe3: {  	s30 =	simm.s32 $0x400;
	s29 =	simm.s32 $0x200;
	[sflag:s21] =	ssyncset.done $0x0  }
.LBB2_8:
0xe4: {  	s0 =	sshra.s32 s29, $0x2  }
0xe5: {  	[sflag:s21] =	ssyncadd.s32 $0xFFFFC180;
	s29 =	smov.u32 s30;
	s31 =	sadd.s32 $0x200, s30  }
0xe6: {  	[tilespmem:s25], [sflag:$0x1] =	stream.indirect.gather [hbm4b:s4+s24], $0x80, s0, s24, $0xb8;
	[tilespmem:$0x182C0] =	vst v63  }
0xe7: {  	p1 =	sne.s32 s30, $0x14600;
	_ =	swait.ge [sflag:s26], $0x3E80  }
.Ltmp3:
0xe8: {  	[sflag:s26] =	ssyncset.done $0x0;
	(pc) =	sbr.rel @p1 .LBB2_8-.Ltmp3, $4  }
0xe9: {  	s0 =	sadd.s32 $0x5400, s0;
	[sflag:s26] =	ssyncadd.s32 $0xFFFFC180  }
0xea: {  	[spmem:s2] =	stream.indirect.scatter.add.f32 [tilespmem:s25], [sflag:$0x3], $0x80, s0, s24, $0xb8;
	[tilespmem:$0x182C0] =	vst v63  }
0xeb: {  	_ =	swait.ge [sflag:s21], $0x3E80  }
0xec: {  	s30 =	smov.u32 s31;
	[sflag:s21] =	ssyncset.done $0x0  }
0xed: {  	s0 =	sshra.s32 s29, $0x2;
	[sflag:s21] =	ssyncadd.s32 $0xFFFFC180  }
0xee: {  	[tilespmem:s25], [sflag:$0x1] =	stream.indirect.gather [hbm4b:s4+s24], $0x80, s0, s24, $0xb8;
	[tilespmem:$0x182C0] =	vst v63  }
0xef: {  	_ =	swait.ge [sflag:s26], $0x3E80  }
0xf0: {  	[sflag:s26] =	ssyncset.done $0x0  }
0xf1: {  	s0 =	sadd.s32 $0x5400, s0;
	[sflag:s26] =	ssyncadd.s32 $0xFFFFC180  }
0xf2: {  	[spmem:s2] =	stream.indirect.scatter.add.f32 [tilespmem:s25], [sflag:$0x3], $0x80, s0, s24, $0xb8;
	[tilespmem:$0x182C0] =	vst v63  }
0xf3: {  	_ =	swait.ge [sflag:s21], $0x3E80  }
0xf4: {  	[sflag:s21] =	ssyncset.done $0x0  }
0xf5: {  	[sflag:s21] =	ssyncadd.s32 $0xFFFFC180  }
0xf6: {  	[bflag:$0x0] =	sbarrier.arrive $0xFFFF  }
0xf7: {  	[tilespmem:s23], [sflag:$0x3] =	stream.linear.gather [spmem:s7], $0x4C00, $0x38;
	[tilespmem:$0x182C0] =	vst v63  }
0xf8: {  	_ =	swait.ge [sflag:s21], $0x4C00  }
0xf9: {  	[sflag:s21] =	ssyncset.done $0x0  }
0xfa: {  	[sflag:s21] =	ssyncadd.s32 $0xFFFFB400  }
0xfb: {  	[hbm4b:s18+s3] =	stream.linear.scatter [tilespmem:s23], [sflag:$0x3], $0x4C00, $0x38;
	[tilespmem:$0x182C0] =	vst v63  }
0xfc: {  	_ =	swait.ge [sflag:s21], $0x4C00  }
0xfd: {  	[sflag:s21] =	ssyncset.done $0x0  }
0xfe: {  	s29 =	simm.s32 @!p0 $0x3;
	s0 =	simm.s32 @!p0 $0xE800;
	[sflag:s21] =	ssyncadd.s32 $0xFFFFB400  }
0xff: {  	[tilespmem:s0], [sflag:$0x3] =	stream.linear.gather @!p0 [spmem:s8], $0x1000, $0x38;
	[tilespmem:$0x182C0] =	vst v63  }
0x100: {  	s28 =	sadd.s32 $0x1, s28;
	_ =	swait.ge @!p0 [sflag:s29], $0x1000  }
0x101: {  	p1 =	sne.s32 s28, s20;
	[sflag:s29] =	ssyncset.done @!p0 $0x0  }
.Ltmp4:
0x102: {  	s30 =	simm.s32 @!p0 $0x0;
	[sflag:s29] =	ssyncadd.s32 @!p0 $0xFFFFF000;
	(pc) =	sbr.rel @p1 .LBB2_1-.Ltmp4, $4  }
0x103: {  	[hbm4b:s19+s30] =	stream.linear.scatter @!p0 [tilespmem:s0], [sflag:$0x3], $0x1000, $0x38;
	[tilespmem:$0x182C0] =	vst v63  }
0x104: {  	_ =	swait.ge @!p0 [sflag:s29], $0x1000  }
0x105: {  	[sflag:s29] =	ssyncset.done @!p0 $0x0  }
0x106: {  	[sflag:s29] =	ssyncadd.s32 @!p0 $0xFFFFF000  }
0x107: {  	_ =	sfence.sel $0x180000  }
0x108: {  	[bflag:$0x0] =	sbarrier.arrive $0xFFFF  }
0x109: {  	_ =	strace $0x9000004A  }
0x10a: {  	[bflag:$0x2] =	sbarrier.arrive $0xFFFF  }
0x10b: {  	s0 =	rddreg [dreg:$0x3]  }
0x10c: {  	s0 =	sadd.s32 @!p0 $0x100000, s0  }
0x10d: {  	[sflag:s0] =	ssyncadd.tile.s32 @!p0 $0x1;
	_ =	shalt  }
.Lfunc_end2:
_tile_overlayer_lowered:
.L_overlay_start_2:
0x10e: {  	(tag) =	ssettag $0x2  }
0x10f: {  	s0 =	rddreg [dreg:$0x0];
	s2 =	stileid.u32  }
0x110: {  	s1 =	rddreg [dreg:$0x1];
	p0 =	sne.s32 s2, $0x0  }
0x111: {  	s3 =	rddreg [dreg:$0x2];
	[bflag:$0x3] =	sbarrier.arrive $0xFFFF;
	s2 =	simm.s32 @!p0 $0x1C03  }
0x112: {  	[timem:s3], [sflag:s2] =	dma.local @!p0 [hbm:s0], s1  }
0x113: {  	s0 =	simm.s32 @!p0 $0x3  }
0x114: {  	_ =	swait.ge @!p0 [sflag:s0], s1  }
0x115: {  	s1 =	ssub.s32 @!p0 $0x0, s1;
	[sflag:s0] =	ssyncset.done @!p0 $0x0  }
0x116: {  	[sflag:s0] =	ssyncadd.s32 @!p0 s1  }
0x117: {  	[bflag:$0x3] =	sbarrier.arrive $0xFFFF  }
0x118: {  	_ =	shalt  }

// kernel: kernel.7.cloned.1.call-start
scs
__scs_entry_jumppad:
0x0: {  	(pc) =	sbr.rel $0x88, $3  }
0x1: {  	(tag) =	ssettag $0x0;
	lr =	simm.s32 $0x1  }
0x2: {  	[smem:$0x3F97] =	sst lr;
	_ =	strace $0xD0000000  }
0x3: {  	_ = 	snop  }
0x4: {  	_ = 	snop  }
0x5: {  	_ = 	snop  }
0x6: {  	_ = 	snop  }
0x7: {  	_ = 	snop  }
__scs_overlays_trampoline_lowered:
0x8: {  	[smem:$0x3FA6] =	sst s0  }
0x9: {  	[smem:$0x3FA7] =	sst s1  }
0xa: {  	[smem:$0x3FA8] =	sst s2  }
0xb: {  	[smem:$0x3FA9] =	sst s3  }
0xc: {  	[smem:$0x3FAA] =	sst s4  }
0xd: {  	[smem:$0x3FAB] =	sst s5  }
0xe: {  	[smem:$0x3FAC] =	sst s6  }
0xf: {  	[smem:$0x3FAD] =	sst s7  }
0x10: {  	[smem:$0x3FAE] =	sst s8  }
0x11: {  	[smem:$0x3FAF] =	sst s9;
	s0 =	simm.s32 @!p0 $0x0  }
0x12: {  	s1 =	sld [smem:$0x3F95];
	s0 =	simm.s32 @p0 $0x1  }
0x13: {  	[smem:$0x3FB0] =	sst s0;
	s0 =	simm.s32 @!p1 $0x0  }
0x14: {  	s2 =	sld [smem:$0x3F94];
	s0 =	simm.s32 @p1 $0x1  }
0x15: {  	[smem:$0x3FB1] =	sst s0;
	s0 =	simm.s32 @!p2 $0x0  }
0x16: {  	s3 =	sld [smem:$0x3FDB];
	s0 =	simm.s32 @p2 $0x1  }
0x17: {  	s4 =	simm.s32 $0x1BF5;
	[smem:$0x3FB3] =	sst s0  }
0x18: {  	s0 =	sld [smem:$0x3F96];
	_ =	swait.ge [sflag:s4], $0x0  }
0x19: {  	s7 =	sld [smem:$0x3F97]  }
0x1a: {  	s8 =	sadd.s32 $0xFFFFE003, lr  }
0x1b: {  	s9 =	sadd.s32 $0xFFFFFEF7, lr;
	s5 =	simm.s32 $0xFFFFFFFF;
	p2 =	slt.u32 s8, $0xFFFFF086  }
0x1c: {  	p1 =	slt.u32 s9, $0xF7A;
	s5 =	simm.s32 @!p2 $0x0  }
0x1d: {  	s5 =	simm.s32 @p1 $0x1;
	p0 =	seq.s32 s7, s2  }
0x1e: {  	s7 =	smul.u32 @!p0 $0xF7A, s2;
	p2 =	seq.s32 @!p0 s5, $0x0  }
0x1f: {  	s9 =	smul.u32 $0xF7A, s1;
	s8 =	simm.s32 @!p0 $0x1BF5;
	p2 =	por !p2, p0  }
0x20: {  	[sflag:s8] =	ssyncset.s32 @!p0 $0xFFFFF086;
	s6 =	sadd.s32 @!p0 s3, s7;
	s7 =	simm.s32 @!p0 $0x108  }
0x21: {  	s3 =	sadd.s32 s3, s9;
	s6 =	sadd.s32 @!p0 $0x88, s6;
	s7 =	simm.s32 @p2 $0x1082  }
0x22: {  	[simem:s7], [sflag:s8] =	dma.local @!p0 [hbm:s6], $0xF7A  }
0x23: {  	s9 =	sor.u32 $0xD0000000, s2;
	s6 =	simm.s32 $0x108;
	_ =	swait.ge @!p0 [sflag:s8], $0x0  }
0x24: {  	s3 =	sadd.s32 $0x88, s3;
	s6 =	simm.s32 @!p1 $0x1082;
	[sflag:s4] =	ssyncset.s32 $0xFFFFF086  }
0x25: {  	[simem:s6], [sflag:s4] =	dma.local [hbm:s3], $0xF7A  }
0x26: {  	[smem:$0x3F97] =	sst s1;
	(tag) =	ssettag s2;
	_ =	strace s9  }
0x27: {  	s1 =	sld [smem:$0x3FA7]  }
0x28: {  	s2 =	sld [smem:$0x3FA8]  }
0x29: {  	s4 =	sld [smem:$0x3FAA]  }
0x2a: {  	p0 =	seq.s32 s5, $0x0;
	s5 =	sld [smem:$0x3FAB]  }
0x2b: {  	s6 =	sld [smem:$0x3FAC]  }
0x2c: {  	s7 =	sld [smem:$0x3FAD]  }
0x2d: {  	s3 =	simm.s32 $0x108;
	s8 =	sld [smem:$0x3FAE]  }
0x2e: {  	s3 =	simm.s32 @!p0 $0x1082;
	s9 =	sld [smem:$0x3FAF]  }
0x2f: {  	lr =	sadd.s32 s0, s3;
	s0 =	sld [smem:$0x3FA6]  }
0x30: {  	s3 =	sld [smem:$0x3FA9]  }
0x31: {  	[smem:$0x3FB2] =	sst s10  }
0x32: {  	s10 =	sld [smem:$0x3FB0];
	_ =	sdelay $0x3  }
0x33: {  	p0 =	seq.s32 s10, $0x1;
	s10 =	sld [smem:$0x3FB2];
	_ =	sdelay $0x3  }
0x34: {  	[smem:$0x3FB2] =	sst s10  }
0x35: {  	s10 =	sld [smem:$0x3FB1];
	_ =	sdelay $0x3  }
0x36: {  	p1 =	seq.s32 s10, $0x1;
	s10 =	sld [smem:$0x3FB2];
	_ =	sdelay $0x3  }
0x37: {  	[smem:$0x3FB2] =	sst s10  }
0x38: {  	s10 =	sld [smem:$0x3FB3]  }
0x39: {  	_ = 	snop;
	(pc) =	sbr.ind lr, $3  }
0x3a: {  	_ = 	snop  }
0x3b: {  	_ = 	snop  }
0x3c: {  	p2 =	seq.s32 s10, $0x1;
	s10 =	sld [smem:$0x3FB2]  }
0x3d: {  	_ =	shalt  }
0x3e: {  	_ =	shalt  }
0x3f: {  	_ =	shalt  }
0x40: {  	_ =	shalt  }
0x41: {  	_ =	shalt  }
0x42: {  	_ =	shalt  }
0x43: {  	_ =	shalt  }
0x44: {  	_ =	shalt  }
0x45: {  	_ =	shalt  }
0x46: {  	_ =	shalt  }
0x47: {  	_ =	shalt  }
0x48: {  	_ =	shalt  }
0x49: {  	_ =	shalt  }
0x4a: {  	_ =	shalt  }
0x4b: {  	_ =	shalt  }
0x4c: {  	_ =	shalt  }
0x4d: {  	_ =	shalt  }
0x4e: {  	_ =	shalt  }
0x4f: {  	_ =	shalt  }
0x50: {  	_ =	shalt  }
0x51: {  	_ =	shalt  }
0x52: {  	_ =	shalt  }
0x53: {  	_ =	shalt  }
0x54: {  	_ =	shalt  }
0x55: {  	_ =	shalt  }
0x56: {  	_ =	shalt  }
0x57: {  	_ =	shalt  }
0x58: {  	_ =	shalt  }
0x59: {  	_ =	shalt  }
0x5a: {  	_ =	shalt  }
0x5b: {  	_ =	shalt  }
0x5c: {  	_ =	shalt  }
0x5d: {  	_ =	shalt  }
0x5e: {  	_ =	shalt  }
0x5f: {  	_ =	shalt  }
0x60: {  	_ =	shalt  }
0x61: {  	_ =	shalt  }
0x62: {  	_ =	shalt  }
0x63: {  	_ =	shalt  }
0x64: {  	_ =	shalt  }
0x65: {  	_ =	shalt  }
0x66: {  	_ =	shalt  }
0x67: {  	_ =	shalt  }
0x68: {  	_ =	shalt  }
0x69: {  	_ =	shalt  }
0x6a: {  	_ =	shalt  }
0x6b: {  	_ =	shalt  }
0x6c: {  	_ =	shalt  }
0x6d: {  	_ =	shalt  }
0x6e: {  	_ =	shalt  }
0x6f: {  	_ =	shalt  }
0x70: {  	_ =	shalt  }
0x71: {  	_ =	shalt  }
0x72: {  	_ =	shalt  }
0x73: {  	_ =	shalt  }
0x74: {  	_ =	shalt  }
0x75: {  	_ =	shalt  }
0x76: {  	_ =	shalt  }
0x77: {  	_ =	shalt  }
0x78: {  	_ =	shalt  }
0x79: {  	_ =	shalt  }
0x7a: {  	_ =	shalt  }
0x7b: {  	_ =	shalt  }
0x7c: {  	_ =	shalt  }
0x7d: {  	_ =	shalt  }
0x7e: {  	_ =	shalt  }
0x7f: {  	_ =	shalt  }
0x80: {  	_ =	shalt  }
0x81: {  	_ =	shalt  }
0x82: {  	_ =	shalt  }
0x83: {  	_ =	shalt  }
0x84: {  	_ =	shalt  }
0x85: {  	_ =	shalt  }
0x86: {  	_ =	shalt  }
0x87: {  	_ =	shalt  }
.Lfunc_end0:
.L_simem_size_0:
called_computation_lowered:
.L_overlay_start_0:
0x88: {  	s2 =	sld [smem:$0x3FD9]  }
0x89: {  	s3 =	sld [smem:$0x3FFE];
	_ =	sdelay $0x1  }
0x8a: {  	s1 =	srdreg.scid  }
0x8b: {  	s0 =	sand.u32 $0x1, s1  }
0x8c: {  	s16 =	sshll.u32 s0, $0xA;
	s2 =	sadd.s32 s3, s2  }
0x8d: {  	s2 =	sadd.s32 s2, s16  }
0x8e: {  	[smem:$0x3FBE] =	sst s2  }
0x8f: {  	_ = 	snop  }
0x90: {  	(tm) =	ssettm $0x1  }
0x91: {  	s17 =	sld [smem:$0x3FFB];
	_ =	sdelay $0x3  }
0x92: {  	_ =	strace s17  }
0x93: {  	s2 =	sld [smem:$0x3FFC];
	_ =	sdelay $0x3  }
0x94: {  	_ =	strace s2  }
0x95: {  	s2 =	sld [smem:$0x3FFD];
	_ =	sdelay $0x3  }
0x96: {  	_ =	strace s2  }
0x97: {  	_ =	strace $0x8FFFFFFF  }
0x98: {  	s18 =	sld [smem:$0x3FDB];
	_ =	sdelay $0x1  }
0x99: {  	s19 =	simm.s32 $_scs_section_size  }
0x9a: {  	s4 =	simm.s32 $_size__tile_overlayer_lowered;
	s5 =	simm.s32 $_tile_overlayer_lowered  }
0x9b: {  	s22 =	simm.s32 $0x1BFF;
	s21 =	sshll.u32 s5, $0x1;
	s2 =	sadd.s32 s19, s18  }
0x9c: {  	s6 =	simm.s32 $0x0;
	s20 =	sshll.u32 s4, $0x1;
	s4 =	sadd.s32 s21, s2  }
0x9d: {  	[timem:s6], [sflag:s22] =	dma.local [hbm:s4], s20  }
0x9e: {  	_ =	swait.ge [sflag:s22], s20  }
0x9f: {  	s3 =	ssub.s32 $0x0, s20;
	[sflag:s22] =	ssyncset.done $0x0  }
0xa0: {  	[sflag:s22] =	ssyncadd.s32 s3;
	_ =	sdelay $0x1  }
0xa1: {  	s23 =	simm.s32 $0x1B8B  }
0xa2: {  	_ =	swait.ge [sflag:s23], $0x1  }
0xa3: {  	[sflag:s23] =	ssyncset.done $0x0  }
0xa4: {  	s25 =	simm.s32 $0x1B8E;
	s24 =	sld [smem:$0x3FFE];
	[sflag:s23] =	ssyncadd.s32 $0xFFFFFFFF  }
0xa5: {  	s26 =	simm.s32 $execute0_lowered;
	[smem:$0x3FD2] =	sst s25  }
0xa6: {  	s4 =	sshll.u32 s26, $0x1;
	_ =	strace $0x80000046;
	[dreg:$0x1] =	wrdreg $0xFFFFFFFF  }
0xa7: {  	s28 =	simm.s32 $_size_execute0_lowered;
	s2 =	sadd.s32 s2, s4;
	[dreg:$0x0] =	wrdreg $0x0  }
0xa8: {  	s4 =	sshll.u32 s28, $0x1;
	[dreg:$0x2] =	wrdreg s2  }
0xa9: {  	[dreg:$0x3] =	wrdreg s4  }
0xaa: {  	[dreg:$0x4] =	wrdreg $0xC0  }
0xab: {  	_ =	task [dreg:s6], $0x5FFFF  }
0xac: {  	[dreg:$0x1] =	wrdreg $0xFFFFFFFF  }
0xad: {  	[dreg:$0x0] =	wrdreg $0x60  }
0xae: {  	[dreg:$0x2] =	wrdreg s24  }
0xaf: {  	[dreg:$0x3] =	wrdreg $0x56800  }
0xb0: {  	[dreg:$0x4] =	wrdreg $0x9  }
0xb1: {  	_ =	task.clear_ibuf [dreg:s6], $0x5FFFF;
	_ =	strace $0x90000046  }
0xb2: {  	s29 =	simm.s32 $0x9;
	_ =	strace $0x80000048  }
0xb3: {  	_ =	swait.ge [sflag:s29], $0x1  }
0xb4: {  	[sflag:s29] =	ssyncadd.s32 $0xFFFFFFFF  }
0xb5: {  	_ =	strace $0x90000048  }
0xb6: {  	_ =	sfence  }
0xb7: {  	s30 =	sld [smem:$0x0];
	_ =	sdelay $0x2  }
0xb8: {  	s31 =	sshll.u32 s1, $0xD;
	s1 =	sshrl.u32 s1, $0x2  }
0xb9: {  	s3 =	sand.u32 $0x4000, s31;
	s1 =	sadd.s32 s1, s30  }
0xba: {  	s0 =	sor.u32 s3, s0;
	s1 =	sshll.u32 s1, $0x11  }
0xbb: {  	s0 =	sor.u32 s1, s0  }
0xbc: {  	s0 =	sadd.s32 $0x8F2B, s0  }
0xbd: {  	[sflag:s0] =	ssyncadd.remote.s32 $0x1  }
0xbe: {  	_ =	sfence.sel $0xFFFF  }
0xbf: {  	[dreg:$0x0] =	wrdreg $0xFFFFFFFF;
	(pc) =	sbr.abs _section_cstart, $3  }
0xc0: {  	[dreg:$0x1] =	wrdreg $0xFFFFFFFF  }
0xc1: {  	_ =	task.clear_ibuf [dreg:s6], $0x2FFFF;
	_ =	strace $0x9FFFFFFF  }
0xc2: {  	(tm) =	ssettm $0x7FFFFFFF  }
0xc3: {  	_ =	shalt  }
tec
execute0_lowered:
.L_overlay_start_1:
0x0: {  	(tag) =	ssettag $0x1  }
0x1: {  	s0 =	srdreg.scid;
	s3 =	rddreg [dreg:$0x0]  }
0x2: {  	s8 =	stileid.u32;
	s1 =	rddreg [dreg:$0x1];
	s30 =	sand.u32 $0x1, s0  }
0x3: {  	s2 =	simm.s32 $0x0;
	s23 =	simm.s32 $0x80;
	s0 =	sshll.u32 s30, $0x4  }
0x4: {  	[smem:$0x7FF] =	sst s2;
	s5 =	sshll.u32 s8, $0x7;
	s4 =	sor.u32 s8, s0  }
0x5: {  	s17 =	sadd.s32 $0x15800, s3;
	s18 =	sadd.s32 $0x15A00, s3;
	s4 =	sshrl.u32 s4, $0x3  }
0x6: {  	_ =	strace $0x80000047;
	[dreg:$0x3] =	wrdreg s17;
	s4 =	smul.u32 $0x28000, s4  }
0x7: {  	s7 =	smul.u32 $0x270, s8;
	s5 =	sand.u32 $0x380, s5;
	[dreg:$0x4] =	wrdreg s18  }
0x8: {  	s6 =	smul.u32 $0x2710, s30;
	[dreg:$0x8] =	wrdreg s23;
	s4 =	sor.u32 s5, s4  }
0x9: {  	s22 =	rddreg [dreg:$0x3];
	s4 =	sshrl.u32 s4, $0x3  }
0xa: {  	s19 =	sadd.s32 s7, s6;
	s21 =	sshrl.u32 s6, $0x3;
	s4 =	sadd.s32 s4, s3  }
0xb: {  	s5 =	sshrl.u32 s19, $0x3;
	s3 =	sadd.s32 $0x15C00, s3;
	s4 =	sadd.s32 $0x1800, s4  }
0xc: {  	s20 =	sadd.s32 s3, s5;
	s3 =	sadd.s32 s3, s21;
	[dreg:$0x5] =	wrdreg s4  }
0xd: {  	[dreg:$0x6] =	wrdreg s20;
	s3 =	sadd.s32 $0x4E0, s3  }
0xe: {  	s4 =	simm.s32 $0x1;
	[dreg:$0x7] =	wrdreg s3;
	s3 =	simm.s32 $0x5000  }
0xf: {  	[tilespmem:s3], [sflag:$0x1] =	stream.linear.gather [hbm4b:s22+s2], $0x400, $0x38;
	[tilespmem:$0x58F8] =	vst v63  }
0x10: {  	_ =	swait.ge [sflag:s4], $0x400  }
0x11: {  	s24 =	rddreg [dreg:$0x8];
	[sflag:s4] =	ssyncset.done $0x0  }
0x12: {  	s5 =	simm.s32 $0x400;
	s9 =	rddreg [dreg:$0x5];
	[sflag:s4] =	ssyncadd.s32 $0xFFFFFC00  }
0x13: {  	[tilespmem:s2], [sflag:$0x1] =	stream.strided.gather [hbm4b:s9+s24], $0x5000, s5, s24, $0x38;
	[tilespmem:$0x58F8] =	vst v63  }
0x14: {  	_ =	swait.ge [sflag:s4], $0x5000  }
0x15: {  	[sflag:s4] =	ssyncset.done $0x0  }
0x16: {  	s6 =	simm.s32 $0x5400;
	s25 =	rddreg [dreg:$0x4];
	[sflag:s4] =	ssyncadd.s32 $0xFFFFB000  }
0x17: {  	[tilespmem:s6], [sflag:$0x1] =	stream.linear.gather [hbm4b:s25+s2], $0x280, $0x38;
	[tilespmem:$0x58F8] =	vst v63  }
0x18: {  	_ =	swait.ge [sflag:s4], $0x280  }
0x19: {  	[sflag:s4] =	ssyncset.done $0x0  }
0x1a: {  	s7 =	sadd.s32 s7, s1;
	[sflag:s4] =	ssyncadd.s32 $0xFFFFFD80  }
0x1b: {  	[spmem:s7] =	stream.linear.scatter [tilespmem:s6], [sflag:$0x1], $0x270, $0x38;
	[tilespmem:$0x58F8] =	vst v63  }
0x1c: {  	p0 =	sne.s32 s8, $0x0;
	_ =	swait.ge [sflag:s4], $0x270  }
0x1d: {  	s10 =	simm.s32 @!p0 $0x5400;
	[sflag:s4] =	ssyncset.done $0x0  }
0x1e: {  	s8 =	simm.s32 @!p0 $0x1;
	s9 =	sadd.s32 $0x2700, s1;
	[sflag:s4] =	ssyncadd.s32 $0xFFFFFD90  }
0x1f: {  	[spmem:s9] =	stream.linear.scatter @!p0 [tilespmem:s10], [sflag:$0x1], $0x20, $0x38;
	[tilespmem:$0x58F8] =	vst v63  }
0x20: {  	_ =	swait.ge @!p0 [sflag:s8], $0x20  }
0x21: {  	[sflag:s8] =	ssyncset.done @!p0 $0x0  }
0x22: {  	[sflag:s8] =	ssyncadd.s32 @!p0 $0xFFFFFFE0  }
0x23: {  	[bflag:$0x0] =	sbarrier.arrive $0xFFFF  }
0x24: {  	[spmem:s1] =	stream.indirect.scatter.add.f32 [tilespmem:s3], [sflag:$0x1], $0x1, s2, s5, $0xb8;
	[tilespmem:$0x58F8] =	vst v63  }
0x25: {  	_ =	swait.ge [sflag:s4], $0x400  }
0x26: {  	[sflag:s4] =	ssyncset.done $0x0  }
0x27: {  	[sflag:s4] =	ssyncadd.s32 $0xFFFFFC00  }
0x28: {  	[spmem:s1] =	stream.indirect.scatter.add.f32 [tilespmem:s3], [sflag:$0x1], $0x1, s5, s5, $0xb8;
	[tilespmem:$0x58F8] =	vst v63  }
0x29: {  	_ =	swait.ge [sflag:s4], $0x400  }
0x2a: {  	[sflag:s4] =	ssyncset.done $0x0  }
0x2b: {  	s26 =	simm.s32 $0x800;
	[sflag:s4] =	ssyncadd.s32 $0xFFFFFC00  }
0x2c: {  	[spmem:s1] =	stream.indirect.scatter.add.f32 [tilespmem:s3], [sflag:$0x1], $0x1, s26, s5, $0xb8;
	[tilespmem:$0x58F8] =	vst v63  }
0x2d: {  	_ =	swait.ge [sflag:s4], $0x400  }
0x2e: {  	[sflag:s4] =	ssyncset.done $0x0  }
0x2f: {  	s12 =	simm.s32 $0xC00;
	[sflag:s4] =	ssyncadd.s32 $0xFFFFFC00  }
0x30: {  	[spmem:s1] =	stream.indirect.scatter.add.f32 [tilespmem:s3], [sflag:$0x1], $0x1, s12, s5, $0xb8;
	[tilespmem:$0x58F8] =	vst v63  }
0x31: {  	_ =	swait.ge [sflag:s4], $0x400  }
0x32: {  	[sflag:s4] =	ssyncset.done $0x0  }
0x33: {  	s13 =	simm.s32 $0x1000;
	[sflag:s4] =	ssyncadd.s32 $0xFFFFFC00  }
0x34: {  	[spmem:s1] =	stream.indirect.scatter.add.f32 [tilespmem:s3], [sflag:$0x1], $0x1, s13, s5, $0xb8;
	[tilespmem:$0x58F8] =	vst v63  }
0x35: {  	_ =	swait.ge [sflag:s4], $0x400  }
0x36: {  	[sflag:s4] =	ssyncset.done $0x0  }
0x37: {  	s14 =	simm.s32 $0x1400;
	[sflag:s4] =	ssyncadd.s32 $0xFFFFFC00  }
0x38: {  	[spmem:s1] =	stream.indirect.scatter.add.f32 [tilespmem:s3], [sflag:$0x1], $0x1, s14, s5, $0xb8;
	[tilespmem:$0x58F8] =	vst v63  }
0x39: {  	_ =	swait.ge [sflag:s4], $0x400  }
0x3a: {  	[sflag:s4] =	ssyncset.done $0x0  }
0x3b: {  	s15 =	simm.s32 $0x1800;
	[sflag:s4] =	ssyncadd.s32 $0xFFFFFC00  }
0x3c: {  	[spmem:s1] =	stream.indirect.scatter.add.f32 [tilespmem:s3], [sflag:$0x1], $0x1, s15, s5, $0xb8;
	[tilespmem:$0x58F8] =	vst v63  }
0x3d: {  	_ =	swait.ge [sflag:s4], $0x400  }
0x3e: {  	[sflag:s4] =	ssyncset.done $0x0  }
0x3f: {  	s16 =	simm.s32 $0x1C00;
	[sflag:s4] =	ssyncadd.s32 $0xFFFFFC00  }
0x40: {  	[spmem:s1] =	stream.indirect.scatter.add.f32 [tilespmem:s3], [sflag:$0x1], $0x1, s16, s5, $0xb8;
	[tilespmem:$0x58F8] =	vst v63  }
0x41: {  	_ =	swait.ge [sflag:s4], $0x400  }
0x42: {  	[sflag:s4] =	ssyncset.done $0x0  }
0x43: {  	s17 =	simm.s32 $0x2000;
	[sflag:s4] =	ssyncadd.s32 $0xFFFFFC00  }
0x44: {  	[spmem:s1] =	stream.indirect.scatter.add.f32 [tilespmem:s3], [sflag:$0x1], $0x1, s17, s5, $0xb8;
	[tilespmem:$0x58F8] =	vst v63  }
0x45: {  	_ =	swait.ge [sflag:s4], $0x400  }
0x46: {  	[sflag:s4] =	ssyncset.done $0x0  }
0x47: {  	s18 =	simm.s32 $0x2400;
	[sflag:s4] =	ssyncadd.s32 $0xFFFFFC00  }
0x48: {  	[spmem:s1] =	stream.indirect.scatter.add.f32 [tilespmem:s3], [sflag:$0x1], $0x1, s18, s5, $0xb8;
	[tilespmem:$0x58F8] =	vst v63  }
0x49: {  	_ =	swait.ge [sflag:s4], $0x400  }
0x4a: {  	[sflag:s4] =	ssyncset.done $0x0  }
0x4b: {  	s19 =	simm.s32 $0x2800;
	[sflag:s4] =	ssyncadd.s32 $0xFFFFFC00  }
0x4c: {  	[spmem:s1] =	stream.indirect.scatter.add.f32 [tilespmem:s3], [sflag:$0x1], $0x1, s19, s5, $0xb8;
	[tilespmem:$0x58F8] =	vst v63  }
0x4d: {  	_ =	swait.ge [sflag:s4], $0x400  }
0x4e: {  	[sflag:s4] =	ssyncset.done $0x0  }
0x4f: {  	s20 =	simm.s32 $0x2C00;
	[sflag:s4] =	ssyncadd.s32 $0xFFFFFC00  }
0x50: {  	[spmem:s1] =	stream.indirect.scatter.add.f32 [tilespmem:s3], [sflag:$0x1], $0x1, s20, s5, $0xb8;
	[tilespmem:$0x58F8] =	vst v63  }
0x51: {  	_ =	swait.ge [sflag:s4], $0x400  }
0x52: {  	[sflag:s4] =	ssyncset.done $0x0  }
0x53: {  	s21 =	simm.s32 $0x3000;
	[sflag:s4] =	ssyncadd.s32 $0xFFFFFC00  }
0x54: {  	[spmem:s1] =	stream.indirect.scatter.add.f32 [tilespmem:s3], [sflag:$0x1], $0x1, s21, s5, $0xb8;
	[tilespmem:$0x58F8] =	vst v63  }
0x55: {  	_ =	swait.ge [sflag:s4], $0x400  }
0x56: {  	[sflag:s4] =	ssyncset.done $0x0  }
0x57: {  	s22 =	simm.s32 $0x3400;
	[sflag:s4] =	ssyncadd.s32 $0xFFFFFC00  }
0x58: {  	[spmem:s1] =	stream.indirect.scatter.add.f32 [tilespmem:s3], [sflag:$0x1], $0x1, s22, s5, $0xb8;
	[tilespmem:$0x58F8] =	vst v63  }
0x59: {  	_ =	swait.ge [sflag:s4], $0x400  }
0x5a: {  	[sflag:s4] =	ssyncset.done $0x0  }
0x5b: {  	s23 =	simm.s32 $0x3800;
	[sflag:s4] =	ssyncadd.s32 $0xFFFFFC00  }
0x5c: {  	[spmem:s1] =	stream.indirect.scatter.add.f32 [tilespmem:s3], [sflag:$0x1], $0x1, s23, s5, $0xb8;
	[tilespmem:$0x58F8] =	vst v63  }
0x5d: {  	_ =	swait.ge [sflag:s4], $0x400  }
0x5e: {  	[sflag:s4] =	ssyncset.done $0x0  }
0x5f: {  	s24 =	simm.s32 $0x3C00;
	[sflag:s4] =	ssyncadd.s32 $0xFFFFFC00  }
0x60: {  	[spmem:s1] =	stream.indirect.scatter.add.f32 [tilespmem:s3], [sflag:$0x1], $0x1, s24, s5, $0xb8;
	[tilespmem:$0x58F8] =	vst v63  }
0x61: {  	_ =	swait.ge [sflag:s4], $0x400  }
0x62: {  	[sflag:s4] =	ssyncset.done $0x0  }
0x63: {  	s25 =	simm.s32 $0x4000;
	[sflag:s4] =	ssyncadd.s32 $0xFFFFFC00  }
0x64: {  	[spmem:s1] =	stream.indirect.scatter.add.f32 [tilespmem:s3], [sflag:$0x1], $0x1, s25, s5, $0xb8;
	[tilespmem:$0x58F8] =	vst v63  }
0x65: {  	_ =	swait.ge [sflag:s4], $0x400  }
0x66: {  	[sflag:s4] =	ssyncset.done $0x0  }
0x67: {  	s26 =	simm.s32 $0x4400;
	[sflag:s4] =	ssyncadd.s32 $0xFFFFFC00  }
0x68: {  	[spmem:s1] =	stream.indirect.scatter.add.f32 [tilespmem:s3], [sflag:$0x1], $0x1, s26, s5, $0xb8;
	[tilespmem:$0x58F8] =	vst v63  }
0x69: {  	_ =	swait.ge [sflag:s4], $0x400  }
0x6a: {  	[sflag:s4] =	ssyncset.done $0x0  }
0x6b: {  	s28 =	simm.s32 $0x4800;
	[sflag:s4] =	ssyncadd.s32 $0xFFFFFC00  }
0x6c: {  	[spmem:s1] =	stream.indirect.scatter.add.f32 [tilespmem:s3], [sflag:$0x1], $0x1, s28, s5, $0xb8;
	[tilespmem:$0x58F8] =	vst v63  }
0x6d: {  	_ =	swait.ge [sflag:s4], $0x400  }
0x6e: {  	[sflag:s4] =	ssyncset.done $0x0  }
0x6f: {  	s29 =	simm.s32 $0x4C00;
	[sflag:s4] =	ssyncadd.s32 $0xFFFFFC00  }
0x70: {  	[spmem:s1] =	stream.indirect.scatter.add.f32 [tilespmem:s3], [sflag:$0x1], $0x1, s29, s5, $0xb8;
	[tilespmem:$0x58F8] =	vst v63  }
0x71: {  	_ =	swait.ge [sflag:s4], $0x400  }
0x72: {  	[sflag:s4] =	ssyncset.done $0x0  }
0x73: {  	[sflag:s4] =	ssyncadd.s32 $0xFFFFFC00  }
0x74: {  	[bflag:$0x0] =	sbarrier.arrive $0xFFFF  }
0x75: {  	[tilespmem:s6], [sflag:$0x1] =	stream.linear.gather [spmem:s7], $0x270, $0x38;
	[tilespmem:$0x58F8] =	vst v63  }
0x76: {  	_ =	swait.ge [sflag:s4], $0x270  }
0x77: {  	[sflag:s4] =	ssyncset.done $0x0  }
0x78: {  	s31 =	rddreg [dreg:$0x6];
	[sflag:s4] =	ssyncadd.s32 $0xFFFFFD90  }
0x79: {  	[hbm4b:s31+s2] =	stream.linear.scatter [tilespmem:s6], [sflag:$0x1], $0x270, $0x38;
	[tilespmem:$0x58F8] =	vst v63  }
0x7a: {  	_ =	swait.ge [sflag:s4], $0x270  }
0x7b: {  	[sflag:s4] =	ssyncset.done $0x0  }
0x7c: {  	s30 =	ssub.s32 $0x2, s30;
	[sflag:s4] =	ssyncadd.s32 $0xFFFFFD90  }
0x7d: {  	[tilespmem:s10], [sflag:$0x1] =	stream.linear.gather @!p0 [spmem:s9], $0x10, $0x38;
	[tilespmem:$0x58F8] =	vst v63  }
0x7e: {  	s11 =	sshrl.u32 s30, $0x1;
	_ =	swait.ge @!p0 [sflag:s8], $0x10  }
0x7f: {  	s0 =	ssub.s32 s30, s11;
	s30 =	simm.s32 @!p0 $0x0;
	[sflag:s8] =	ssyncset.done @!p0 $0x0  }
0x80: {  	s0 =	smax.u32 s0, $0x1;
	s31 =	rddreg [dreg:$0x7];
	[sflag:s8] =	ssyncadd.s32 @!p0 $0xFFFFFFF0  }
0x81: {  	[hbm4b:s31+s30] =	stream.linear.scatter @!p0 [tilespmem:s10], [sflag:$0x1], $0x10, $0x38;
	[tilespmem:$0x58F8] =	vst v63  }
0x82: {  	s31 =	sadd.s32 $0xFFFFFFFF, s0  }
0x83: {  	p1 =	sne.s32 s31, $0x0  }
.Ltmp0:
0x84: {  	_ = 	snop;
	(pc) =	sbr.rel @!p1 .LBB2_2-.Ltmp0, $2  }
0x85: {  	_ =	sdelay $0x2  }
0x86: {  	_ =	swait.ge @!p0 [sflag:s8], $0x10  }
.LBB2_1:
0x87: {  	[sflag:s8] =	ssyncset.done @!p0 $0x0  }
0x88: {  	s0 =	rddreg [dreg:$0x3];
	[sflag:s8] =	ssyncadd.s32 @!p0 $0xFFFFFFF0  }
0x89: {  	[tilespmem:s3], [sflag:$0x1] =	stream.linear.gather [hbm4b:s0+s2], $0x400, $0x38;
	[tilespmem:$0x58F8] =	vst v63  }
0x8a: {  	_ =	swait.ge [sflag:s4], $0x400  }
0x8b: {  	[sflag:s4] =	ssyncset.done $0x0;
	s0 =	rddreg [dreg:$0x8]  }
0x8c: {  	s11 =	rddreg [dreg:$0x5];
	[sflag:s4] =	ssyncadd.s32 $0xFFFFFC00  }
0x8d: {  	[tilespmem:s2], [sflag:$0x1] =	stream.strided.gather [hbm4b:s11+s0], $0x5000, s5, s0, $0x38;
	[tilespmem:$0x58F8] =	vst v63  }
0x8e: {  	_ =	swait.ge [sflag:s4], $0x5000  }
0x8f: {  	[sflag:s4] =	ssyncset.done $0x0  }
0x90: {  	s11 =	rddreg [dreg:$0x4];
	[sflag:s4] =	ssyncadd.s32 $0xFFFFB000  }
0x91: {  	[tilespmem:s6], [sflag:$0x1] =	stream.linear.gather [hbm4b:s11+s2], $0x280, $0x38;
	[tilespmem:$0x58F8] =	vst v63  }
0x92: {  	_ =	swait.ge [sflag:s4], $0x280  }
0x93: {  	[sflag:s4] =	ssyncset.done $0x0  }
0x94: {  	[sflag:s4] =	ssyncadd.s32 $0xFFFFFD80  }
0x95: {  	[spmem:s7] =	stream.linear.scatter [tilespmem:s6], [sflag:$0x1], $0x270, $0x38;
	[tilespmem:$0x58F8] =	vst v63  }
0x96: {  	_ =	swait.ge [sflag:s4], $0x270  }
0x97: {  	[sflag:s4] =	ssyncset.done $0x0  }
0x98: {  	[sflag:s4] =	ssyncadd.s32 $0xFFFFFD90  }
0x99: {  	[spmem:s9] =	stream.linear.scatter @!p0 [tilespmem:s10], [sflag:$0x1], $0x20, $0x38;
	[tilespmem:$0x58F8] =	vst v63  }
0x9a: {  	_ =	swait.ge @!p0 [sflag:s8], $0x20  }
0x9b: {  	[sflag:s8] =	ssyncset.done @!p0 $0x0  }
0x9c: {  	[sflag:s8] =	ssyncadd.s32 @!p0 $0xFFFFFFE0  }
0x9d: {  	[bflag:$0x0] =	sbarrier.arrive $0xFFFF  }
0x9e: {  	[spmem:s1] =	stream.indirect.scatter.add.f32 [tilespmem:s3], [sflag:$0x1], $0x1, s2, s5, $0xb8;
	[tilespmem:$0x58F8] =	vst v63  }
0x9f: {  	_ =	swait.ge [sflag:s4], $0x400  }
0xa0: {  	[sflag:s4] =	ssyncset.done $0x0  }
0xa1: {  	[sflag:s4] =	ssyncadd.s32 $0xFFFFFC00  }
0xa2: {  	[spmem:s1] =	stream.indirect.scatter.add.f32 [tilespmem:s3], [sflag:$0x1], $0x1, s5, s5, $0xb8;
	[tilespmem:$0x58F8] =	vst v63  }
0xa3: {  	_ =	swait.ge [sflag:s4], $0x400  }
0xa4: {  	[sflag:s4] =	ssyncset.done $0x0  }
0xa5: {  	s11 =	simm.s32 $0x800;
	[sflag:s4] =	ssyncadd.s32 $0xFFFFFC00  }
0xa6: {  	[spmem:s1] =	stream.indirect.scatter.add.f32 [tilespmem:s3], [sflag:$0x1], $0x1, s11, s5, $0xb8;
	[tilespmem:$0x58F8] =	vst v63  }
0xa7: {  	_ =	swait.ge [sflag:s4], $0x400  }
0xa8: {  	[sflag:s4] =	ssyncset.done $0x0  }
0xa9: {  	[sflag:s4] =	ssyncadd.s32 $0xFFFFFC00  }
0xaa: {  	[spmem:s1] =	stream.indirect.scatter.add.f32 [tilespmem:s3], [sflag:$0x1], $0x1, s12, s5, $0xb8;
	[tilespmem:$0x58F8] =	vst v63  }
0xab: {  	_ =	swait.ge [sflag:s4], $0x400  }
0xac: {  	[sflag:s4] =	ssyncset.done $0x0  }
0xad: {  	[sflag:s4] =	ssyncadd.s32 $0xFFFFFC00  }
0xae: {  	[spmem:s1] =	stream.indirect.scatter.add.f32 [tilespmem:s3], [sflag:$0x1], $0x1, s13, s5, $0xb8;
	[tilespmem:$0x58F8] =	vst v63  }
0xaf: {  	_ =	swait.ge [sflag:s4], $0x400  }
0xb0: {  	[sflag:s4] =	ssyncset.done $0x0  }
0xb1: {  	[sflag:s4] =	ssyncadd.s32 $0xFFFFFC00  }
0xb2: {  	[spmem:s1] =	stream.indirect.scatter.add.f32 [tilespmem:s3], [sflag:$0x1], $0x1, s14, s5, $0xb8;
	[tilespmem:$0x58F8] =	vst v63  }
0xb3: {  	_ =	swait.ge [sflag:s4], $0x400  }
0xb4: {  	[sflag:s4] =	ssyncset.done $0x0  }
0xb5: {  	[sflag:s4] =	ssyncadd.s32 $0xFFFFFC00  }
0xb6: {  	[spmem:s1] =	stream.indirect.scatter.add.f32 [tilespmem:s3], [sflag:$0x1], $0x1, s15, s5, $0xb8;
	[tilespmem:$0x58F8] =	vst v63  }
0xb7: {  	_ =	swait.ge [sflag:s4], $0x400  }
0xb8: {  	[sflag:s4] =	ssyncset.done $0x0  }
0xb9: {  	[sflag:s4] =	ssyncadd.s32 $0xFFFFFC00  }
0xba: {  	[spmem:s1] =	stream.indirect.scatter.add.f32 [tilespmem:s3], [sflag:$0x1], $0x1, s16, s5, $0xb8;
	[tilespmem:$0x58F8] =	vst v63  }
0xbb: {  	_ =	swait.ge [sflag:s4], $0x400  }
0xbc: {  	[sflag:s4] =	ssyncset.done $0x0  }
0xbd: {  	[sflag:s4] =	ssyncadd.s32 $0xFFFFFC00  }
0xbe: {  	[spmem:s1] =	stream.indirect.scatter.add.f32 [tilespmem:s3], [sflag:$0x1], $0x1, s17, s5, $0xb8;
	[tilespmem:$0x58F8] =	vst v63  }
0xbf: {  	_ =	swait.ge [sflag:s4], $0x400  }
0xc0: {  	[sflag:s4] =	ssyncset.done $0x0  }
0xc1: {  	[sflag:s4] =	ssyncadd.s32 $0xFFFFFC00  }
0xc2: {  	[spmem:s1] =	stream.indirect.scatter.add.f32 [tilespmem:s3], [sflag:$0x1], $0x1, s18, s5, $0xb8;
	[tilespmem:$0x58F8] =	vst v63  }
0xc3: {  	_ =	swait.ge [sflag:s4], $0x400  }
0xc4: {  	[sflag:s4] =	ssyncset.done $0x0  }
0xc5: {  	[sflag:s4] =	ssyncadd.s32 $0xFFFFFC00  }
0xc6: {  	[spmem:s1] =	stream.indirect.scatter.add.f32 [tilespmem:s3], [sflag:$0x1], $0x1, s19, s5, $0xb8;
	[tilespmem:$0x58F8] =	vst v63  }
0xc7: {  	_ =	swait.ge [sflag:s4], $0x400  }
0xc8: {  	[sflag:s4] =	ssyncset.done $0x0  }
0xc9: {  	[sflag:s4] =	ssyncadd.s32 $0xFFFFFC00  }
0xca: {  	[spmem:s1] =	stream.indirect.scatter.add.f32 [tilespmem:s3], [sflag:$0x1], $0x1, s20, s5, $0xb8;
	[tilespmem:$0x58F8] =	vst v63  }
0xcb: {  	_ =	swait.ge [sflag:s4], $0x400  }
0xcc: {  	[sflag:s4] =	ssyncset.done $0x0  }
0xcd: {  	[sflag:s4] =	ssyncadd.s32 $0xFFFFFC00  }
0xce: {  	[spmem:s1] =	stream.indirect.scatter.add.f32 [tilespmem:s3], [sflag:$0x1], $0x1, s21, s5, $0xb8;
	[tilespmem:$0x58F8] =	vst v63  }
0xcf: {  	_ =	swait.ge [sflag:s4], $0x400  }
0xd0: {  	[sflag:s4] =	ssyncset.done $0x0  }
0xd1: {  	[sflag:s4] =	ssyncadd.s32 $0xFFFFFC00  }
0xd2: {  	[spmem:s1] =	stream.indirect.scatter.add.f32 [tilespmem:s3], [sflag:$0x1], $0x1, s22, s5, $0xb8;
	[tilespmem:$0x58F8] =	vst v63  }
0xd3: {  	_ =	swait.ge [sflag:s4], $0x400  }
0xd4: {  	[sflag:s4] =	ssyncset.done $0x0  }
0xd5: {  	[sflag:s4] =	ssyncadd.s32 $0xFFFFFC00  }
0xd6: {  	[spmem:s1] =	stream.indirect.scatter.add.f32 [tilespmem:s3], [sflag:$0x1], $0x1, s23, s5, $0xb8;
	[tilespmem:$0x58F8] =	vst v63  }
0xd7: {  	_ =	swait.ge [sflag:s4], $0x400  }
0xd8: {  	[sflag:s4] =	ssyncset.done $0x0  }
0xd9: {  	[sflag:s4] =	ssyncadd.s32 $0xFFFFFC00  }
0xda: {  	[spmem:s1] =	stream.indirect.scatter.add.f32 [tilespmem:s3], [sflag:$0x1], $0x1, s24, s5, $0xb8;
	[tilespmem:$0x58F8] =	vst v63  }
0xdb: {  	_ =	swait.ge [sflag:s4], $0x400  }
0xdc: {  	[sflag:s4] =	ssyncset.done $0x0  }
0xdd: {  	[sflag:s4] =	ssyncadd.s32 $0xFFFFFC00  }
0xde: {  	[spmem:s1] =	stream.indirect.scatter.add.f32 [tilespmem:s3], [sflag:$0x1], $0x1, s25, s5, $0xb8;
	[tilespmem:$0x58F8] =	vst v63  }
0xdf: {  	_ =	swait.ge [sflag:s4], $0x400  }
0xe0: {  	[sflag:s4] =	ssyncset.done $0x0  }
0xe1: {  	[sflag:s4] =	ssyncadd.s32 $0xFFFFFC00  }
0xe2: {  	[spmem:s1] =	stream.indirect.scatter.add.f32 [tilespmem:s3], [sflag:$0x1], $0x1, s26, s5, $0xb8;
	[tilespmem:$0x58F8] =	vst v63  }
0xe3: {  	_ =	swait.ge [sflag:s4], $0x400  }
0xe4: {  	[sflag:s4] =	ssyncset.done $0x0  }
0xe5: {  	[sflag:s4] =	ssyncadd.s32 $0xFFFFFC00  }
0xe6: {  	[spmem:s1] =	stream.indirect.scatter.add.f32 [tilespmem:s3], [sflag:$0x1], $0x1, s28, s5, $0xb8;
	[tilespmem:$0x58F8] =	vst v63  }
0xe7: {  	_ =	swait.ge [sflag:s4], $0x400  }
0xe8: {  	[sflag:s4] =	ssyncset.done $0x0  }
0xe9: {  	[sflag:s4] =	ssyncadd.s32 $0xFFFFFC00  }
0xea: {  	[spmem:s1] =	stream.indirect.scatter.add.f32 [tilespmem:s3], [sflag:$0x1], $0x1, s29, s5, $0xb8;
	[tilespmem:$0x58F8] =	vst v63  }
0xeb: {  	_ =	swait.ge [sflag:s4], $0x400  }
0xec: {  	[sflag:s4] =	ssyncset.done $0x0  }
0xed: {  	[sflag:s4] =	ssyncadd.s32 $0xFFFFFC00  }
0xee: {  	[bflag:$0x0] =	sbarrier.arrive $0xFFFF  }
0xef: {  	[tilespmem:s6], [sflag:$0x1] =	stream.linear.gather [spmem:s7], $0x270, $0x38;
	[tilespmem:$0x58F8] =	vst v63  }
0xf0: {  	_ =	swait.ge [sflag:s4], $0x270  }
0xf1: {  	[sflag:s4] =	ssyncset.done $0x0  }
0xf2: {  	s11 =	rddreg [dreg:$0x6];
	[sflag:s4] =	ssyncadd.s32 $0xFFFFFD90  }
0xf3: {  	[hbm4b:s11+s2] =	stream.linear.scatter [tilespmem:s6], [sflag:$0x1], $0x270, $0x38;
	[tilespmem:$0x58F8] =	vst v63  }
0xf4: {  	_ =	swait.ge [sflag:s4], $0x270  }
0xf5: {  	s31 =	sadd.s32 $0xFFFFFFFF, s31;
	[sflag:s4] =	ssyncset.done $0x0  }
0xf6: {  	p1 =	sne.s32 s31, $0x0;
	[sflag:s4] =	ssyncadd.s32 $0xFFFFFD90  }
0xf7: {  	[tilespmem:s10], [sflag:$0x1] =	stream.linear.gather @!p0 [spmem:s9], $0x10, $0x38;
	[tilespmem:$0x58F8] =	vst v63  }
.Ltmp1:
0xf8: {  	_ =	swait.ge @!p0 [sflag:s8], $0x10;
	(pc) =	sbr.rel @p1 .LBB2_1-.Ltmp1, $4  }
0xf9: {  	[sflag:s8] =	ssyncset.done @!p0 $0x0  }
0xfa: {  	s0 =	rddreg [dreg:$0x7];
	[sflag:s8] =	ssyncadd.s32 @!p0 $0xFFFFFFF0  }
0xfb: {  	[hbm4b:s0+s30] =	stream.linear.scatter @!p0 [tilespmem:s10], [sflag:$0x1], $0x10, $0x38;
	[tilespmem:$0x58F8] =	vst v63  }
0xfc: {  	_ =	swait.ge @!p0 [sflag:s8], $0x10  }
.LBB2_2:
0xfd: {  	[sflag:s8] =	ssyncset.done @!p0 $0x0  }
0xfe: {  	[sflag:s8] =	ssyncadd.s32 @!p0 $0xFFFFFFF0  }
0xff: {  	_ =	sfence.sel $0x180000  }
0x100: {  	[bflag:$0x0] =	sbarrier.arrive $0xFFFF  }
0x101: {  	_ =	strace $0x90000047  }
0x102: {  	[bflag:$0x2] =	sbarrier.arrive $0xFFFF  }
0x103: {  	s0 =	rddreg [dreg:$0x2]  }
0x104: {  	s0 =	sadd.s32 @!p0 $0x100000, s0  }
0x105: {  	[sflag:s0] =	ssyncadd.tile.s32 @!p0 $0x1;
	_ =	shalt  }
.Lfunc_end2:
_tile_overlayer_lowered:
.L_overlay_start_2:
0x106: {  	(tag) =	ssettag $0x2  }
0x107: {  	s0 =	rddreg [dreg:$0x0];
	s2 =	stileid.u32  }
0x108: {  	s1 =	rddreg [dreg:$0x1];
	p0 =	sne.s32 s2, $0x0  }
0x109: {  	s3 =	rddreg [dreg:$0x2];
	[bflag:$0x3] =	sbarrier.arrive $0xFFFF;
	s2 =	simm.s32 @!p0 $0x1C01  }
0x10a: {  	[timem:s3], [sflag:s2] =	dma.local @!p0 [hbm:s0], s1  }
0x10b: {  	s0 =	simm.s32 @!p0 $0x1  }
0x10c: {  	_ =	swait.ge @!p0 [sflag:s0], s1  }
0x10d: {  	s1 =	ssub.s32 @!p0 $0x0, s1;
	[sflag:s0] =	ssyncset.done @!p0 $0x0  }
0x10e: {  	[sflag:s0] =	ssyncadd.s32 @!p0 s1  }
0x10f: {  	[bflag:$0x3] =	sbarrier.arrive $0xFFFF  }
0x110: {  	_ =	shalt  }

</sc_bundles>
